<compile_context>
chip_gen: v7x
topology: tpu7x:2x2x1
jax: 0.10.2.dev20260603
libtpu: 0.0.44.dev20260713+nightly
codegen_flags: <defaults>
</compile_context>

<pallas_src>
import functools

import jax
import jax.numpy as jnp
from jax import lax
from jax.experimental import pallas as pl
from jax.experimental.pallas import tpu as pltpu
from jax.experimental.pallas import tpu_sc as plsc

_NC = 2
_NS = 16
_NW = _NC * _NS
_CH = 128


def _make_sc_segsum(F, Np, n_chunks, with_counts=False):
    rpt = Np // _NS
    base = n_chunks // _NW
    rem = n_chunks - base * _NW
    kpre = base + (1 if rem else 0)
    ni = base // 3
    leftover = base - ni * 3
    CR = ((Np // 16 + _CH - 1) // _CH) * _CH
    mesh = plsc.VectorSubcoreMesh(core_axis_name="c", subcore_axis_name="s")

    cnt_out = ([jax.ShapeDtypeStruct((_NC * CR, 16), jnp.float32)]
               if with_counts else [])
    cnt_scratch = ([pltpu.VMEM((CR, 16), jnp.float32),
                    pltpu.VMEM((CR // _CH, _CH), jnp.int32),
                    pltpu.VMEM((CR // _NS, 16), jnp.float32),
                    pltpu.VMEM_SHARED((CR, 16), jnp.float32)]
                   if with_counts else [])

    @functools.partial(
        pl.kernel,
        out_type=[jax.ShapeDtypeStruct((_NC * Np, F), jnp.float32)] + cnt_out,
        mesh=mesh,
        scratch_types=[
            pltpu.VMEM((kpre, _CH), jnp.int32),
            pltpu.VMEM((kpre, _CH), jnp.int32),
            pltpu.VMEM((_CH, F), jnp.float32),
            pltpu.VMEM((_CH, F), jnp.float32),
            pltpu.VMEM((_CH, F), jnp.float32),
            pltpu.VMEM((rpt, F), jnp.float32),
            pltpu.VMEM_SHARED((Np, F), jnp.float32),
        ] + cnt_scratch + [
            pltpu.SemaphoreType.DMA,
            pltpu.SemaphoreType.DMA,
            pltpu.SemaphoreType.DMA,
            pltpu.SemaphoreType.DMA,
            pltpu.SemaphoreType.DMA,
            pltpu.SemaphoreType.DMA,
        ],
        compiler_params=pltpu.CompilerParams(use_tc_tiling_on_sc=False, needs_layout_passes=False),
    )
    def k(table_hbm, src_hbm, dst_hbm, *rest):
        if with_counts:
            (out_hbm, cnt_hbm, sidx_v, didx_v, rows0, rows1, rows2, buf_v,
             acc_sh, hist_v, iota_v, cbuf_v, accC_sh,
             g0, g1, g2, s0, s1, s2) = rest
        else:
            (out_hbm, sidx_v, didx_v, rows0, rows1, rows2, buf_v, acc_sh,
             g0, g1, g2, s0, s1, s2) = rest
        cid = lax.axis_index("c")
        sid = lax.axis_index("s")
        wid = sid * _NC + cid
        has_extra = wid >= _NW - rem
        row0 = wid * base + jnp.maximum(wid - (_NW - rem), 0)

        rows = (rows0, rows1, rows2)
        gsem = (g0, g1, g2)
        ssem = (s0, s1, s2)

        def gather_start(c, b):
            pltpu.async_copy(table_hbm.at[sidx_v.at[c]], rows[b], gsem[b])

        def gather_wait(c, b):
            pltpu.make_async_copy(table_hbm.at[sidx_v.at[c]], rows[b],
                                  gsem[b]).wait()

        def scatter_start(c, b):
            pltpu.async_copy(rows[b], acc_sh.at[didx_v.at[c]], ssem[b],
                             add=True)

        def scatter_wait(c, b):
            pltpu.make_async_copy(rows[b], acc_sh.at[didx_v.at[c]],
                                  ssem[b]).wait()

        with jax.named_scope("idx_preload"):
            pltpu.sync_copy(src_hbm.at[pl.ds(row0, kpre)], sidx_v)
            pltpu.sync_copy(dst_hbm.at[pl.ds(row0, kpre)], didx_v)

        with jax.named_scope("acc_init"):
            @pl.loop(0, rpt)
            def _(r):
                for c in range(F // 16):
                    buf_v[r, pl.ds(c * 16, 16)] = jnp.zeros((16,), jnp.float32)
            pltpu.sync_copy(buf_v, acc_sh.at[pl.ds(sid * rpt, rpt)])
            if with_counts:
                crt = CR // _NS
                @pl.loop(0, CR)
                def _(r):
                    hist_v[r, :] = jnp.zeros((16,), jnp.float32)
                pltpu.sync_copy(hist_v.at[pl.ds(0, crt)],
                                accC_sh.at[pl.ds(sid * crt, crt)])
                for j in range(CR // _CH):
                    for g in range(_CH // 16):
                        iota_v[j, pl.ds(g * 16, 16)] = (
                            lax.iota(jnp.int32, 16) + (j * _CH + g * 16))
            plsc.subcore_barrier()

        ones16 = jnp.ones((16,), jnp.float32)

        def hchunk(c):
            if with_counts:
                for g in range(_CH // 16):
                    d = didx_v[c, pl.ds(g * 16, 16)]
                    plsc.addupdate_scatter(hist_v, [d >> 4, d & 15], ones16)

        with jax.named_scope("edge_loop"):
            gather_start(0, 0)
            gather_start(1, 1)

            def body(i):
                c = 3 * i

                @pl.when(i > 0)
                def _():
                    scatter_wait(c - 1, 2)

                gather_start(c + 2, 2)
                gather_wait(c, 0)
                scatter_start(c, 0)
                hchunk(c)
                gather_wait(c + 1, 1)
                scatter_start(c + 1, 1)
                hchunk(c + 1)
                scatter_wait(c, 0)

                @pl.when(i < ni - 1)
                def _():
                    gather_start(c + 3, 0)

                gather_wait(c + 2, 2)
                scatter_start(c + 2, 2)
                hchunk(c + 2)
                scatter_wait(c + 1, 1)

                @pl.when(i < ni - 1)
                def _():
                    gather_start(c + 4, 1)

            pl.loop(0, ni)(body)
            scatter_wait(3 * ni - 1, 2)

            for t in range(leftover):
                gather_start(3 * ni + t, 0)
                gather_wait(3 * ni + t, 0)
                scatter_start(3 * ni + t, 0)
                hchunk(3 * ni + t)
                scatter_wait(3 * ni + t, 0)

            if rem:
                @pl.when(has_extra)
                def _():
                    gather_start(base, 0)
                    gather_wait(base, 0)
                    scatter_start(base, 0)
                    hchunk(base)
                    scatter_wait(base, 0)

            if with_counts:
                for j in range(CR // _CH):
                    pltpu.sync_copy(hist_v.at[pl.ds(j * _CH, _CH)],
                                    accC_sh.at[iota_v.at[j]], add=True)

            plsc.subcore_barrier()

        with jax.named_scope("writeout"):
            pltpu.sync_copy(acc_sh.at[pl.ds(sid * rpt, rpt)], buf_v)
            pltpu.sync_copy(buf_v,
                            out_hbm.at[pl.ds(cid * Np + sid * rpt, rpt)])
            if with_counts:
                crt = CR // _NS
                pltpu.sync_copy(accC_sh.at[pl.ds(sid * crt, crt)], cbuf_v)
                pltpu.sync_copy(cbuf_v,
                                cnt_hbm.at[pl.ds(cid * CR + sid * crt, crt)])

    return k


def _tc1(x, W1l, W1r):
    N, D = x.shape
    H = W1l.shape[0]

    def body(x_ref, wl_ref, wr_ref, y_ref, r_ref):
        xb = x_ref[...]
        y_ref[...] = lax.dot_general(xb, wl_ref[...], (((1,), (1,)), ((), ())),
                                     preferred_element_type=jnp.float32)
        r_ref[...] = lax.dot_general(xb, wr_ref[...], (((1,), (1,)), ((), ())),
                                     preferred_element_type=jnp.float32)

    return pl.pallas_call(
        body,
        out_shape=[jax.ShapeDtypeStruct((N, H), jnp.float32),
                   jax.ShapeDtypeStruct((N, H), jnp.float32)],
    )(x, W1l, W1r)


def _tc2(part1, cnt_col, r1, b1l, W2l, W2r, b2l, N, Np):
    H = r1.shape[1]
    O = W2l.shape[0]

    def body(p_ref, c_ref, r1_ref, b1l_ref, wl_ref, wr_ref, b2l_ref,
             y2_ref, r2_ref, icnt_ref):
        p = p_ref[:N] + p_ref[Np:Np + N]
        icnt = 1.0 / jnp.maximum(c_ref[...], 1.0)
        h = jnp.maximum(p * icnt + b1l_ref[...] + r1_ref[...], 0.0)
        y2_ref[...] = lax.dot_general(h, wl_ref[...], (((1,), (1,)), ((), ())),
                                      preferred_element_type=jnp.float32)
        r2_ref[...] = lax.dot_general(h, wr_ref[...], (((1,), (1,)), ((), ())),
                                      preferred_element_type=jnp.float32) \
            + b2l_ref[...]
        icnt_ref[...] = jnp.broadcast_to(icnt, (N, O))

    return pl.pallas_call(
        body,
        out_shape=[jax.ShapeDtypeStruct((N, O), jnp.float32),
                   jax.ShapeDtypeStruct((N, O), jnp.float32),
                   jax.ShapeDtypeStruct((N, O), jnp.float32)],
    )(part1, cnt_col, r1, b1l, W2l, W2r, b2l)


def _tc3(part2, icnt, r2f, N, Np):
    O = icnt.shape[1]

    def body(p_ref, cnt_ref, r2_ref, o_ref):
        o_ref[...] = (p_ref[:N] + p_ref[Np:Np + N]) * cnt_ref[...] + r2_ref[...]

    return pl.pallas_call(
        body,
        out_shape=jax.ShapeDtypeStruct((N, O), jnp.float32),
    )(part2, icnt, r2f)


def kernel(x, edge_index, W1l, b1l, W1r, W2l, b2l, W2r):
    N, D = x.shape
    E = edge_index.shape[1]
    H = W1l.shape[0]
    O = W2l.shape[0]
    F1 = H + 16
    Np = ((N + 8 * _NS - 1) // (8 * _NS)) * (8 * _NS)

    n_chunks = E // _CH
    src = edge_index[0].reshape(n_chunks, _CH)
    dst = edge_index[1].reshape(n_chunks, _CH)

    y1, r1 = _tc1(x, W1l, W1r)
    part1, cntp = _make_sc_segsum(H, Np, n_chunks, with_counts=True)(
        y1, src, dst)
    CR = cntp.shape[0] // _NC
    cnt_col = (cntp[:CR] + cntp[CR:]).reshape(-1)[:N].reshape(N, 1)
    y2, r2f, icnt = _tc2(part1, cnt_col, r1, b1l.reshape(1, H),
                         W2l, W2r, b2l.reshape(1, O), N, Np)
    part2, = _make_sc_segsum(O, Np, n_chunks)(y2, src, dst)
    return _tc3(part2, icnt, r2f, N, Np)

# --- scband reference (transcript-rebuilt; emitter-appended) ---
"""Pipeline reference for scband-fraud-graph-sage-35046933135712 (READ-ONLY COPY).

The authoritative reference and input builder live on the scoring server;
editing this copy changes nothing except your own understanding.
"""

import jax, jax.numpy as jnp
import numpy as np

N = 10000
E = 320000
D = 128
H = 32
O = 16


def setup_inputs(seed: int = 0) -> dict:
    key = jax.random.key(seed)
    ks = jax.random.split(key, 8)
    x = jax.random.normal(ks[0], (N, D), dtype=jnp.float32)
    edge_index = jax.random.randint(ks[1], (2, E), 0, N, dtype=jnp.int32)
    # SAGEConv layer 1: lin_l (aggregated neighbors, with bias), lin_r (root, no bias)
    W1l = jax.random.normal(ks[2], (H, D), dtype=jnp.float32) * (1.0 / np.sqrt(D))
    b1l = jnp.zeros((H,), dtype=jnp.float32)
    W1r = jax.random.normal(ks[3], (H, D), dtype=jnp.float32) * (1.0 / np.sqrt(D))
    # SAGEConv layer 2
    W2l = jax.random.normal(ks[4], (O, H), dtype=jnp.float32) * (1.0 / np.sqrt(H))
    b2l = jnp.zeros((O,), dtype=jnp.float32)
    W2r = jax.random.normal(ks[5], (O, H), dtype=jnp.float32) * (1.0 / np.sqrt(H))
    return {"x": x, "edge_index": edge_index, "W1l": W1l, "b1l": b1l, "W1r": W1r,
            "W2l": W2l, "b2l": b2l, "W2r": W2r}


def _sage_conv(x, edge_index, Wl, bl, Wr):
    # PyG SAGEConv with mean aggregation:
    # out = lin_l(mean_{j in N(i)} x_j) + lin_r(x_i)
    src = edge_index[0]
    dst = edge_index[1]
    msgs = jnp.take(x, src, axis=0)                      # gather source features
    agg = jax.ops.segment_sum(msgs, dst, num_segments=N)  # scatter-add by dst
    cnt = jax.ops.segment_sum(jnp.ones((msgs.shape[0], 1), dtype=jnp.float32), dst, num_segments=N)
    cnt = jnp.maximum(cnt, 1.0)
    agg = agg / cnt                                       # mean aggregation
    return agg @ Wl.T + bl + x @ Wr.T


def reference(x, edge_index, W1l, b1l, W1r, W2l, b2l, W2r):
    # layer 1 + ReLU (dropout is identity in eval mode)
    h = _sage_conv(x, edge_index, W1l, b1l, W1r)
    h = jax.nn.relu(h)
    # layer 2 (no activation)
    out = _sage_conv(h, edge_index, W2l, b2l, W2r)
    return out

if __name__ == "__main__":
    import jax
    _d = setup_inputs()
    print(jax.jit(kernel)(*tuple(_d.values())))

</pallas_src>

<mosaic_0001>
#map = affine_map<(d0, d1) -> (0, 0)>
module attributes {stable_mosaic.version = 14 : i64} {
  func.func @k(%arg0: i32, %arg1: i32, %arg2: memref<10000x16xf32, #tpu.memory_space<hbm>>, %arg3: memref<2500x128xi32, #tpu.memory_space<hbm>>, %arg4: memref<2500x128xi32, #tpu.memory_space<hbm>>, %arg5: memref<20224x16xf32, #tpu.memory_space<hbm>>, %arg6: memref<79x128xi32, #tpu.memory_space<vmem>>, %arg7: memref<79x128xi32, #tpu.memory_space<vmem>>, %arg8: memref<128x16xf32, #tpu.memory_space<vmem>>, %arg9: memref<128x16xf32, #tpu.memory_space<vmem>>, %arg10: memref<128x16xf32, #tpu.memory_space<vmem>>, %arg11: memref<632x16xf32, #tpu.memory_space<vmem>>, %arg12: memref<10112x16xf32, #tpu.memory_space<vmem_shared>>, %arg13: memref<!tpu.dma_semaphore, #tpu.memory_space<semaphore_mem>>, %arg14: memref<!tpu.dma_semaphore, #tpu.memory_space<semaphore_mem>>, %arg15: memref<!tpu.dma_semaphore, #tpu.memory_space<semaphore_mem>>, %arg16: memref<!tpu.dma_semaphore, #tpu.memory_space<semaphore_mem>>, %arg17: memref<!tpu.dma_semaphore, #tpu.memory_space<semaphore_mem>>, %arg18: memref<!tpu.dma_semaphore, #tpu.memory_space<semaphore_mem>>) attributes {dimension_semantics = [#tpu.dimension_semantics<core_parallel>, #tpu.dimension_semantics<subcore_parallel>], iteration_bounds = array<i64: 2, 16>, scalar_prefetch = 0 : i64, scratch_operands = 13 : i64, tpu.core_type = #tpu.core_type<sc_vector_subcore>, window_params = [{transform_indices = #map}, {transform_indices = #map}, {transform_indices = #map}, {transform_indices = #map}]} {
    %mul3A = arith.constant 2 : i32
    %mul3A_0 = arith.muli %arg1, %mul3A : i32
    %add3A = arith.addi %mul3A_0, %arg0 : i32
    %ge3A = arith.constant 28 : i32
    %ge3A_1 = arith.cmpi sge, %add3A, %ge3A : i32
    %mul3A_2 = arith.constant 78 : i32
    %mul3A_3 = arith.muli %add3A, %mul3A_2 : i32
    %sub3A = arith.constant 28 : i32
    %sub3A_4 = arith.subi %add3A, %sub3A : i32
    %max3A = arith.constant 0 : i32
    %max3A_5 = arith.maxsi %sub3A_4, %max3A : i32
    %add3A_6 = arith.addi %mul3A_3, %max3A_5 : i32
    "tpu.trace_start"() <{level = 10 : i32, message = "idx_preload"}> : () -> ()
    "tpu.region"() ({
      %run_scoped3A = tpu.sem_alloc : memref<!tpu.dma_semaphore, #tpu.memory_space<semaphore_mem>>
      %dma_start3A_47 = arith.constant 0 : i32
      %dma_start3A_48 = tpu.memref_slice %arg3[%add3A_6, %dma_start3A_47] : memref<2500x128xi32, #tpu.memory_space<hbm>> -> memref<79x128xi32, #tpu.memory_space<hbm>>
      %dma_start3A_49 = arith.constant 0 : i32
      %dma_start3A_50 = tpu.memref_slice %arg3[%add3A_6, %dma_start3A_49] : memref<2500x128xi32, #tpu.memory_space<hbm>> -> memref<79x128xi32, #tpu.memory_space<hbm>>
      tpu.enqueue_dma source(%dma_start3A_50 : memref<79x128xi32, #tpu.memory_space<hbm>>) target(%arg6 : memref<79x128xi32, #tpu.memory_space<vmem>>) target_semaphore(%run_scoped3A : memref<!tpu.dma_semaphore, #tpu.memory_space<semaphore_mem>>)
      %dma_wait3A_51 = arith.constant 0 : i32
      %dma_wait3A_52 = tpu.memref_slice %arg3[%add3A_6, %dma_wait3A_51] : memref<2500x128xi32, #tpu.memory_space<hbm>> -> memref<79x128xi32, #tpu.memory_space<hbm>>
      %dma_wait3A_53 = arith.constant 0 : i32
      %dma_wait3A_54 = tpu.memref_slice %arg3[%add3A_6, %dma_wait3A_53] : memref<2500x128xi32, #tpu.memory_space<hbm>> -> memref<79x128xi32, #tpu.memory_space<hbm>>
      tpu.wait_dma2 semaphore(%run_scoped3A : memref<!tpu.dma_semaphore, #tpu.memory_space<semaphore_mem>>) src(%dma_wait3A_54 : memref<79x128xi32, #tpu.memory_space<hbm>>) dst(%arg6 : memref<79x128xi32, #tpu.memory_space<vmem>>)
      tpu.yield
    }) : () -> ()
    "tpu.region"() ({
      %run_scoped3A = tpu.sem_alloc : memref<!tpu.dma_semaphore, #tpu.memory_space<semaphore_mem>>
      %dma_start3A_47 = arith.constant 0 : i32
      %dma_start3A_48 = tpu.memref_slice %arg4[%add3A_6, %dma_start3A_47] : memref<2500x128xi32, #tpu.memory_space<hbm>> -> memref<79x128xi32, #tpu.memory_space<hbm>>
      %dma_start3A_49 = arith.constant 0 : i32
      %dma_start3A_50 = tpu.memref_slice %arg4[%add3A_6, %dma_start3A_49] : memref<2500x128xi32, #tpu.memory_space<hbm>> -> memref<79x128xi32, #tpu.memory_space<hbm>>
      tpu.enqueue_dma source(%dma_start3A_50 : memref<79x128xi32, #tpu.memory_space<hbm>>) target(%arg7 : memref<79x128xi32, #tpu.memory_space<vmem>>) target_semaphore(%run_scoped3A : memref<!tpu.dma_semaphore, #tpu.memory_space<semaphore_mem>>)
      %dma_wait3A_51 = arith.constant 0 : i32
      %dma_wait3A_52 = tpu.memref_slice %arg4[%add3A_6, %dma_wait3A_51] : memref<2500x128xi32, #tpu.memory_space<hbm>> -> memref<79x128xi32, #tpu.memory_space<hbm>>
      %dma_wait3A_53 = arith.constant 0 : i32
      %dma_wait3A_54 = tpu.memref_slice %arg4[%add3A_6, %dma_wait3A_53] : memref<2500x128xi32, #tpu.memory_space<hbm>> -> memref<79x128xi32, #tpu.memory_space<hbm>>
      tpu.wait_dma2 semaphore(%run_scoped3A : memref<!tpu.dma_semaphore, #tpu.memory_space<semaphore_mem>>) src(%dma_wait3A_54 : memref<79x128xi32, #tpu.memory_space<hbm>>) dst(%arg7 : memref<79x128xi32, #tpu.memory_space<vmem>>)
      tpu.yield
    }) : () -> ()
    "tpu.trace_stop"() : () -> ()
    "tpu.trace_start"() <{level = 10 : i32, message = "acc_init"}> : () -> ()
    %scan3A = arith.constant 0 : i32
    %scan3A_7 = arith.constant 632 : i32
    %scan3A_8 = arith.addi %scan3A, %scan3A_7 : i32
    %scan3A_9 = arith.constant 1 : i32
    scf.for %scan3A_47 = %scan3A to %scan3A_8 step %scan3A_9  : i32 {
      %mul3A_48 = arith.constant 1 : i32
      %mul3A_49 = arith.muli %scan3A_47, %mul3A_48 : i32
      %add3A_50 = arith.constant 0 : i32
      %add3A_51 = arith.addi %add3A_50, %mul3A_49 : i32
      %broadcast_in_dim3A_52 = arith.constant 0.000000e+00 : f32
      %broadcast_in_dim3A_53 = vector.broadcast %broadcast_in_dim3A_52 : f32 to vector<16xf32>
      %swap3A = arith.index_cast %add3A_51 : i32 to index
      %swap3A_54 = arith.constant 0 : index
      %swap3A_55 = tpu.vector_load %arg11[%swap3A, %swap3A_54] {strides = array<i32>} : memref<632x16xf32, #tpu.memory_space<vmem>>, vector<16xf32>,
      tpu.vector_store %arg11[%swap3A, %swap3A_54], %broadcast_in_dim3A_53 {strides = array<i32>} : memref<632x16xf32, #tpu.memory_space<vmem>>, vector<16xf32>,
    }
    %scan3A_10 = arith.constant 632 : i32
    %mul3A_11 = arith.constant 632 : i32
    %mul3A_12 = arith.muli %arg1, %mul3A_11 : i32
    "tpu.region"() ({
      %run_scoped3A = tpu.sem_alloc : memref<!tpu.dma_semaphore, #tpu.memory_space<semaphore_mem>>
      %dma_start3A_47 = arith.constant 0 : i32
      %dma_start3A_48 = tpu.memref_slice %arg12[%mul3A_12, %dma_start3A_47] : memref<10112x16xf32, #tpu.memory_space<vmem_shared>> -> memref<632x16xf32, #tpu.memory_space<vmem_shared>>
      %dma_start3A_49 = arith.constant 0 : i32
      %dma_start3A_50 = tpu.memref_slice %arg12[%mul3A_12, %dma_start3A_49] : memref<10112x16xf32, #tpu.memory_space<vmem_shared>> -> memref<632x16xf32, #tpu.memory_space<vmem_shared>>
      tpu.enqueue_dma source(%arg11 : memref<632x16xf32, #tpu.memory_space<vmem>>) target(%dma_start3A_50 : memref<632x16xf32, #tpu.memory_space<vmem_shared>>) target_semaphore(%run_scoped3A : memref<!tpu.dma_semaphore, #tpu.memory_space<semaphore_mem>>)
      %dma_wait3A_51 = arith.constant 0 : i32
      %dma_wait3A_52 = tpu.memref_slice %arg12[%mul3A_12, %dma_wait3A_51] : memref<10112x16xf32, #tpu.memory_space<vmem_shared>> -> memref<632x16xf32, #tpu.memory_space<vmem_shared>>
      %dma_wait3A_53 = arith.constant 0 : i32
      %dma_wait3A_54 = tpu.memref_slice %arg12[%mul3A_12, %dma_wait3A_53] : memref<10112x16xf32, #tpu.memory_space<vmem_shared>> -> memref<632x16xf32, #tpu.memory_space<vmem_shared>>
      tpu.wait_dma2 semaphore(%run_scoped3A : memref<!tpu.dma_semaphore, #tpu.memory_space<semaphore_mem>>) src(%arg11 : memref<632x16xf32, #tpu.memory_space<vmem>>) dst(%dma_wait3A_54 : memref<632x16xf32, #tpu.memory_space<vmem_shared>>)
      tpu.yield
    }) : () -> ()
    %barrier3A = arith.constant 0 : index
    tpu.barrier barrier_id(%barrier3A)
    %broadcast_in_dim3A = arith.constant 1.000000e+00 : f32
    "tpu.trace_stop"() : () -> ()
    %broadcast_in_dim3A_13 = vector.broadcast %broadcast_in_dim3A : f32 to vector<16xf32>
    %dma_start3A = arith.constant 0 : i32
    "tpu.trace_start"() <{level = 10 : i32, message = "edge_loop"}> : () -> ()
    %dma_start3A_14 = arith.constant 0 : i32
    %dma_start3A_15 = tpu.memref_slice %arg6[%dma_start3A, %dma_start3A_14] : memref<79x128xi32, #tpu.memory_space<vmem>> -> memref<1x128xi32, #tpu.memory_space<vmem>>
    %dma_start3A_16 = tpu.memref_squeeze %dma_start3A_15 : memref<1x128xi32, #tpu.memory_space<vmem>> -> memref<128xi32, #tpu.memory_space<vmem>>
    %dma_start3A_17 = arith.constant 0 : i32
    %dma_start3A_18 = arith.constant 0 : i32
    %dma_start3A_19 = tpu.memref_slice %arg2[%dma_start3A_17, %dma_start3A_18] : memref<10000x16xf32, #tpu.memory_space<hbm>> -> memref<10000x16xf32, #tpu.memory_space<hbm>>
    tpu.enqueue_indirect_dma source(%dma_start3A_19 : memref<10000x16xf32, #tpu.memory_space<hbm>>) target(%arg8 : memref<128x16xf32, #tpu.memory_space<vmem>>) offsets(%dma_start3A_16 : memref<128xi32, #tpu.memory_space<vmem>>) semaphore(%arg13 : memref<!tpu.dma_semaphore, #tpu.memory_space<semaphore_mem>>)
    %dma_start3A_20 = arith.constant 1 : i32
    %dma_start3A_21 = arith.constant 0 : i32
    %dma_start3A_22 = tpu.memref_slice %arg6[%dma_start3A_20, %dma_start3A_21] : memref<79x128xi32, #tpu.memory_space<vmem>> -> memref<1x128xi32, #tpu.memory_space<vmem>>
    %dma_start3A_23 = tpu.memref_squeeze %dma_start3A_22 : memref<1x128xi32, #tpu.memory_space<vmem>> -> memref<128xi32, #tpu.memory_space<vmem>>
    %dma_start3A_24 = arith.constant 0 : i32
    %dma_start3A_25 = arith.constant 0 : i32
    %dma_start3A_26 = tpu.memref_slice %arg2[%dma_start3A_24, %dma_start3A_25] : memref<10000x16xf32, #tpu.memory_space<hbm>> -> memref<10000x16xf32, #tpu.memory_space<hbm>>
    tpu.enqueue_indirect_dma source(%dma_start3A_26 : memref<10000x16xf32, #tpu.memory_space<hbm>>) target(%arg9 : memref<128x16xf32, #tpu.memory_space<vmem>>) offsets(%dma_start3A_23 : memref<128xi32, #tpu.memory_space<vmem>>) semaphore(%arg14 : memref<!tpu.dma_semaphore, #tpu.memory_space<semaphore_mem>>)
    %scan3A_27 = arith.constant 0 : i32
    %scan3A_28 = arith.constant 26 : i32
    %scan3A_29 = arith.addi %scan3A_27, %scan3A_28 : i32
    %scan3A_30 = arith.constant 1 : i32
    scf.for %scan3A_47 = %scan3A_27 to %scan3A_29 step %scan3A_30  : i32 {
      %mul3A_48 = arith.constant 1 : i32
      %mul3A_49 = arith.muli %scan3A_47, %mul3A_48 : i32
      %add3A_50 = arith.constant 0 : i32
      %add3A_51 = arith.addi %add3A_50, %mul3A_49 : i32
      %mul3A_52 = arith.constant 3 : i32
      %mul3A_53 = arith.muli %mul3A_52, %add3A_51 : i32
      %gt3A = arith.constant 0 : i32
      %gt3A_54 = arith.cmpi sgt, %add3A_51, %gt3A : i32
      %convert_element_type3A_55 = arith.extui %gt3A_54 : i1 to i32
      %cond3A_56 = arith.constant 0 : i32
      %cond3A_57 = arith.cmpi ne, %convert_element_type3A_55, %cond3A_56 : i32
      scf.if %cond3A_57 {
        %sub3A_137 = arith.constant 1 : i32
        %sub3A_138 = arith.subi %mul3A_53, %sub3A_137 : i32
        %dma_wait3A_139 = arith.constant 0 : i32
        %dma_wait3A_140 = tpu.memref_slice %arg7[%sub3A_138, %dma_wait3A_139] : memref<79x128xi32, #tpu.memory_space<vmem>> -> memref<1x128xi32, #tpu.memory_space<vmem>>
        %dma_wait3A_141 = tpu.memref_squeeze %dma_wait3A_140 : memref<1x128xi32, #tpu.memory_space<vmem>> -> memref<128xi32, #tpu.memory_space<vmem>>
        %dma_wait3A_142 = arith.constant 0 : i32
        %dma_wait3A_143 = arith.constant 0 : i32
        %dma_wait3A_144 = tpu.memref_slice %arg12[%dma_wait3A_142, %dma_wait3A_143] : memref<10112x16xf32, #tpu.memory_space<vmem_shared>> -> memref<10112x16xf32, #tpu.memory_space<vmem_shared>>
        tpu.wait_indirect_dma semaphore(%arg18 : memref<!tpu.dma_semaphore, #tpu.memory_space<semaphore_mem>>) src(%arg10 : memref<128x16xf32, #tpu.memory_space<vmem>>) dst(%dma_wait3A_144 : memref<10112x16xf32, #tpu.memory_space<vmem_shared>>)
      } else {
      }
      %add3A_58 = arith.constant 2 : i32
      %add3A_59 = arith.addi %mul3A_53, %add3A_58 : i32
      %dma_start3A_60 = arith.constant 0 : i32
      %dma_start3A_61 = tpu.memref_slice %arg6[%add3A_59, %dma_start3A_60] : memref<79x128xi32, #tpu.memory_space<vmem>> -> memref<1x128xi32, #tpu.memory_space<vmem>>
      %dma_start3A_62 = tpu.memref_squeeze %dma_start3A_61 : memref<1x128xi32, #tpu.memory_space<vmem>> -> memref<128xi32, #tpu.memory_space<vmem>>
      %dma_start3A_63 = arith.constant 0 : i32
      %dma_start3A_64 = arith.constant 0 : i32
      %dma_start3A_65 = tpu.memref_slice %arg2[%dma_start3A_63, %dma_start3A_64] : memref<10000x16xf32, #tpu.memory_space<hbm>> -> memref<10000x16xf32, #tpu.memory_space<hbm>>
      tpu.enqueue_indirect_dma source(%dma_start3A_65 : memref<10000x16xf32, #tpu.memory_space<hbm>>) target(%arg10 : memref<128x16xf32, #tpu.memory_space<vmem>>) offsets(%dma_start3A_62 : memref<128xi32, #tpu.memory_space<vmem>>) semaphore(%arg15 : memref<!tpu.dma_semaphore, #tpu.memory_space<semaphore_mem>>)
      %dma_wait3A_66 = arith.constant 0 : i32
      %dma_wait3A_67 = tpu.memref_slice %arg6[%mul3A_53, %dma_wait3A_66] : memref<79x128xi32, #tpu.memory_space<vmem>> -> memref<1x128xi32, #tpu.memory_space<vmem>>
      %dma_wait3A_68 = tpu.memref_squeeze %dma_wait3A_67 : memref<1x128xi32, #tpu.memory_space<vmem>> -> memref<128xi32, #tpu.memory_space<vmem>>
      %dma_wait3A_69 = arith.constant 0 : i32
      %dma_wait3A_70 = arith.constant 0 : i32
      %dma_wait3A_71 = tpu.memref_slice %arg2[%dma_wait3A_69, %dma_wait3A_70] : memref<10000x16xf32, #tpu.memory_space<hbm>> -> memref<10000x16xf32, #tpu.memory_space<hbm>>
      tpu.wait_indirect_dma semaphore(%arg13 : memref<!tpu.dma_semaphore, #tpu.memory_space<semaphore_mem>>) src(%dma_wait3A_71 : memref<10000x16xf32, #tpu.memory_space<hbm>>) dst(%arg8 : memref<128x16xf32, #tpu.memory_space<vmem>>)
      %dma_start3A_72 = arith.constant 0 : i32
      %dma_start3A_73 = tpu.memref_slice %arg7[%mul3A_53, %dma_start3A_72] : memref<79x128xi32, #tpu.memory_space<vmem>> -> memref<1x128xi32, #tpu.memory_space<vmem>>
      %dma_start3A_74 = tpu.memref_squeeze %dma_start3A_73 : memref<1x128xi32, #tpu.memory_space<vmem>> -> memref<128xi32, #tpu.memory_space<vmem>>
      %dma_start3A_75 = arith.constant 0 : i32
      %dma_start3A_76 = arith.constant 0 : i32
      %dma_start3A_77 = tpu.memref_slice %arg12[%dma_start3A_75, %dma_start3A_76] : memref<10112x16xf32, #tpu.memory_space<vmem_shared>> -> memref<10112x16xf32, #tpu.memory_space<vmem_shared>>
      tpu.enqueue_indirect_dma source(%arg8 : memref<128x16xf32, #tpu.memory_space<vmem>>) target(%dma_start3A_77 : memref<10112x16xf32, #tpu.memory_space<vmem_shared>>) offsets(%dma_start3A_74 : memref<128xi32, #tpu.memory_space<vmem>>) semaphore(%arg16 : memref<!tpu.dma_semaphore, #tpu.memory_space<semaphore_mem>>) {add = true}
      %add3A_78 = arith.constant 1 : i32
      %add3A_79 = arith.addi %mul3A_53, %add3A_78 : i32
      %dma_wait3A_80 = arith.constant 0 : i32
      %dma_wait3A_81 = tpu.memref_slice %arg6[%add3A_79, %dma_wait3A_80] : memref<79x128xi32, #tpu.memory_space<vmem>> -> memref<1x128xi32, #tpu.memory_space<vmem>>
      %dma_wait3A_82 = tpu.memref_squeeze %dma_wait3A_81 : memref<1x128xi32, #tpu.memory_space<vmem>> -> memref<128xi32, #tpu.memory_space<vmem>>
      %dma_wait3A_83 = arith.constant 0 : i32
      %dma_wait3A_84 = arith.constant 0 : i32
      %dma_wait3A_85 = tpu.memref_slice %arg2[%dma_wait3A_83, %dma_wait3A_84] : memref<10000x16xf32, #tpu.memory_space<hbm>> -> memref<10000x16xf32, #tpu.memory_space<hbm>>
      tpu.wait_indirect_dma semaphore(%arg14 : memref<!tpu.dma_semaphore, #tpu.memory_space<semaphore_mem>>) src(%dma_wait3A_85 : memref<10000x16xf32, #tpu.memory_space<hbm>>) dst(%arg9 : memref<128x16xf32, #tpu.memory_space<vmem>>)
      %add3A_86 = arith.constant 1 : i32
      %add3A_87 = arith.addi %mul3A_53, %add3A_86 : i32
      %dma_start3A_88 = arith.constant 0 : i32
      %dma_start3A_89 = tpu.memref_slice %arg7[%add3A_87, %dma_start3A_88] : memref<79x128xi32, #tpu.memory_space<vmem>> -> memref<1x128xi32, #tpu.memory_space<vmem>>
      %dma_start3A_90 = tpu.memref_squeeze %dma_start3A_89 : memref<1x128xi32, #tpu.memory_space<vmem>> -> memref<128xi32, #tpu.memory_space<vmem>>
      %dma_start3A_91 = arith.constant 0 : i32
      %dma_start3A_92 = arith.constant 0 : i32
      %dma_start3A_93 = tpu.memref_slice %arg12[%dma_start3A_91, %dma_start3A_92] : memref<10112x16xf32, #tpu.memory_space<vmem_shared>> -> memref<10112x16xf32, #tpu.memory_space<vmem_shared>>
      tpu.enqueue_indirect_dma source(%arg9 : memref<128x16xf32, #tpu.memory_space<vmem>>) target(%dma_start3A_93 : memref<10112x16xf32, #tpu.memory_space<vmem_shared>>) offsets(%dma_start3A_90 : memref<128xi32, #tpu.memory_space<vmem>>) semaphore(%arg17 : memref<!tpu.dma_semaphore, #tpu.memory_space<semaphore_mem>>) {add = true}
      %add3A_94 = arith.constant 1 : i32
      %add3A_95 = arith.addi %mul3A_53, %add3A_94 : i32
      %dma_wait3A_96 = arith.constant 0 : i32
      %dma_wait3A_97 = tpu.memref_slice %arg7[%mul3A_53, %dma_wait3A_96] : memref<79x128xi32, #tpu.memory_space<vmem>> -> memref<1x128xi32, #tpu.memory_space<vmem>>
      %dma_wait3A_98 = tpu.memref_squeeze %dma_wait3A_97 : memref<1x128xi32, #tpu.memory_space<vmem>> -> memref<128xi32, #tpu.memory_space<vmem>>
      %dma_wait3A_99 = arith.constant 0 : i32
      %dma_wait3A_100 = arith.constant 0 : i32
      %dma_wait3A_101 = tpu.memref_slice %arg12[%dma_wait3A_99, %dma_wait3A_100] : memref<10112x16xf32, #tpu.memory_space<vmem_shared>> -> memref<10112x16xf32, #tpu.memory_space<vmem_shared>>
      tpu.wait_indirect_dma semaphore(%arg16 : memref<!tpu.dma_semaphore, #tpu.memory_space<semaphore_mem>>) src(%arg8 : memref<128x16xf32, #tpu.memory_space<vmem>>) dst(%dma_wait3A_101 : memref<10112x16xf32, #tpu.memory_space<vmem_shared>>)
      %lt3A = arith.constant 25 : i32
      %lt3A_102 = arith.cmpi slt, %add3A_51, %lt3A : i32
      %convert_element_type3A_103 = arith.extui %lt3A_102 : i1 to i32
      %cond3A_104 = arith.constant 0 : i32
      %cond3A_105 = arith.cmpi ne, %convert_element_type3A_103, %cond3A_104 : i32
      scf.if %cond3A_105 {
        %add3A_137 = arith.constant 3 : i32
        %add3A_138 = arith.addi %mul3A_53, %add3A_137 : i32
        %dma_start3A_139 = arith.constant 0 : i32
        %dma_start3A_140 = tpu.memref_slice %arg6[%add3A_138, %dma_start3A_139] : memref<79x128xi32, #tpu.memory_space<vmem>> -> memref<1x128xi32, #tpu.memory_space<vmem>>
        %dma_start3A_141 = tpu.memref_squeeze %dma_start3A_140 : memref<1x128xi32, #tpu.memory_space<vmem>> -> memref<128xi32, #tpu.memory_space<vmem>>
        %dma_start3A_142 = arith.constant 0 : i32
        %dma_start3A_143 = arith.constant 0 : i32
        %dma_start3A_144 = tpu.memref_slice %arg2[%dma_start3A_142, %dma_start3A_143] : memref<10000x16xf32, #tpu.memory_space<hbm>> -> memref<10000x16xf32, #tpu.memory_space<hbm>>
        tpu.enqueue_indirect_dma source(%dma_start3A_144 : memref<10000x16xf32, #tpu.memory_space<hbm>>) target(%arg8 : memref<128x16xf32, #tpu.memory_space<vmem>>) offsets(%dma_start3A_141 : memref<128xi32, #tpu.memory_space<vmem>>) semaphore(%arg13 : memref<!tpu.dma_semaphore, #tpu.memory_space<semaphore_mem>>)
      } else {
      }
      %add3A_106 = arith.constant 2 : i32
      %add3A_107 = arith.addi %mul3A_53, %add3A_106 : i32
      %dma_wait3A_108 = arith.constant 0 : i32
      %dma_wait3A_109 = tpu.memref_slice %arg6[%add3A_107, %dma_wait3A_108] : memref<79x128xi32, #tpu.memory_space<vmem>> -> memref<1x128xi32, #tpu.memory_space<vmem>>
      %dma_wait3A_110 = tpu.memref_squeeze %dma_wait3A_109 : memref<1x128xi32, #tpu.memory_space<vmem>> -> memref<128xi32, #tpu.memory_space<vmem>>
      %dma_wait3A_111 = arith.constant 0 : i32
      %dma_wait3A_112 = arith.constant 0 : i32
      %dma_wait3A_113 = tpu.memref_slice %arg2[%dma_wait3A_111, %dma_wait3A_112] : memref<10000x16xf32, #tpu.memory_space<hbm>> -> memref<10000x16xf32, #tpu.memory_space<hbm>>
      tpu.wait_indirect_dma semaphore(%arg15 : memref<!tpu.dma_semaphore, #tpu.memory_space<semaphore_mem>>) src(%dma_wait3A_113 : memref<10000x16xf32, #tpu.memory_space<hbm>>) dst(%arg10 : memref<128x16xf32, #tpu.memory_space<vmem>>)
      %add3A_114 = arith.constant 2 : i32
      %add3A_115 = arith.addi %mul3A_53, %add3A_114 : i32
      %dma_start3A_116 = arith.constant 0 : i32
      %dma_start3A_117 = tpu.memref_slice %arg7[%add3A_115, %dma_start3A_116] : memref<79x128xi32, #tpu.memory_space<vmem>> -> memref<1x128xi32, #tpu.memory_space<vmem>>
      %dma_start3A_118 = tpu.memref_squeeze %dma_start3A_117 : memref<1x128xi32, #tpu.memory_space<vmem>> -> memref<128xi32, #tpu.memory_space<vmem>>
      %dma_start3A_119 = arith.constant 0 : i32
      %dma_start3A_120 = arith.constant 0 : i32
      %dma_start3A_121 = tpu.memref_slice %arg12[%dma_start3A_119, %dma_start3A_120] : memref<10112x16xf32, #tpu.memory_space<vmem_shared>> -> memref<10112x16xf32, #tpu.memory_space<vmem_shared>>
      tpu.enqueue_indirect_dma source(%arg10 : memref<128x16xf32, #tpu.memory_space<vmem>>) target(%dma_start3A_121 : memref<10112x16xf32, #tpu.memory_space<vmem_shared>>) offsets(%dma_start3A_118 : memref<128xi32, #tpu.memory_space<vmem>>) semaphore(%arg18 : memref<!tpu.dma_semaphore, #tpu.memory_space<semaphore_mem>>) {add = true}
      %add3A_122 = arith.constant 2 : i32
      %add3A_123 = arith.addi %mul3A_53, %add3A_122 : i32
      %add3A_124 = arith.constant 1 : i32
      %add3A_125 = arith.addi %mul3A_53, %add3A_124 : i32
      %dma_wait3A_126 = arith.constant 0 : i32
      %dma_wait3A_127 = tpu.memref_slice %arg7[%add3A_125, %dma_wait3A_126] : memref<79x128xi32, #tpu.memory_space<vmem>> -> memref<1x128xi32, #tpu.memory_space<vmem>>
      %dma_wait3A_128 = tpu.memref_squeeze %dma_wait3A_127 : memref<1x128xi32, #tpu.memory_space<vmem>> -> memref<128xi32, #tpu.memory_space<vmem>>
      %dma_wait3A_129 = arith.constant 0 : i32
      %dma_wait3A_130 = arith.constant 0 : i32
      %dma_wait3A_131 = tpu.memref_slice %arg12[%dma_wait3A_129, %dma_wait3A_130] : memref<10112x16xf32, #tpu.memory_space<vmem_shared>> -> memref<10112x16xf32, #tpu.memory_space<vmem_shared>>
      tpu.wait_indirect_dma semaphore(%arg17 : memref<!tpu.dma_semaphore, #tpu.memory_space<semaphore_mem>>) src(%arg9 : memref<128x16xf32, #tpu.memory_space<vmem>>) dst(%dma_wait3A_131 : memref<10112x16xf32, #tpu.memory_space<vmem_shared>>)
      %lt3A_132 = arith.constant 25 : i32
      %lt3A_133 = arith.cmpi slt, %add3A_51, %lt3A_132 : i32
      %convert_element_type3A_134 = arith.extui %lt3A_133 : i1 to i32
      %cond3A_135 = arith.constant 0 : i32
      %cond3A_136 = arith.cmpi ne, %convert_element_type3A_134, %cond3A_135 : i32
      scf.if %cond3A_136 {
        %add3A_137 = arith.constant 4 : i32
        %add3A_138 = arith.addi %mul3A_53, %add3A_137 : i32
        %dma_start3A_139 = arith.constant 0 : i32
        %dma_start3A_140 = tpu.memref_slice %arg6[%add3A_138, %dma_start3A_139] : memref<79x128xi32, #tpu.memory_space<vmem>> -> memref<1x128xi32, #tpu.memory_space<vmem>>
        %dma_start3A_141 = tpu.memref_squeeze %dma_start3A_140 : memref<1x128xi32, #tpu.memory_space<vmem>> -> memref<128xi32, #tpu.memory_space<vmem>>
        %dma_start3A_142 = arith.constant 0 : i32
        %dma_start3A_143 = arith.constant 0 : i32
        %dma_start3A_144 = tpu.memref_slice %arg2[%dma_start3A_142, %dma_start3A_143] : memref<10000x16xf32, #tpu.memory_space<hbm>> -> memref<10000x16xf32, #tpu.memory_space<hbm>>
        tpu.enqueue_indirect_dma source(%dma_start3A_144 : memref<10000x16xf32, #tpu.memory_space<hbm>>) target(%arg9 : memref<128x16xf32, #tpu.memory_space<vmem>>) offsets(%dma_start3A_141 : memref<128xi32, #tpu.memory_space<vmem>>) semaphore(%arg14 : memref<!tpu.dma_semaphore, #tpu.memory_space<semaphore_mem>>)
      } else {
      }
    }
    %scan3A_31 = arith.constant 26 : i32
    %dma_wait3A = arith.constant 77 : i32
    %dma_wait3A_32 = arith.constant 0 : i32
    %dma_wait3A_33 = tpu.memref_slice %arg7[%dma_wait3A, %dma_wait3A_32] : memref<79x128xi32, #tpu.memory_space<vmem>> -> memref<1x128xi32, #tpu.memory_space<vmem>>
    %dma_wait3A_34 = tpu.memref_squeeze %dma_wait3A_33 : memref<1x128xi32, #tpu.memory_space<vmem>> -> memref<128xi32, #tpu.memory_space<vmem>>
    %dma_wait3A_35 = arith.constant 0 : i32
    %dma_wait3A_36 = arith.constant 0 : i32
    %dma_wait3A_37 = tpu.memref_slice %arg12[%dma_wait3A_35, %dma_wait3A_36] : memref<10112x16xf32, #tpu.memory_space<vmem_shared>> -> memref<10112x16xf32, #tpu.memory_space<vmem_shared>>
    tpu.wait_indirect_dma semaphore(%arg18 : memref<!tpu.dma_semaphore, #tpu.memory_space<semaphore_mem>>) src(%arg10 : memref<128x16xf32, #tpu.memory_space<vmem>>) dst(%dma_wait3A_37 : memref<10112x16xf32, #tpu.memory_space<vmem_shared>>)
    %convert_element_type3A = arith.extui %ge3A_1 : i1 to i32
    %cond3A = arith.constant 0 : i32
    %cond3A_38 = arith.cmpi ne, %convert_element_type3A, %cond3A : i32
    scf.if %cond3A_38 {
      %dma_start3A_47 = arith.constant 78 : i32
      %dma_start3A_48 = arith.constant 0 : i32
      %dma_start3A_49 = tpu.memref_slice %arg6[%dma_start3A_47, %dma_start3A_48] : memref<79x128xi32, #tpu.memory_space<vmem>> -> memref<1x128xi32, #tpu.memory_space<vmem>>
      %dma_start3A_50 = tpu.memref_squeeze %dma_start3A_49 : memref<1x128xi32, #tpu.memory_space<vmem>> -> memref<128xi32, #tpu.memory_space<vmem>>
      %dma_start3A_51 = arith.constant 0 : i32
      %dma_start3A_52 = arith.constant 0 : i32
      %dma_start3A_53 = tpu.memref_slice %arg2[%dma_start3A_51, %dma_start3A_52] : memref<10000x16xf32, #tpu.memory_space<hbm>> -> memref<10000x16xf32, #tpu.memory_space<hbm>>
      tpu.enqueue_indirect_dma source(%dma_start3A_53 : memref<10000x16xf32, #tpu.memory_space<hbm>>) target(%arg8 : memref<128x16xf32, #tpu.memory_space<vmem>>) offsets(%dma_start3A_50 : memref<128xi32, #tpu.memory_space<vmem>>) semaphore(%arg13 : memref<!tpu.dma_semaphore, #tpu.memory_space<semaphore_mem>>)
      %dma_wait3A_54 = arith.constant 78 : i32
      %dma_wait3A_55 = arith.constant 0 : i32
      %dma_wait3A_56 = tpu.memref_slice %arg6[%dma_wait3A_54, %dma_wait3A_55] : memref<79x128xi32, #tpu.memory_space<vmem>> -> memref<1x128xi32, #tpu.memory_space<vmem>>
      %dma_wait3A_57 = tpu.memref_squeeze %dma_wait3A_56 : memref<1x128xi32, #tpu.memory_space<vmem>> -> memref<128xi32, #tpu.memory_space<vmem>>
      %dma_wait3A_58 = arith.constant 0 : i32
      %dma_wait3A_59 = arith.constant 0 : i32
      %dma_wait3A_60 = tpu.memref_slice %arg2[%dma_wait3A_58, %dma_wait3A_59] : memref<10000x16xf32, #tpu.memory_space<hbm>> -> memref<10000x16xf32, #tpu.memory_space<hbm>>
      tpu.wait_indirect_dma semaphore(%arg13 : memref<!tpu.dma_semaphore, #tpu.memory_space<semaphore_mem>>) src(%dma_wait3A_60 : memref<10000x16xf32, #tpu.memory_space<hbm>>) dst(%arg8 : memref<128x16xf32, #tpu.memory_space<vmem>>)
      %dma_start3A_61 = arith.constant 78 : i32
      %dma_start3A_62 = arith.constant 0 : i32
      %dma_start3A_63 = tpu.memref_slice %arg7[%dma_start3A_61, %dma_start3A_62] : memref<79x128xi32, #tpu.memory_space<vmem>> -> memref<1x128xi32, #tpu.memory_space<vmem>>
      %dma_start3A_64 = tpu.memref_squeeze %dma_start3A_63 : memref<1x128xi32, #tpu.memory_space<vmem>> -> memref<128xi32, #tpu.memory_space<vmem>>
      %dma_start3A_65 = arith.constant 0 : i32
      %dma_start3A_66 = arith.constant 0 : i32
      %dma_start3A_67 = tpu.memref_slice %arg12[%dma_start3A_65, %dma_start3A_66] : memref<10112x16xf32, #tpu.memory_space<vmem_shared>> -> memref<10112x16xf32, #tpu.memory_space<vmem_shared>>
      tpu.enqueue_indirect_dma source(%arg8 : memref<128x16xf32, #tpu.memory_space<vmem>>) target(%dma_start3A_67 : memref<10112x16xf32, #tpu.memory_space<vmem_shared>>) offsets(%dma_start3A_64 : memref<128xi32, #tpu.memory_space<vmem>>) semaphore(%arg16 : memref<!tpu.dma_semaphore, #tpu.memory_space<semaphore_mem>>) {add = true}
      %dma_wait3A_68 = arith.constant 78 : i32
      %dma_wait3A_69 = arith.constant 0 : i32
      %dma_wait3A_70 = tpu.memref_slice %arg7[%dma_wait3A_68, %dma_wait3A_69] : memref<79x128xi32, #tpu.memory_space<vmem>> -> memref<1x128xi32, #tpu.memory_space<vmem>>
      %dma_wait3A_71 = tpu.memref_squeeze %dma_wait3A_70 : memref<1x128xi32, #tpu.memory_space<vmem>> -> memref<128xi32, #tpu.memory_space<vmem>>
      %dma_wait3A_72 = arith.constant 0 : i32
      %dma_wait3A_73 = arith.constant 0 : i32
      %dma_wait3A_74 = tpu.memref_slice %arg12[%dma_wait3A_72, %dma_wait3A_73] : memref<10112x16xf32, #tpu.memory_space<vmem_shared>> -> memref<10112x16xf32, #tpu.memory_space<vmem_shared>>
      tpu.wait_indirect_dma semaphore(%arg16 : memref<!tpu.dma_semaphore, #tpu.memory_space<semaphore_mem>>) src(%arg8 : memref<128x16xf32, #tpu.memory_space<vmem>>) dst(%dma_wait3A_74 : memref<10112x16xf32, #tpu.memory_space<vmem_shared>>)
    } else {
    }
    %barrier3A_39 = arith.constant 0 : index
    tpu.barrier barrier_id(%barrier3A_39)
    "tpu.trace_stop"() : () -> ()
    "tpu.trace_start"() <{level = 10 : i32, message = "writeout"}> : () -> ()
    %mul3A_40 = arith.constant 632 : i32
    %mul3A_41 = arith.muli %arg1, %mul3A_40 : i32
    "tpu.region"() ({
      %run_scoped3A = tpu.sem_alloc : memref<!tpu.dma_semaphore, #tpu.memory_space<semaphore_mem>>
      %dma_start3A_47 = arith.constant 0 : i32
      %dma_start3A_48 = tpu.memref_slice %arg12[%mul3A_41, %dma_start3A_47] : memref<10112x16xf32, #tpu.memory_space<vmem_shared>> -> memref<632x16xf32, #tpu.memory_space<vmem_shared>>
      %dma_start3A_49 = arith.constant 0 : i32
      %dma_start3A_50 = tpu.memref_slice %arg12[%mul3A_41, %dma_start3A_49] : memref<10112x16xf32, #tpu.memory_space<vmem_shared>> -> memref<632x16xf32, #tpu.memory_space<vmem_shared>>
      tpu.enqueue_dma source(%dma_start3A_50 : memref<632x16xf32, #tpu.memory_space<vmem_shared>>) target(%arg11 : memref<632x16xf32, #tpu.memory_space<vmem>>) target_semaphore(%run_scoped3A : memref<!tpu.dma_semaphore, #tpu.memory_space<semaphore_mem>>)
      %dma_wait3A_51 = arith.constant 0 : i32
      %dma_wait3A_52 = tpu.memref_slice %arg12[%mul3A_41, %dma_wait3A_51] : memref<10112x16xf32, #tpu.memory_space<vmem_shared>> -> memref<632x16xf32, #tpu.memory_space<vmem_shared>>
      %dma_wait3A_53 = arith.constant 0 : i32
      %dma_wait3A_54 = tpu.memref_slice %arg12[%mul3A_41, %dma_wait3A_53] : memref<10112x16xf32, #tpu.memory_space<vmem_shared>> -> memref<632x16xf32, #tpu.memory_space<vmem_shared>>
      tpu.wait_dma2 semaphore(%run_scoped3A : memref<!tpu.dma_semaphore, #tpu.memory_space<semaphore_mem>>) src(%dma_wait3A_54 : memref<632x16xf32, #tpu.memory_space<vmem_shared>>) dst(%arg11 : memref<632x16xf32, #tpu.memory_space<vmem>>)
      tpu.yield
    }) : () -> ()
    %mul3A_42 = arith.constant 10112 : i32
    %mul3A_43 = arith.muli %arg0, %mul3A_42 : i32
    %mul3A_44 = arith.constant 632 : i32
    %mul3A_45 = arith.muli %arg1, %mul3A_44 : i32
    %add3A_46 = arith.addi %mul3A_43, %mul3A_45 : i32
    "tpu.region"() ({
      %run_scoped3A = tpu.sem_alloc : memref<!tpu.dma_semaphore, #tpu.memory_space<semaphore_mem>>
      %dma_start3A_47 = arith.constant 0 : i32
      %dma_start3A_48 = tpu.memref_slice %arg5[%add3A_46, %dma_start3A_47] : memref<20224x16xf32, #tpu.memory_space<hbm>> -> memref<632x16xf32, #tpu.memory_space<hbm>>
      %dma_start3A_49 = arith.constant 0 : i32
      %dma_start3A_50 = tpu.memref_slice %arg5[%add3A_46, %dma_start3A_49] : memref<20224x16xf32, #tpu.memory_space<hbm>> -> memref<632x16xf32, #tpu.memory_space<hbm>>
      tpu.enqueue_dma source(%arg11 : memref<632x16xf32, #tpu.memory_space<vmem>>) target(%dma_start3A_50 : memref<632x16xf32, #tpu.memory_space<hbm>>) target_semaphore(%run_scoped3A : memref<!tpu.dma_semaphore, #tpu.memory_space<semaphore_mem>>)
      %dma_wait3A_51 = arith.constant 0 : i32
      %dma_wait3A_52 = tpu.memref_slice %arg5[%add3A_46, %dma_wait3A_51] : memref<20224x16xf32, #tpu.memory_space<hbm>> -> memref<632x16xf32, #tpu.memory_space<hbm>>
      %dma_wait3A_53 = arith.constant 0 : i32
      %dma_wait3A_54 = tpu.memref_slice %arg5[%add3A_46, %dma_wait3A_53] : memref<20224x16xf32, #tpu.memory_space<hbm>> -> memref<632x16xf32, #tpu.memory_space<hbm>>
      tpu.wait_dma2 semaphore(%run_scoped3A : memref<!tpu.dma_semaphore, #tpu.memory_space<semaphore_mem>>) src(%arg11 : memref<632x16xf32, #tpu.memory_space<vmem>>) dst(%dma_wait3A_54 : memref<632x16xf32, #tpu.memory_space<hbm>>)
      tpu.yield
    }) : () -> ()
    "tpu.trace_stop"() : () -> ()
    return
  }
}

#map = affine_map<(d0, d1) -> (0, 0)>
module attributes {stable_mosaic.version = 14 : i64} {
  func.func @k(%arg0: i32, %arg1: i32, %arg2: memref<10000x32xf32, #tpu.memory_space<hbm>>, %arg3: memref<2500x128xi32, #tpu.memory_space<hbm>>, %arg4: memref<2500x128xi32, #tpu.memory_space<hbm>>, %arg5: memref<20224x32xf32, #tpu.memory_space<hbm>>, %arg6: memref<1280x16xf32, #tpu.memory_space<hbm>>, %arg7: memref<79x128xi32, #tpu.memory_space<vmem>>, %arg8: memref<79x128xi32, #tpu.memory_space<vmem>>, %arg9: memref<128x32xf32, #tpu.memory_space<vmem>>, %arg10: memref<128x32xf32, #tpu.memory_space<vmem>>, %arg11: memref<128x32xf32, #tpu.memory_space<vmem>>, %arg12: memref<632x32xf32, #tpu.memory_space<vmem>>, %arg13: memref<10112x32xf32, #tpu.memory_space<vmem_shared>>, %arg14: memref<640x16xf32, #tpu.memory_space<vmem>>, %arg15: memref<5x128xi32, #tpu.memory_space<vmem>>, %arg16: memref<40x16xf32, #tpu.memory_space<vmem>>, %arg17: memref<640x16xf32, #tpu.memory_space<vmem_shared>>, %arg18: memref<!tpu.dma_semaphore, #tpu.memory_space<semaphore_mem>>, %arg19: memref<!tpu.dma_semaphore, #tpu.memory_space<semaphore_mem>>, %arg20: memref<!tpu.dma_semaphore, #tpu.memory_space<semaphore_mem>>, %arg21: memref<!tpu.dma_semaphore, #tpu.memory_space<semaphore_mem>>, %arg22: memref<!tpu.dma_semaphore, #tpu.memory_space<semaphore_mem>>, %arg23: memref<!tpu.dma_semaphore, #tpu.memory_space<semaphore_mem>>) attributes {dimension_semantics = [#tpu.dimension_semantics<core_parallel>, #tpu.dimension_semantics<subcore_parallel>], iteration_bounds = array<i64: 2, 16>, scalar_prefetch = 0 : i64, scratch_operands = 17 : i64, tpu.core_type = #tpu.core_type<sc_vector_subcore>, window_params = [{transform_indices = #map}, {transform_indices = #map}, {transform_indices = #map}, {transform_indices = #map}, {transform_indices = #map}]} {
    %mul3A = arith.constant 2 : i32
    %mul3A_0 = arith.muli %arg1, %mul3A : i32
    %add3A = arith.addi %mul3A_0, %arg0 : i32
    %ge3A = arith.constant 28 : i32
    %ge3A_1 = arith.cmpi sge, %add3A, %ge3A : i32
    %mul3A_2 = arith.constant 78 : i32
    %mul3A_3 = arith.muli %add3A, %mul3A_2 : i32
    %sub3A = arith.constant 28 : i32
    %sub3A_4 = arith.subi %add3A, %sub3A : i32
    %max3A = arith.constant 0 : i32
    %max3A_5 = arith.maxsi %sub3A_4, %max3A : i32
    %add3A_6 = arith.addi %mul3A_3, %max3A_5 : i32
    "tpu.trace_start"() <{level = 10 : i32, message = "idx_preload"}> : () -> ()
    "tpu.region"() ({
      %run_scoped3A_383 = tpu.sem_alloc : memref<!tpu.dma_semaphore, #tpu.memory_space<semaphore_mem>>
      %dma_start3A_384 = arith.constant 0 : i32
      %dma_start3A_385 = tpu.memref_slice %arg3[%add3A_6, %dma_start3A_384] : memref<2500x128xi32, #tpu.memory_space<hbm>> -> memref<79x128xi32, #tpu.memory_space<hbm>>
      %dma_start3A_386 = arith.constant 0 : i32
      %dma_start3A_387 = tpu.memref_slice %arg3[%add3A_6, %dma_start3A_386] : memref<2500x128xi32, #tpu.memory_space<hbm>> -> memref<79x128xi32, #tpu.memory_space<hbm>>
      tpu.enqueue_dma source(%dma_start3A_387 : memref<79x128xi32, #tpu.memory_space<hbm>>) target(%arg7 : memref<79x128xi32, #tpu.memory_space<vmem>>) target_semaphore(%run_scoped3A_383 : memref<!tpu.dma_semaphore, #tpu.memory_space<semaphore_mem>>)
      %dma_wait3A_388 = arith.constant 0 : i32
      %dma_wait3A_389 = tpu.memref_slice %arg3[%add3A_6, %dma_wait3A_388] : memref<2500x128xi32, #tpu.memory_space<hbm>> -> memref<79x128xi32, #tpu.memory_space<hbm>>
      %dma_wait3A_390 = arith.constant 0 : i32
      %dma_wait3A_391 = tpu.memref_slice %arg3[%add3A_6, %dma_wait3A_390] : memref<2500x128xi32, #tpu.memory_space<hbm>> -> memref<79x128xi32, #tpu.memory_space<hbm>>
      tpu.wait_dma2 semaphore(%run_scoped3A_383 : memref<!tpu.dma_semaphore, #tpu.memory_space<semaphore_mem>>) src(%dma_wait3A_391 : memref<79x128xi32, #tpu.memory_space<hbm>>) dst(%arg7 : memref<79x128xi32, #tpu.memory_space<vmem>>)
      tpu.yield
    }) : () -> ()
    "tpu.region"() ({
      %run_scoped3A_383 = tpu.sem_alloc : memref<!tpu.dma_semaphore, #tpu.memory_space<semaphore_mem>>
      %dma_start3A_384 = arith.constant 0 : i32
      %dma_start3A_385 = tpu.memref_slice %arg4[%add3A_6, %dma_start3A_384] : memref<2500x128xi32, #tpu.memory_space<hbm>> -> memref<79x128xi32, #tpu.memory_space<hbm>>
      %dma_start3A_386 = arith.constant 0 : i32
      %dma_start3A_387 = tpu.memref_slice %arg4[%add3A_6, %dma_start3A_386] : memref<2500x128xi32, #tpu.memory_space<hbm>> -> memref<79x128xi32, #tpu.memory_space<hbm>>
      tpu.enqueue_dma source(%dma_start3A_387 : memref<79x128xi32, #tpu.memory_space<hbm>>) target(%arg8 : memref<79x128xi32, #tpu.memory_space<vmem>>) target_semaphore(%run_scoped3A_383 : memref<!tpu.dma_semaphore, #tpu.memory_space<semaphore_mem>>)
      %dma_wait3A_388 = arith.constant 0 : i32
      %dma_wait3A_389 = tpu.memref_slice %arg4[%add3A_6, %dma_wait3A_388] : memref<2500x128xi32, #tpu.memory_space<hbm>> -> memref<79x128xi32, #tpu.memory_space<hbm>>
      %dma_wait3A_390 = arith.constant 0 : i32
      %dma_wait3A_391 = tpu.memref_slice %arg4[%add3A_6, %dma_wait3A_390] : memref<2500x128xi32, #tpu.memory_space<hbm>> -> memref<79x128xi32, #tpu.memory_space<hbm>>
      tpu.wait_dma2 semaphore(%run_scoped3A_383 : memref<!tpu.dma_semaphore, #tpu.memory_space<semaphore_mem>>) src(%dma_wait3A_391 : memref<79x128xi32, #tpu.memory_space<hbm>>) dst(%arg8 : memref<79x128xi32, #tpu.memory_space<vmem>>)
      tpu.yield
    }) : () -> ()
    "tpu.trace_stop"() : () -> ()
    "tpu.trace_start"() <{level = 10 : i32, message = "acc_init"}> : () -> ()
    %scan3A = arith.constant 0 : i32
    %scan3A_7 = arith.constant 632 : i32
    %scan3A_8 = arith.addi %scan3A, %scan3A_7 : i32
    %scan3A_9 = arith.constant 1 : i32
    scf.for %scan3A_383 = %scan3A to %scan3A_8 step %scan3A_9  : i32 {
      %mul3A_384 = arith.constant 1 : i32
      %mul3A_385 = arith.muli %scan3A_383, %mul3A_384 : i32
      %add3A_386 = arith.constant 0 : i32
      %add3A_387 = arith.addi %add3A_386, %mul3A_385 : i32
      %broadcast_in_dim3A_388 = arith.constant 0.000000e+00 : f32
      %broadcast_in_dim3A_389 = vector.broadcast %broadcast_in_dim3A_388 : f32 to vector<16xf32>
      %swap3A_390 = arith.index_cast %add3A_387 : i32 to index
      %swap3A_391 = arith.constant 0 : index
      %swap3A_392 = tpu.vector_load %arg12[%swap3A_390, %swap3A_391] {strides = array<i32>} : memref<632x32xf32, #tpu.memory_space<vmem>>, vector<16xf32>,
      tpu.vector_store %arg12[%swap3A_390, %swap3A_391], %broadcast_in_dim3A_389 {strides = array<i32>} : memref<632x32xf32, #tpu.memory_space<vmem>>, vector<16xf32>,
      %broadcast_in_dim3A_393 = arith.constant 0.000000e+00 : f32
      %broadcast_in_dim3A_394 = vector.broadcast %broadcast_in_dim3A_393 : f32 to vector<16xf32>
      %swap3A_395 = arith.index_cast %add3A_387 : i32 to index
      %swap3A_396 = arith.constant 16 : index
      %swap3A_397 = tpu.vector_load %arg12[%swap3A_395, %swap3A_396] {strides = array<i32>} : memref<632x32xf32, #tpu.memory_space<vmem>>, vector<16xf32>,
      tpu.vector_store %arg12[%swap3A_395, %swap3A_396], %broadcast_in_dim3A_394 {strides = array<i32>} : memref<632x32xf32, #tpu.memory_space<vmem>>, vector<16xf32>,
    }
    %scan3A_10 = arith.constant 632 : i32
    %mul3A_11 = arith.constant 632 : i32
    %mul3A_12 = arith.muli %arg1, %mul3A_11 : i32
    "tpu.region"() ({
      %run_scoped3A_383 = tpu.sem_alloc : memref<!tpu.dma_semaphore, #tpu.memory_space<semaphore_mem>>
      %dma_start3A_384 = arith.constant 0 : i32
      %dma_start3A_385 = tpu.memref_slice %arg13[%mul3A_12, %dma_start3A_384] : memref<10112x32xf32, #tpu.memory_space<vmem_shared>> -> memref<632x32xf32, #tpu.memory_space<vmem_shared>>
      %dma_start3A_386 = arith.constant 0 : i32
      %dma_start3A_387 = tpu.memref_slice %arg13[%mul3A_12, %dma_start3A_386] : memref<10112x32xf32, #tpu.memory_space<vmem_shared>> -> memref<632x32xf32, #tpu.memory_space<vmem_shared>>
      tpu.enqueue_dma source(%arg12 : memref<632x32xf32, #tpu.memory_space<vmem>>) target(%dma_start3A_387 : memref<632x32xf32, #tpu.memory_space<vmem_shared>>) target_semaphore(%run_scoped3A_383 : memref<!tpu.dma_semaphore, #tpu.memory_space<semaphore_mem>>)
      %dma_wait3A_388 = arith.constant 0 : i32
      %dma_wait3A_389 = tpu.memref_slice %arg13[%mul3A_12, %dma_wait3A_388] : memref<10112x32xf32, #tpu.memory_space<vmem_shared>> -> memref<632x32xf32, #tpu.memory_space<vmem_shared>>
      %dma_wait3A_390 = arith.constant 0 : i32
      %dma_wait3A_391 = tpu.memref_slice %arg13[%mul3A_12, %dma_wait3A_390] : memref<10112x32xf32, #tpu.memory_space<vmem_shared>> -> memref<632x32xf32, #tpu.memory_space<vmem_shared>>
      tpu.wait_dma2 semaphore(%run_scoped3A_383 : memref<!tpu.dma_semaphore, #tpu.memory_space<semaphore_mem>>) src(%arg12 : memref<632x32xf32, #tpu.memory_space<vmem>>) dst(%dma_wait3A_391 : memref<632x32xf32, #tpu.memory_space<vmem_shared>>)
      tpu.yield
    }) : () -> ()
    %scan3A_13 = arith.constant 0 : i32
    %scan3A_14 = arith.constant 640 : i32
    %scan3A_15 = arith.addi %scan3A_13, %scan3A_14 : i32
    %scan3A_16 = arith.constant 1 : i32
    scf.for %scan3A_383 = %scan3A_13 to %scan3A_15 step %scan3A_16  : i32 {
      %mul3A_384 = arith.constant 1 : i32
      %mul3A_385 = arith.muli %scan3A_383, %mul3A_384 : i32
      %add3A_386 = arith.constant 0 : i32
      %add3A_387 = arith.addi %add3A_386, %mul3A_385 : i32
      %broadcast_in_dim3A_388 = arith.constant 0.000000e+00 : f32
      %broadcast_in_dim3A_389 = vector.broadcast %broadcast_in_dim3A_388 : f32 to vector<16xf32>
      %swap3A_390 = arith.index_cast %add3A_387 : i32 to index
      %swap3A_391 = arith.constant 0 : index
      %swap3A_392 = tpu.vector_load %arg14[%swap3A_390, %swap3A_391] {strides = array<i32>} : memref<640x16xf32, #tpu.memory_space<vmem>>, vector<16xf32>,
      tpu.vector_store %arg14[%swap3A_390, %swap3A_391], %broadcast_in_dim3A_389 {strides = array<i32>} : memref<640x16xf32, #tpu.memory_space<vmem>>, vector<16xf32>,
    }
    %scan3A_17 = arith.constant 640 : i32
    %mul3A_18 = arith.constant 40 : i32
    %mul3A_19 = arith.muli %arg1, %mul3A_18 : i32
    "tpu.region"() ({
      %run_scoped3A_383 = tpu.sem_alloc : memref<!tpu.dma_semaphore, #tpu.memory_space<semaphore_mem>>
      %dma_start3A_384 = arith.constant 0 : i32
      %dma_start3A_385 = arith.constant 0 : i32
      %dma_start3A_386 = tpu.memref_slice %arg14[%dma_start3A_384, %dma_start3A_385] : memref<640x16xf32, #tpu.memory_space<vmem>> -> memref<40x16xf32, #tpu.memory_space<vmem>>
      %dma_start3A_387 = arith.constant 0 : i32
      %dma_start3A_388 = tpu.memref_slice %arg17[%mul3A_19, %dma_start3A_387] : memref<640x16xf32, #tpu.memory_space<vmem_shared>> -> memref<40x16xf32, #tpu.memory_space<vmem_shared>>
      %dma_start3A_389 = arith.constant 0 : i32
      %dma_start3A_390 = tpu.memref_slice %arg17[%mul3A_19, %dma_start3A_389] : memref<640x16xf32, #tpu.memory_space<vmem_shared>> -> memref<40x16xf32, #tpu.memory_space<vmem_shared>>
      %dma_start3A_391 = arith.constant 0 : i32
      %dma_start3A_392 = arith.constant 0 : i32
      %dma_start3A_393 = tpu.memref_slice %arg14[%dma_start3A_391, %dma_start3A_392] : memref<640x16xf32, #tpu.memory_space<vmem>> -> memref<40x16xf32, #tpu.memory_space<vmem>>
      tpu.enqueue_dma source(%dma_start3A_393 : memref<40x16xf32, #tpu.memory_space<vmem>>) target(%dma_start3A_390 : memref<40x16xf32, #tpu.memory_space<vmem_shared>>) target_semaphore(%run_scoped3A_383 : memref<!tpu.dma_semaphore, #tpu.memory_space<semaphore_mem>>)
      %dma_wait3A_394 = arith.constant 0 : i32
      %dma_wait3A_395 = arith.constant 0 : i32
      %dma_wait3A_396 = tpu.memref_slice %arg14[%dma_wait3A_394, %dma_wait3A_395] : memref<640x16xf32, #tpu.memory_space<vmem>> -> memref<40x16xf32, #tpu.memory_space<vmem>>
      %dma_wait3A_397 = arith.constant 0 : i32
      %dma_wait3A_398 = tpu.memref_slice %arg17[%mul3A_19, %dma_wait3A_397] : memref<640x16xf32, #tpu.memory_space<vmem_shared>> -> memref<40x16xf32, #tpu.memory_space<vmem_shared>>
      %dma_wait3A_399 = arith.constant 0 : i32
      %dma_wait3A_400 = tpu.memref_slice %arg17[%mul3A_19, %dma_wait3A_399] : memref<640x16xf32, #tpu.memory_space<vmem_shared>> -> memref<40x16xf32, #tpu.memory_space<vmem_shared>>
      %dma_wait3A_401 = arith.constant 0 : i32
      %dma_wait3A_402 = arith.constant 0 : i32
      %dma_wait3A_403 = tpu.memref_slice %arg14[%dma_wait3A_401, %dma_wait3A_402] : memref<640x16xf32, #tpu.memory_space<vmem>> -> memref<40x16xf32, #tpu.memory_space<vmem>>
      tpu.wait_dma2 semaphore(%run_scoped3A_383 : memref<!tpu.dma_semaphore, #tpu.memory_space<semaphore_mem>>) src(%dma_wait3A_403 : memref<40x16xf32, #tpu.memory_space<vmem>>) dst(%dma_wait3A_400 : memref<40x16xf32, #tpu.memory_space<vmem_shared>>)
      tpu.yield
    }) : () -> ()
    %iota3A = tpu.iota {dimensions = array<i32: 0>} : vector<16xi32>
    %add3A_20 = arith.constant 0 : i32
    %add3A_21 = vector.broadcast %add3A_20 : i32 to vector<16xi32>
    %add3A_22 = arith.addi %iota3A, %add3A_21 : vector<16xi32>
    %swap3A = arith.constant 0 : i32
    %swap3A_23 = arith.index_cast %swap3A : i32 to index
    %swap3A_24 = arith.constant 0 : index
    %swap3A_25 = tpu.vector_load %arg15[%swap3A_23, %swap3A_24] {strides = array<i32>} : memref<5x128xi32, #tpu.memory_space<vmem>>, vector<16xi32>,
    tpu.vector_store %arg15[%swap3A_23, %swap3A_24], %add3A_22 {strides = array<i32>} : memref<5x128xi32, #tpu.memory_space<vmem>>, vector<16xi32>,
    %iota3A_26 = tpu.iota {dimensions = array<i32: 0>} : vector<16xi32>
    %add3A_27 = arith.constant 16 : i32
    %add3A_28 = vector.broadcast %add3A_27 : i32 to vector<16xi32>
    %add3A_29 = arith.addi %iota3A_26, %add3A_28 : vector<16xi32>
    %swap3A_30 = arith.constant 0 : i32
    %swap3A_31 = arith.index_cast %swap3A_30 : i32 to index
    %swap3A_32 = arith.constant 16 : index
    %swap3A_33 = tpu.vector_load %arg15[%swap3A_31, %swap3A_32] {strides = array<i32>} : memref<5x128xi32, #tpu.memory_space<vmem>>, vector<16xi32>,
    tpu.vector_store %arg15[%swap3A_31, %swap3A_32], %add3A_29 {strides = array<i32>} : memref<5x128xi32, #tpu.memory_space<vmem>>, vector<16xi32>,
    %iota3A_34 = tpu.iota {dimensions = array<i32: 0>} : vector<16xi32>
    %add3A_35 = arith.constant 32 : i32
    %add3A_36 = vector.broadcast %add3A_35 : i32 to vector<16xi32>
    %add3A_37 = arith.addi %iota3A_34, %add3A_36 : vector<16xi32>
    %swap3A_38 = arith.constant 0 : i32
    %swap3A_39 = arith.index_cast %swap3A_38 : i32 to index
    %swap3A_40 = arith.constant 32 : index
    %swap3A_41 = tpu.vector_load %arg15[%swap3A_39, %swap3A_40] {strides = array<i32>} : memref<5x128xi32, #tpu.memory_space<vmem>>, vector<16xi32>,
    tpu.vector_store %arg15[%swap3A_39, %swap3A_40], %add3A_37 {strides = array<i32>} : memref<5x128xi32, #tpu.memory_space<vmem>>, vector<16xi32>,
    %iota3A_42 = tpu.iota {dimensions = array<i32: 0>} : vector<16xi32>
    %add3A_43 = arith.constant 48 : i32
    %add3A_44 = vector.broadcast %add3A_43 : i32 to vector<16xi32>
    %add3A_45 = arith.addi %iota3A_42, %add3A_44 : vector<16xi32>
    %swap3A_46 = arith.constant 0 : i32
    %swap3A_47 = arith.index_cast %swap3A_46 : i32 to index
    %swap3A_48 = arith.constant 48 : index
    %swap3A_49 = tpu.vector_load %arg15[%swap3A_47, %swap3A_48] {strides = array<i32>} : memref<5x128xi32, #tpu.memory_space<vmem>>, vector<16xi32>,
    tpu.vector_store %arg15[%swap3A_47, %swap3A_48], %add3A_45 {strides = array<i32>} : memref<5x128xi32, #tpu.memory_space<vmem>>, vector<16xi32>,
    %iota3A_50 = tpu.iota {dimensions = array<i32: 0>} : vector<16xi32>
    %add3A_51 = arith.constant 64 : i32
    %add3A_52 = vector.broadcast %add3A_51 : i32 to vector<16xi32>
    %add3A_53 = arith.addi %iota3A_50, %add3A_52 : vector<16xi32>
    %swap3A_54 = arith.constant 0 : i32
    %swap3A_55 = arith.index_cast %swap3A_54 : i32 to index
    %swap3A_56 = arith.constant 64 : index
    %swap3A_57 = tpu.vector_load %arg15[%swap3A_55, %swap3A_56] {strides = array<i32>} : memref<5x128xi32, #tpu.memory_space<vmem>>, vector<16xi32>,
    tpu.vector_store %arg15[%swap3A_55, %swap3A_56], %add3A_53 {strides = array<i32>} : memref<5x128xi32, #tpu.memory_space<vmem>>, vector<16xi32>,
    %iota3A_58 = tpu.iota {dimensions = array<i32: 0>} : vector<16xi32>
    %add3A_59 = arith.constant 80 : i32
    %add3A_60 = vector.broadcast %add3A_59 : i32 to vector<16xi32>
    %add3A_61 = arith.addi %iota3A_58, %add3A_60 : vector<16xi32>
    %swap3A_62 = arith.constant 0 : i32
    %swap3A_63 = arith.index_cast %swap3A_62 : i32 to index
    %swap3A_64 = arith.constant 80 : index
    %swap3A_65 = tpu.vector_load %arg15[%swap3A_63, %swap3A_64] {strides = array<i32>} : memref<5x128xi32, #tpu.memory_space<vmem>>, vector<16xi32>,
    tpu.vector_store %arg15[%swap3A_63, %swap3A_64], %add3A_61 {strides = array<i32>} : memref<5x128xi32, #tpu.memory_space<vmem>>, vector<16xi32>,
    %iota3A_66 = tpu.iota {dimensions = array<i32: 0>} : vector<16xi32>
    %add3A_67 = arith.constant 96 : i32
    %add3A_68 = vector.broadcast %add3A_67 : i32 to vector<16xi32>
    %add3A_69 = arith.addi %iota3A_66, %add3A_68 : vector<16xi32>
    %swap3A_70 = arith.constant 0 : i32
    %swap3A_71 = arith.index_cast %swap3A_70 : i32 to index
    %swap3A_72 = arith.constant 96 : index
    %swap3A_73 = tpu.vector_load %arg15[%swap3A_71, %swap3A_72] {strides = array<i32>} : memref<5x128xi32, #tpu.memory_space<vmem>>, vector<16xi32>,
    tpu.vector_store %arg15[%swap3A_71, %swap3A_72], %add3A_69 {strides = array<i32>} : memref<5x128xi32, #tpu.memory_space<vmem>>, vector<16xi32>,
    %iota3A_74 = tpu.iota {dimensions = array<i32: 0>} : vector<16xi32>
    %add3A_75 = arith.constant 112 : i32
    %add3A_76 = vector.broadcast %add3A_75 : i32 to vector<16xi32>
    %add3A_77 = arith.addi %iota3A_74, %add3A_76 : vector<16xi32>
    %swap3A_78 = arith.constant 0 : i32
    %swap3A_79 = arith.index_cast %swap3A_78 : i32 to index
    %swap3A_80 = arith.constant 112 : index
    %swap3A_81 = tpu.vector_load %arg15[%swap3A_79, %swap3A_80] {strides = array<i32>} : memref<5x128xi32, #tpu.memory_space<vmem>>, vector<16xi32>,
    tpu.vector_store %arg15[%swap3A_79, %swap3A_80], %add3A_77 {strides = array<i32>} : memref<5x128xi32, #tpu.memory_space<vmem>>, vector<16xi32>,
    %iota3A_82 = tpu.iota {dimensions = array<i32: 0>} : vector<16xi32>
    %add3A_83 = arith.constant 128 : i32
    %add3A_84 = vector.broadcast %add3A_83 : i32 to vector<16xi32>
    %add3A_85 = arith.addi %iota3A_82, %add3A_84 : vector<16xi32>
    %swap3A_86 = arith.constant 1 : i32
    %swap3A_87 = arith.index_cast %swap3A_86 : i32 to index
    %swap3A_88 = arith.constant 0 : index
    %swap3A_89 = tpu.vector_load %arg15[%swap3A_87, %swap3A_88] {strides = array<i32>} : memref<5x128xi32, #tpu.memory_space<vmem>>, vector<16xi32>,
    tpu.vector_store %arg15[%swap3A_87, %swap3A_88], %add3A_85 {strides = array<i32>} : memref<5x128xi32, #tpu.memory_space<vmem>>, vector<16xi32>,
    %iota3A_90 = tpu.iota {dimensions = array<i32: 0>} : vector<16xi32>
    %add3A_91 = arith.constant 144 : i32
    %add3A_92 = vector.broadcast %add3A_91 : i32 to vector<16xi32>
    %add3A_93 = arith.addi %iota3A_90, %add3A_92 : vector<16xi32>
    %swap3A_94 = arith.constant 1 : i32
    %swap3A_95 = arith.index_cast %swap3A_94 : i32 to index
    %swap3A_96 = arith.constant 16 : index
    %swap3A_97 = tpu.vector_load %arg15[%swap3A_95, %swap3A_96] {strides = array<i32>} : memref<5x128xi32, #tpu.memory_space<vmem>>, vector<16xi32>,
    tpu.vector_store %arg15[%swap3A_95, %swap3A_96], %add3A_93 {strides = array<i32>} : memref<5x128xi32, #tpu.memory_space<vmem>>, vector<16xi32>,
    %iota3A_98 = tpu.iota {dimensions = array<i32: 0>} : vector<16xi32>
    %add3A_99 = arith.constant 160 : i32
    %add3A_100 = vector.broadcast %add3A_99 : i32 to vector<16xi32>
    %add3A_101 = arith.addi %iota3A_98, %add3A_100 : vector<16xi32>
    %swap3A_102 = arith.constant 1 : i32
    %swap3A_103 = arith.index_cast %swap3A_102 : i32 to index
    %swap3A_104 = arith.constant 32 : index
    %swap3A_105 = tpu.vector_load %arg15[%swap3A_103, %swap3A_104] {strides = array<i32>} : memref<5x128xi32, #tpu.memory_space<vmem>>, vector<16xi32>,
    tpu.vector_store %arg15[%swap3A_103, %swap3A_104], %add3A_101 {strides = array<i32>} : memref<5x128xi32, #tpu.memory_space<vmem>>, vector<16xi32>,
    %iota3A_106 = tpu.iota {dimensions = array<i32: 0>} : vector<16xi32>
    %add3A_107 = arith.constant 176 : i32
    %add3A_108 = vector.broadcast %add3A_107 : i32 to vector<16xi32>
    %add3A_109 = arith.addi %iota3A_106, %add3A_108 : vector<16xi32>
    %swap3A_110 = arith.constant 1 : i32
    %swap3A_111 = arith.index_cast %swap3A_110 : i32 to index
    %swap3A_112 = arith.constant 48 : index
    %swap3A_113 = tpu.vector_load %arg15[%swap3A_111, %swap3A_112] {strides = array<i32>} : memref<5x128xi32, #tpu.memory_space<vmem>>, vector<16xi32>,
    tpu.vector_store %arg15[%swap3A_111, %swap3A_112], %add3A_109 {strides = array<i32>} : memref<5x128xi32, #tpu.memory_space<vmem>>, vector<16xi32>,
    %iota3A_114 = tpu.iota {dimensions = array<i32: 0>} : vector<16xi32>
    %add3A_115 = arith.constant 192 : i32
    %add3A_116 = vector.broadcast %add3A_115 : i32 to vector<16xi32>
    %add3A_117 = arith.addi %iota3A_114, %add3A_116 : vector<16xi32>
    %swap3A_118 = arith.constant 1 : i32
    %swap3A_119 = arith.index_cast %swap3A_118 : i32 to index
    %swap3A_120 = arith.constant 64 : index
    %swap3A_121 = tpu.vector_load %arg15[%swap3A_119, %swap3A_120] {strides = array<i32>} : memref<5x128xi32, #tpu.memory_space<vmem>>, vector<16xi32>,
    tpu.vector_store %arg15[%swap3A_119, %swap3A_120], %add3A_117 {strides = array<i32>} : memref<5x128xi32, #tpu.memory_space<vmem>>, vector<16xi32>,
    %iota3A_122 = tpu.iota {dimensions = array<i32: 0>} : vector<16xi32>
    %add3A_123 = arith.constant 208 : i32
    %add3A_124 = vector.broadcast %add3A_123 : i32 to vector<16xi32>
    %add3A_125 = arith.addi %iota3A_122, %add3A_124 : vector<16xi32>
    %swap3A_126 = arith.constant 1 : i32
    %swap3A_127 = arith.index_cast %swap3A_126 : i32 to index
    %swap3A_128 = arith.constant 80 : index
    %swap3A_129 = tpu.vector_load %arg15[%swap3A_127, %swap3A_128] {strides = array<i32>} : memref<5x128xi32, #tpu.memory_space<vmem>>, vector<16xi32>,
    tpu.vector_store %arg15[%swap3A_127, %swap3A_128], %add3A_125 {strides = array<i32>} : memref<5x128xi32, #tpu.memory_space<vmem>>, vector<16xi32>,
    %iota3A_130 = tpu.iota {dimensions = array<i32: 0>} : vector<16xi32>
    %add3A_131 = arith.constant 224 : i32
    %add3A_132 = vector.broadcast %add3A_131 : i32 to vector<16xi32>
    %add3A_133 = arith.addi %iota3A_130, %add3A_132 : vector<16xi32>
    %swap3A_134 = arith.constant 1 : i32
    %swap3A_135 = arith.index_cast %swap3A_134 : i32 to index
    %swap3A_136 = arith.constant 96 : index
    %swap3A_137 = tpu.vector_load %arg15[%swap3A_135, %swap3A_136] {strides = array<i32>} : memref<5x128xi32, #tpu.memory_space<vmem>>, vector<16xi32>,
    tpu.vector_store %arg15[%swap3A_135, %swap3A_136], %add3A_133 {strides = array<i32>} : memref<5x128xi32, #tpu.memory_space<vmem>>, vector<16xi32>,
    %iota3A_138 = tpu.iota {dimensions = array<i32: 0>} : vector<16xi32>
    %add3A_139 = arith.constant 240 : i32
    %add3A_140 = vector.broadcast %add3A_139 : i32 to vector<16xi32>
    %add3A_141 = arith.addi %iota3A_138, %add3A_140 : vector<16xi32>
    %swap3A_142 = arith.constant 1 : i32
    %swap3A_143 = arith.index_cast %swap3A_142 : i32 to index
    %swap3A_144 = arith.constant 112 : index
    %swap3A_145 = tpu.vector_load %arg15[%swap3A_143, %swap3A_144] {strides = array<i32>} : memref<5x128xi32, #tpu.memory_space<vmem>>, vector<16xi32>,
    tpu.vector_store %arg15[%swap3A_143, %swap3A_144], %add3A_141 {strides = array<i32>} : memref<5x128xi32, #tpu.memory_space<vmem>>, vector<16xi32>,
    %iota3A_146 = tpu.iota {dimensions = array<i32: 0>} : vector<16xi32>
    %add3A_147 = arith.constant 256 : i32
    %add3A_148 = vector.broadcast %add3A_147 : i32 to vector<16xi32>
    %add3A_149 = arith.addi %iota3A_146, %add3A_148 : vector<16xi32>
    %swap3A_150 = arith.constant 2 : i32
    %swap3A_151 = arith.index_cast %swap3A_150 : i32 to index
    %swap3A_152 = arith.constant 0 : index
    %swap3A_153 = tpu.vector_load %arg15[%swap3A_151, %swap3A_152] {strides = array<i32>} : memref<5x128xi32, #tpu.memory_space<vmem>>, vector<16xi32>,
    tpu.vector_store %arg15[%swap3A_151, %swap3A_152], %add3A_149 {strides = array<i32>} : memref<5x128xi32, #tpu.memory_space<vmem>>, vector<16xi32>,
    %iota3A_154 = tpu.iota {dimensions = array<i32: 0>} : vector<16xi32>
    %add3A_155 = arith.constant 272 : i32
    %add3A_156 = vector.broadcast %add3A_155 : i32 to vector<16xi32>
    %add3A_157 = arith.addi %iota3A_154, %add3A_156 : vector<16xi32>
    %swap3A_158 = arith.constant 2 : i32
    %swap3A_159 = arith.index_cast %swap3A_158 : i32 to index
    %swap3A_160 = arith.constant 16 : index
    %swap3A_161 = tpu.vector_load %arg15[%swap3A_159, %swap3A_160] {strides = array<i32>} : memref<5x128xi32, #tpu.memory_space<vmem>>, vector<16xi32>,
    tpu.vector_store %arg15[%swap3A_159, %swap3A_160], %add3A_157 {strides = array<i32>} : memref<5x128xi32, #tpu.memory_space<vmem>>, vector<16xi32>,
    %iota3A_162 = tpu.iota {dimensions = array<i32: 0>} : vector<16xi32>
    %add3A_163 = arith.constant 288 : i32
    %add3A_164 = vector.broadcast %add3A_163 : i32 to vector<16xi32>
    %add3A_165 = arith.addi %iota3A_162, %add3A_164 : vector<16xi32>
    %swap3A_166 = arith.constant 2 : i32
    %swap3A_167 = arith.index_cast %swap3A_166 : i32 to index
    %swap3A_168 = arith.constant 32 : index
    %swap3A_169 = tpu.vector_load %arg15[%swap3A_167, %swap3A_168] {strides = array<i32>} : memref<5x128xi32, #tpu.memory_space<vmem>>, vector<16xi32>,
    tpu.vector_store %arg15[%swap3A_167, %swap3A_168], %add3A_165 {strides = array<i32>} : memref<5x128xi32, #tpu.memory_space<vmem>>, vector<16xi32>,
    %iota3A_170 = tpu.iota {dimensions = array<i32: 0>} : vector<16xi32>
    %add3A_171 = arith.constant 304 : i32
    %add3A_172 = vector.broadcast %add3A_171 : i32 to vector<16xi32>
    %add3A_173 = arith.addi %iota3A_170, %add3A_172 : vector<16xi32>
    %swap3A_174 = arith.constant 2 : i32
    %swap3A_175 = arith.index_cast %swap3A_174 : i32 to index
    %swap3A_176 = arith.constant 48 : index
    %swap3A_177 = tpu.vector_load %arg15[%swap3A_175, %swap3A_176] {strides = array<i32>} : memref<5x128xi32, #tpu.memory_space<vmem>>, vector<16xi32>,
    tpu.vector_store %arg15[%swap3A_175, %swap3A_176], %add3A_173 {strides = array<i32>} : memref<5x128xi32, #tpu.memory_space<vmem>>, vector<16xi32>,
    %iota3A_178 = tpu.iota {dimensions = array<i32: 0>} : vector<16xi32>
    %add3A_179 = arith.constant 320 : i32
    %add3A_180 = vector.broadcast %add3A_179 : i32 to vector<16xi32>
    %add3A_181 = arith.addi %iota3A_178, %add3A_180 : vector<16xi32>
    %swap3A_182 = arith.constant 2 : i32
    %swap3A_183 = arith.index_cast %swap3A_182 : i32 to index
    %swap3A_184 = arith.constant 64 : index
    %swap3A_185 = tpu.vector_load %arg15[%swap3A_183, %swap3A_184] {strides = array<i32>} : memref<5x128xi32, #tpu.memory_space<vmem>>, vector<16xi32>,
    tpu.vector_store %arg15[%swap3A_183, %swap3A_184], %add3A_181 {strides = array<i32>} : memref<5x128xi32, #tpu.memory_space<vmem>>, vector<16xi32>,
    %iota3A_186 = tpu.iota {dimensions = array<i32: 0>} : vector<16xi32>
    %add3A_187 = arith.constant 336 : i32
    %add3A_188 = vector.broadcast %add3A_187 : i32 to vector<16xi32>
    %add3A_189 = arith.addi %iota3A_186, %add3A_188 : vector<16xi32>
    %swap3A_190 = arith.constant 2 : i32
    %swap3A_191 = arith.index_cast %swap3A_190 : i32 to index
    %swap3A_192 = arith.constant 80 : index
    %swap3A_193 = tpu.vector_load %arg15[%swap3A_191, %swap3A_192] {strides = array<i32>} : memref<5x128xi32, #tpu.memory_space<vmem>>, vector<16xi32>,
    tpu.vector_store %arg15[%swap3A_191, %swap3A_192], %add3A_189 {strides = array<i32>} : memref<5x128xi32, #tpu.memory_space<vmem>>, vector<16xi32>,
    %iota3A_194 = tpu.iota {dimensions = array<i32: 0>} : vector<16xi32>
    %add3A_195 = arith.constant 352 : i32
    %add3A_196 = vector.broadcast %add3A_195 : i32 to vector<16xi32>
    %add3A_197 = arith.addi %iota3A_194, %add3A_196 : vector<16xi32>
    %swap3A_198 = arith.constant 2 : i32
    %swap3A_199 = arith.index_cast %swap3A_198 : i32 to index
    %swap3A_200 = arith.constant 96 : index
    %swap3A_201 = tpu.vector_load %arg15[%swap3A_199, %swap3A_200] {strides = array<i32>} : memref<5x128xi32, #tpu.memory_space<vmem>>, vector<16xi32>,
    tpu.vector_store %arg15[%swap3A_199, %swap3A_200], %add3A_197 {strides = array<i32>} : memref<5x128xi32, #tpu.memory_space<vmem>>, vector<16xi32>,
    %iota3A_202 = tpu.iota {dimensions = array<i32: 0>} : vector<16xi32>
    %add3A_203 = arith.constant 368 : i32
    %add3A_204 = vector.broadcast %add3A_203 : i32 to vector<16xi32>
    %add3A_205 = arith.addi %iota3A_202, %add3A_204 : vector<16xi32>
    %swap3A_206 = arith.constant 2 : i32
    %swap3A_207 = arith.index_cast %swap3A_206 : i32 to index
    %swap3A_208 = arith.constant 112 : index
    %swap3A_209 = tpu.vector_load %arg15[%swap3A_207, %swap3A_208] {strides = array<i32>} : memref<5x128xi32, #tpu.memory_space<vmem>>, vector<16xi32>,
    tpu.vector_store %arg15[%swap3A_207, %swap3A_208], %add3A_205 {strides = array<i32>} : memref<5x128xi32, #tpu.memory_space<vmem>>, vector<16xi32>,
    %iota3A_210 = tpu.iota {dimensions = array<i32: 0>} : vector<16xi32>
    %add3A_211 = arith.constant 384 : i32
    %add3A_212 = vector.broadcast %add3A_211 : i32 to vector<16xi32>
    %add3A_213 = arith.addi %iota3A_210, %add3A_212 : vector<16xi32>
    %swap3A_214 = arith.constant 3 : i32
    %swap3A_215 = arith.index_cast %swap3A_214 : i32 to index
    %swap3A_216 = arith.constant 0 : index
    %swap3A_217 = tpu.vector_load %arg15[%swap3A_215, %swap3A_216] {strides = array<i32>} : memref<5x128xi32, #tpu.memory_space<vmem>>, vector<16xi32>,
    tpu.vector_store %arg15[%swap3A_215, %swap3A_216], %add3A_213 {strides = array<i32>} : memref<5x128xi32, #tpu.memory_space<vmem>>, vector<16xi32>,
    %iota3A_218 = tpu.iota {dimensions = array<i32: 0>} : vector<16xi32>
    %add3A_219 = arith.constant 400 : i32
    %add3A_220 = vector.broadcast %add3A_219 : i32 to vector<16xi32>
    %add3A_221 = arith.addi %iota3A_218, %add3A_220 : vector<16xi32>
    %swap3A_222 = arith.constant 3 : i32
    %swap3A_223 = arith.index_cast %swap3A_222 : i32 to index
    %swap3A_224 = arith.constant 16 : index
    %swap3A_225 = tpu.vector_load %arg15[%swap3A_223, %swap3A_224] {strides = array<i32>} : memref<5x128xi32, #tpu.memory_space<vmem>>, vector<16xi32>,
    tpu.vector_store %arg15[%swap3A_223, %swap3A_224], %add3A_221 {strides = array<i32>} : memref<5x128xi32, #tpu.memory_space<vmem>>, vector<16xi32>,
    %iota3A_226 = tpu.iota {dimensions = array<i32: 0>} : vector<16xi32>
    %add3A_227 = arith.constant 416 : i32
    %add3A_228 = vector.broadcast %add3A_227 : i32 to vector<16xi32>
    %add3A_229 = arith.addi %iota3A_226, %add3A_228 : vector<16xi32>
    %swap3A_230 = arith.constant 3 : i32
    %swap3A_231 = arith.index_cast %swap3A_230 : i32 to index
    %swap3A_232 = arith.constant 32 : index
    %swap3A_233 = tpu.vector_load %arg15[%swap3A_231, %swap3A_232] {strides = array<i32>} : memref<5x128xi32, #tpu.memory_space<vmem>>, vector<16xi32>,
    tpu.vector_store %arg15[%swap3A_231, %swap3A_232], %add3A_229 {strides = array<i32>} : memref<5x128xi32, #tpu.memory_space<vmem>>, vector<16xi32>,
    %iota3A_234 = tpu.iota {dimensions = array<i32: 0>} : vector<16xi32>
    %add3A_235 = arith.constant 432 : i32
    %add3A_236 = vector.broadcast %add3A_235 : i32 to vector<16xi32>
    %add3A_237 = arith.addi %iota3A_234, %add3A_236 : vector<16xi32>
    %swap3A_238 = arith.constant 3 : i32
    %swap3A_239 = arith.index_cast %swap3A_238 : i32 to index
    %swap3A_240 = arith.constant 48 : index
    %swap3A_241 = tpu.vector_load %arg15[%swap3A_239, %swap3A_240] {strides = array<i32>} : memref<5x128xi32, #tpu.memory_space<vmem>>, vector<16xi32>,
    tpu.vector_store %arg15[%swap3A_239, %swap3A_240], %add3A_237 {strides = array<i32>} : memref<5x128xi32, #tpu.memory_space<vmem>>, vector<16xi32>,
    %iota3A_242 = tpu.iota {dimensions = array<i32: 0>} : vector<16xi32>
    %add3A_243 = arith.constant 448 : i32
    %add3A_244 = vector.broadcast %add3A_243 : i32 to vector<16xi32>
    %add3A_245 = arith.addi %iota3A_242, %add3A_244 : vector<16xi32>
    %swap3A_246 = arith.constant 3 : i32
    %swap3A_247 = arith.index_cast %swap3A_246 : i32 to index
    %swap3A_248 = arith.constant 64 : index
    %swap3A_249 = tpu.vector_load %arg15[%swap3A_247, %swap3A_248] {strides = array<i32>} : memref<5x128xi32, #tpu.memory_space<vmem>>, vector<16xi32>,
    tpu.vector_store %arg15[%swap3A_247, %swap3A_248], %add3A_245 {strides = array<i32>} : memref<5x128xi32, #tpu.memory_space<vmem>>, vector<16xi32>,
    %iota3A_250 = tpu.iota {dimensions = array<i32: 0>} : vector<16xi32>
    %add3A_251 = arith.constant 464 : i32
    %add3A_252 = vector.broadcast %add3A_251 : i32 to vector<16xi32>
    %add3A_253 = arith.addi %iota3A_250, %add3A_252 : vector<16xi32>
    %swap3A_254 = arith.constant 3 : i32
    %swap3A_255 = arith.index_cast %swap3A_254 : i32 to index
    %swap3A_256 = arith.constant 80 : index
    %swap3A_257 = tpu.vector_load %arg15[%swap3A_255, %swap3A_256] {strides = array<i32>} : memref<5x128xi32, #tpu.memory_space<vmem>>, vector<16xi32>,
    tpu.vector_store %arg15[%swap3A_255, %swap3A_256], %add3A_253 {strides = array<i32>} : memref<5x128xi32, #tpu.memory_space<vmem>>, vector<16xi32>,
    %iota3A_258 = tpu.iota {dimensions = array<i32: 0>} : vector<16xi32>
    %add3A_259 = arith.constant 480 : i32
    %add3A_260 = vector.broadcast %add3A_259 : i32 to vector<16xi32>
    %add3A_261 = arith.addi %iota3A_258, %add3A_260 : vector<16xi32>
    %swap3A_262 = arith.constant 3 : i32
    %swap3A_263 = arith.index_cast %swap3A_262 : i32 to index
    %swap3A_264 = arith.constant 96 : index
    %swap3A_265 = tpu.vector_load %arg15[%swap3A_263, %swap3A_264] {strides = array<i32>} : memref<5x128xi32, #tpu.memory_space<vmem>>, vector<16xi32>,
    tpu.vector_store %arg15[%swap3A_263, %swap3A_264], %add3A_261 {strides = array<i32>} : memref<5x128xi32, #tpu.memory_space<vmem>>, vector<16xi32>,
    %iota3A_266 = tpu.iota {dimensions = array<i32: 0>} : vector<16xi32>
    %add3A_267 = arith.constant 496 : i32
    %add3A_268 = vector.broadcast %add3A_267 : i32 to vector<16xi32>
    %add3A_269 = arith.addi %iota3A_266, %add3A_268 : vector<16xi32>
    %swap3A_270 = arith.constant 3 : i32
    %swap3A_271 = arith.index_cast %swap3A_270 : i32 to index
    %swap3A_272 = arith.constant 112 : index
    %swap3A_273 = tpu.vector_load %arg15[%swap3A_271, %swap3A_272] {strides = array<i32>} : memref<5x128xi32, #tpu.memory_space<vmem>>, vector<16xi32>,
    tpu.vector_store %arg15[%swap3A_271, %swap3A_272], %add3A_269 {strides = array<i32>} : memref<5x128xi32, #tpu.memory_space<vmem>>, vector<16xi32>,
    %iota3A_274 = tpu.iota {dimensions = array<i32: 0>} : vector<16xi32>
    %add3A_275 = arith.constant 512 : i32
    %add3A_276 = vector.broadcast %add3A_275 : i32 to vector<16xi32>
    %add3A_277 = arith.addi %iota3A_274, %add3A_276 : vector<16xi32>
    %swap3A_278 = arith.constant 4 : i32
    %swap3A_279 = arith.index_cast %swap3A_278 : i32 to index
    %swap3A_280 = arith.constant 0 : index
    %swap3A_281 = tpu.vector_load %arg15[%swap3A_279, %swap3A_280] {strides = array<i32>} : memref<5x128xi32, #tpu.memory_space<vmem>>, vector<16xi32>,
    tpu.vector_store %arg15[%swap3A_279, %swap3A_280], %add3A_277 {strides = array<i32>} : memref<5x128xi32, #tpu.memory_space<vmem>>, vector<16xi32>,
    %iota3A_282 = tpu.iota {dimensions = array<i32: 0>} : vector<16xi32>
    %add3A_283 = arith.constant 528 : i32
    %add3A_284 = vector.broadcast %add3A_283 : i32 to vector<16xi32>
    %add3A_285 = arith.addi %iota3A_282, %add3A_284 : vector<16xi32>
    %swap3A_286 = arith.constant 4 : i32
    %swap3A_287 = arith.index_cast %swap3A_286 : i32 to index
    %swap3A_288 = arith.constant 16 : index
    %swap3A_289 = tpu.vector_load %arg15[%swap3A_287, %swap3A_288] {strides = array<i32>} : memref<5x128xi32, #tpu.memory_space<vmem>>, vector<16xi32>,
    tpu.vector_store %arg15[%swap3A_287, %swap3A_288], %add3A_285 {strides = array<i32>} : memref<5x128xi32, #tpu.memory_space<vmem>>, vector<16xi32>,
    %iota3A_290 = tpu.iota {dimensions = array<i32: 0>} : vector<16xi32>
    %add3A_291 = arith.constant 544 : i32
    %add3A_292 = vector.broadcast %add3A_291 : i32 to vector<16xi32>
    %add3A_293 = arith.addi %iota3A_290, %add3A_292 : vector<16xi32>
    %swap3A_294 = arith.constant 4 : i32
    %swap3A_295 = arith.index_cast %swap3A_294 : i32 to index
    %swap3A_296 = arith.constant 32 : index
    %swap3A_297 = tpu.vector_load %arg15[%swap3A_295, %swap3A_296] {strides = array<i32>} : memref<5x128xi32, #tpu.memory_space<vmem>>, vector<16xi32>,
    tpu.vector_store %arg15[%swap3A_295, %swap3A_296], %add3A_293 {strides = array<i32>} : memref<5x128xi32, #tpu.memory_space<vmem>>, vector<16xi32>,
    %iota3A_298 = tpu.iota {dimensions = array<i32: 0>} : vector<16xi32>
    %add3A_299 = arith.constant 560 : i32
    %add3A_300 = vector.broadcast %add3A_299 : i32 to vector<16xi32>
    %add3A_301 = arith.addi %iota3A_298, %add3A_300 : vector<16xi32>
    %swap3A_302 = arith.constant 4 : i32
    %swap3A_303 = arith.index_cast %swap3A_302 : i32 to index
    %swap3A_304 = arith.constant 48 : index
    %swap3A_305 = tpu.vector_load %arg15[%swap3A_303, %swap3A_304] {strides = array<i32>} : memref<5x128xi32, #tpu.memory_space<vmem>>, vector<16xi32>,
    tpu.vector_store %arg15[%swap3A_303, %swap3A_304], %add3A_301 {strides = array<i32>} : memref<5x128xi32, #tpu.memory_space<vmem>>, vector<16xi32>,
    %iota3A_306 = tpu.iota {dimensions = array<i32: 0>} : vector<16xi32>
    %add3A_307 = arith.constant 576 : i32
    %add3A_308 = vector.broadcast %add3A_307 : i32 to vector<16xi32>
    %add3A_309 = arith.addi %iota3A_306, %add3A_308 : vector<16xi32>
    %swap3A_310 = arith.constant 4 : i32
    %swap3A_311 = arith.index_cast %swap3A_310 : i32 to index
    %swap3A_312 = arith.constant 64 : index
    %swap3A_313 = tpu.vector_load %arg15[%swap3A_311, %swap3A_312] {strides = array<i32>} : memref<5x128xi32, #tpu.memory_space<vmem>>, vector<16xi32>,
    tpu.vector_store %arg15[%swap3A_311, %swap3A_312], %add3A_309 {strides = array<i32>} : memref<5x128xi32, #tpu.memory_space<vmem>>, vector<16xi32>,
    %iota3A_314 = tpu.iota {dimensions = array<i32: 0>} : vector<16xi32>
    %add3A_315 = arith.constant 592 : i32
    %add3A_316 = vector.broadcast %add3A_315 : i32 to vector<16xi32>
    %add3A_317 = arith.addi %iota3A_314, %add3A_316 : vector<16xi32>
    %swap3A_318 = arith.constant 4 : i32
    %swap3A_319 = arith.index_cast %swap3A_318 : i32 to index
    %swap3A_320 = arith.constant 80 : index
    %swap3A_321 = tpu.vector_load %arg15[%swap3A_319, %swap3A_320] {strides = array<i32>} : memref<5x128xi32, #tpu.memory_space<vmem>>, vector<16xi32>,
    tpu.vector_store %arg15[%swap3A_319, %swap3A_320], %add3A_317 {strides = array<i32>} : memref<5x128xi32, #tpu.memory_space<vmem>>, vector<16xi32>,
    %iota3A_322 = tpu.iota {dimensions = array<i32: 0>} : vector<16xi32>
    %add3A_323 = arith.constant 608 : i32
    %add3A_324 = vector.broadcast %add3A_323 : i32 to vector<16xi32>
    %add3A_325 = arith.addi %iota3A_322, %add3A_324 : vector<16xi32>
    %swap3A_326 = arith.constant 4 : i32
    %swap3A_327 = arith.index_cast %swap3A_326 : i32 to index
    %swap3A_328 = arith.constant 96 : index
    %swap3A_329 = tpu.vector_load %arg15[%swap3A_327, %swap3A_328] {strides = array<i32>} : memref<5x128xi32, #tpu.memory_space<vmem>>, vector<16xi32>,
    tpu.vector_store %arg15[%swap3A_327, %swap3A_328], %add3A_325 {strides = array<i32>} : memref<5x128xi32, #tpu.memory_space<vmem>>, vector<16xi32>,
    %iota3A_330 = tpu.iota {dimensions = array<i32: 0>} : vector<16xi32>
    %add3A_331 = arith.constant 624 : i32
    %add3A_332 = vector.broadcast %add3A_331 : i32 to vector<16xi32>
    %add3A_333 = arith.addi %iota3A_330, %add3A_332 : vector<16xi32>
    %swap3A_334 = arith.constant 4 : i32
    %swap3A_335 = arith.index_cast %swap3A_334 : i32 to index
    %swap3A_336 = arith.constant 112 : index
    %swap3A_337 = tpu.vector_load %arg15[%swap3A_335, %swap3A_336] {strides = array<i32>} : memref<5x128xi32, #tpu.memory_space<vmem>>, vector<16xi32>,
    tpu.vector_store %arg15[%swap3A_335, %swap3A_336], %add3A_333 {strides = array<i32>} : memref<5x128xi32, #tpu.memory_space<vmem>>, vector<16xi32>,
    %barrier3A = arith.constant 0 : index
    tpu.barrier barrier_id(%barrier3A)
    %broadcast_in_dim3A = arith.constant 1.000000e+00 : f32
    "tpu.trace_stop"() : () -> ()
    %broadcast_in_dim3A_338 = vector.broadcast %broadcast_in_dim3A : f32 to vector<16xf32>
    %dma_start3A = arith.constant 0 : i32
    "tpu.trace_start"() <{level = 10 : i32, message = "edge_loop"}> : () -> ()
    %dma_start3A_339 = arith.constant 0 : i32
    %dma_start3A_340 = tpu.memref_slice %arg7[%dma_start3A, %dma_start3A_339] : memref<79x128xi32, #tpu.memory_space<vmem>> -> memref<1x128xi32, #tpu.memory_space<vmem>>
    %dma_start3A_341 = tpu.memref_squeeze %dma_start3A_340 : memref<1x128xi32, #tpu.memory_space<vmem>> -> memref<128xi32, #tpu.memory_space<vmem>>
    %dma_start3A_342 = arith.constant 0 : i32
    %dma_start3A_343 = arith.constant 0 : i32
    %dma_start3A_344 = tpu.memref_slice %arg2[%dma_start3A_342, %dma_start3A_343] : memref<10000x32xf32, #tpu.memory_space<hbm>> -> memref<10000x32xf32, #tpu.memory_space<hbm>>
    tpu.enqueue_indirect_dma source(%dma_start3A_344 : memref<10000x32xf32, #tpu.memory_space<hbm>>) target(%arg9 : memref<128x32xf32, #tpu.memory_space<vmem>>) offsets(%dma_start3A_341 : memref<128xi32, #tpu.memory_space<vmem>>) semaphore(%arg18 : memref<!tpu.dma_semaphore, #tpu.memory_space<semaphore_mem>>)
    %dma_start3A_345 = arith.constant 1 : i32
    %dma_start3A_346 = arith.constant 0 : i32
    %dma_start3A_347 = tpu.memref_slice %arg7[%dma_start3A_345, %dma_start3A_346] : memref<79x128xi32, #tpu.memory_space<vmem>> -> memref<1x128xi32, #tpu.memory_space<vmem>>
    %dma_start3A_348 = tpu.memref_squeeze %dma_start3A_347 : memref<1x128xi32, #tpu.memory_space<vmem>> -> memref<128xi32, #tpu.memory_space<vmem>>
    %dma_start3A_349 = arith.constant 0 : i32
    %dma_start3A_350 = arith.constant 0 : i32
    %dma_start3A_351 = tpu.memref_slice %arg2[%dma_start3A_349, %dma_start3A_350] : memref<10000x32xf32, #tpu.memory_space<hbm>> -> memref<10000x32xf32, #tpu.memory_space<hbm>>
    tpu.enqueue_indirect_dma source(%dma_start3A_351 : memref<10000x32xf32, #tpu.memory_space<hbm>>) target(%arg10 : memref<128x32xf32, #tpu.memory_space<vmem>>) offsets(%dma_start3A_348 : memref<128xi32, #tpu.memory_space<vmem>>) semaphore(%arg19 : memref<!tpu.dma_semaphore, #tpu.memory_space<semaphore_mem>>)
    %scan3A_352 = arith.constant 0 : i32
    %scan3A_353 = arith.constant 26 : i32
    %scan3A_354 = arith.addi %scan3A_352, %scan3A_353 : i32
    %scan3A_355 = arith.constant 1 : i32
    scf.for %scan3A_383 = %scan3A_352 to %scan3A_354 step %scan3A_355  : i32 {
      %mul3A_384 = arith.constant 1 : i32
      %mul3A_385 = arith.muli %scan3A_383, %mul3A_384 : i32
      %add3A_386 = arith.constant 0 : i32
      %add3A_387 = arith.addi %add3A_386, %mul3A_385 : i32
      %mul3A_388 = arith.constant 3 : i32
      %mul3A_389 = arith.muli %mul3A_388, %add3A_387 : i32
      %gt3A = arith.constant 0 : i32
      %gt3A_390 = arith.cmpi sgt, %add3A_387, %gt3A : i32
      %convert_element_type3A_391 = arith.extui %gt3A_390 : i1 to i32
      %cond3A_392 = arith.constant 0 : i32
      %cond3A_393 = arith.cmpi ne, %convert_element_type3A_391, %cond3A_392 : i32
      scf.if %cond3A_393 {
        %sub3A_686 = arith.constant 1 : i32
        %sub3A_687 = arith.subi %mul3A_389, %sub3A_686 : i32
        %dma_wait3A_688 = arith.constant 0 : i32
        %dma_wait3A_689 = tpu.memref_slice %arg8[%sub3A_687, %dma_wait3A_688] : memref<79x128xi32, #tpu.memory_space<vmem>> -> memref<1x128xi32, #tpu.memory_space<vmem>>
        %dma_wait3A_690 = tpu.memref_squeeze %dma_wait3A_689 : memref<1x128xi32, #tpu.memory_space<vmem>> -> memref<128xi32, #tpu.memory_space<vmem>>
        %dma_wait3A_691 = arith.constant 0 : i32
        %dma_wait3A_692 = arith.constant 0 : i32
        %dma_wait3A_693 = tpu.memref_slice %arg13[%dma_wait3A_691, %dma_wait3A_692] : memref<10112x32xf32, #tpu.memory_space<vmem_shared>> -> memref<10112x32xf32, #tpu.memory_space<vmem_shared>>
        tpu.wait_indirect_dma semaphore(%arg23 : memref<!tpu.dma_semaphore, #tpu.memory_space<semaphore_mem>>) src(%arg11 : memref<128x32xf32, #tpu.memory_space<vmem>>) dst(%dma_wait3A_693 : memref<10112x32xf32, #tpu.memory_space<vmem_shared>>)
      } else {
      }
      %add3A_394 = arith.constant 2 : i32
      %add3A_395 = arith.addi %mul3A_389, %add3A_394 : i32
      %dma_start3A_396 = arith.constant 0 : i32
      %dma_start3A_397 = tpu.memref_slice %arg7[%add3A_395, %dma_start3A_396] : memref<79x128xi32, #tpu.memory_space<vmem>> -> memref<1x128xi32, #tpu.memory_space<vmem>>
      %dma_start3A_398 = tpu.memref_squeeze %dma_start3A_397 : memref<1x128xi32, #tpu.memory_space<vmem>> -> memref<128xi32, #tpu.memory_space<vmem>>
      %dma_start3A_399 = arith.constant 0 : i32
      %dma_start3A_400 = arith.constant 0 : i32
      %dma_start3A_401 = tpu.memref_slice %arg2[%dma_start3A_399, %dma_start3A_400] : memref<10000x32xf32, #tpu.memory_space<hbm>> -> memref<10000x32xf32, #tpu.memory_space<hbm>>
      tpu.enqueue_indirect_dma source(%dma_start3A_401 : memref<10000x32xf32, #tpu.memory_space<hbm>>) target(%arg11 : memref<128x32xf32, #tpu.memory_space<vmem>>) offsets(%dma_start3A_398 : memref<128xi32, #tpu.memory_space<vmem>>) semaphore(%arg20 : memref<!tpu.dma_semaphore, #tpu.memory_space<semaphore_mem>>)
      %dma_wait3A_402 = arith.constant 0 : i32
      %dma_wait3A_403 = tpu.memref_slice %arg7[%mul3A_389, %dma_wait3A_402] : memref<79x128xi32, #tpu.memory_space<vmem>> -> memref<1x128xi32, #tpu.memory_space<vmem>>
      %dma_wait3A_404 = tpu.memref_squeeze %dma_wait3A_403 : memref<1x128xi32, #tpu.memory_space<vmem>> -> memref<128xi32, #tpu.memory_space<vmem>>
      %dma_wait3A_405 = arith.constant 0 : i32
      %dma_wait3A_406 = arith.constant 0 : i32
      %dma_wait3A_407 = tpu.memref_slice %arg2[%dma_wait3A_405, %dma_wait3A_406] : memref<10000x32xf32, #tpu.memory_space<hbm>> -> memref<10000x32xf32, #tpu.memory_space<hbm>>
      tpu.wait_indirect_dma semaphore(%arg18 : memref<!tpu.dma_semaphore, #tpu.memory_space<semaphore_mem>>) src(%dma_wait3A_407 : memref<10000x32xf32, #tpu.memory_space<hbm>>) dst(%arg9 : memref<128x32xf32, #tpu.memory_space<vmem>>)
      %dma_start3A_408 = arith.constant 0 : i32
      %dma_start3A_409 = tpu.memref_slice %arg8[%mul3A_389, %dma_start3A_408] : memref<79x128xi32, #tpu.memory_space<vmem>> -> memref<1x128xi32, #tpu.memory_space<vmem>>
      %dma_start3A_410 = tpu.memref_squeeze %dma_start3A_409 : memref<1x128xi32, #tpu.memory_space<vmem>> -> memref<128xi32, #tpu.memory_space<vmem>>
      %dma_start3A_411 = arith.constant 0 : i32
      %dma_start3A_412 = arith.constant 0 : i32
      %dma_start3A_413 = tpu.memref_slice %arg13[%dma_start3A_411, %dma_start3A_412] : memref<10112x32xf32, #tpu.memory_space<vmem_shared>> -> memref<10112x32xf32, #tpu.memory_space<vmem_shared>>
      tpu.enqueue_indirect_dma source(%arg9 : memref<128x32xf32, #tpu.memory_space<vmem>>) target(%dma_start3A_413 : memref<10112x32xf32, #tpu.memory_space<vmem_shared>>) offsets(%dma_start3A_410 : memref<128xi32, #tpu.memory_space<vmem>>) semaphore(%arg21 : memref<!tpu.dma_semaphore, #tpu.memory_space<semaphore_mem>>) {add = true}
      %get3A = arith.index_cast %mul3A_389 : i32 to index
      %get3A_414 = arith.constant 0 : index
      %get3A_415 = tpu.vector_load %arg8[%get3A, %get3A_414] {strides = array<i32>} : memref<79x128xi32, #tpu.memory_space<vmem>>, vector<16xi32>,
      %shift_right_arithmetic3A = arith.constant 4 : i32
      %shift_right_arithmetic3A_416 = vector.broadcast %shift_right_arithmetic3A : i32 to vector<16xi32>
      %shift_right_arithmetic3A_417 = arith.shrsi %get3A_415, %shift_right_arithmetic3A_416 : vector<16xi32>
      %and3A = arith.constant 15 : i32
      %and3A_418 = vector.broadcast %and3A : i32 to vector<16xi32>
      %and3A_419 = arith.andi %get3A_415, %and3A_418 : vector<16xi32>
      tpu.vector_store_idx %arg14[%shift_right_arithmetic3A_417, %and3A_419], %broadcast_in_dim3A_338 {add = true} : memref<640x16xf32, #tpu.memory_space<vmem>>[vector<16xi32>, vector<16xi32>], vector<16xf32>,
      %get3A_420 = arith.index_cast %mul3A_389 : i32 to index
      %get3A_421 = arith.constant 16 : index
      %get3A_422 = tpu.vector_load %arg8[%get3A_420, %get3A_421] {strides = array<i32>} : memref<79x128xi32, #tpu.memory_space<vmem>>, vector<16xi32>,
      %shift_right_arithmetic3A_423 = arith.constant 4 : i32
      %shift_right_arithmetic3A_424 = vector.broadcast %shift_right_arithmetic3A_423 : i32 to vector<16xi32>
      %shift_right_arithmetic3A_425 = arith.shrsi %get3A_422, %shift_right_arithmetic3A_424 : vector<16xi32>
      %and3A_426 = arith.constant 15 : i32
      %and3A_427 = vector.broadcast %and3A_426 : i32 to vector<16xi32>
      %and3A_428 = arith.andi %get3A_422, %and3A_427 : vector<16xi32>
      tpu.vector_store_idx %arg14[%shift_right_arithmetic3A_425, %and3A_428], %broadcast_in_dim3A_338 {add = true} : memref<640x16xf32, #tpu.memory_space<vmem>>[vector<16xi32>, vector<16xi32>], vector<16xf32>,
      %get3A_429 = arith.index_cast %mul3A_389 : i32 to index
      %get3A_430 = arith.constant 32 : index
      %get3A_431 = tpu.vector_load %arg8[%get3A_429, %get3A_430] {strides = array<i32>} : memref<79x128xi32, #tpu.memory_space<vmem>>, vector<16xi32>,
      %shift_right_arithmetic3A_432 = arith.constant 4 : i32
      %shift_right_arithmetic3A_433 = vector.broadcast %shift_right_arithmetic3A_432 : i32 to vector<16xi32>
      %shift_right_arithmetic3A_434 = arith.shrsi %get3A_431, %shift_right_arithmetic3A_433 : vector<16xi32>
      %and3A_435 = arith.constant 15 : i32
      %and3A_436 = vector.broadcast %and3A_435 : i32 to vector<16xi32>
      %and3A_437 = arith.andi %get3A_431, %and3A_436 : vector<16xi32>
      tpu.vector_store_idx %arg14[%shift_right_arithmetic3A_434, %and3A_437], %broadcast_in_dim3A_338 {add = true} : memref<640x16xf32, #tpu.memory_space<vmem>>[vector<16xi32>, vector<16xi32>], vector<16xf32>,
      %get3A_438 = arith.index_cast %mul3A_389 : i32 to index
      %get3A_439 = arith.constant 48 : index
      %get3A_440 = tpu.vector_load %arg8[%get3A_438, %get3A_439] {strides = array<i32>} : memref<79x128xi32, #tpu.memory_space<vmem>>, vector<16xi32>,
      %shift_right_arithmetic3A_441 = arith.constant 4 : i32
      %shift_right_arithmetic3A_442 = vector.broadcast %shift_right_arithmetic3A_441 : i32 to vector<16xi32>
      %shift_right_arithmetic3A_443 = arith.shrsi %get3A_440, %shift_right_arithmetic3A_442 : vector<16xi32>
      %and3A_444 = arith.constant 15 : i32
      %and3A_445 = vector.broadcast %and3A_444 : i32 to vector<16xi32>
      %and3A_446 = arith.andi %get3A_440, %and3A_445 : vector<16xi32>
      tpu.vector_store_idx %arg14[%shift_right_arithmetic3A_443, %and3A_446], %broadcast_in_dim3A_338 {add = true} : memref<640x16xf32, #tpu.memory_space<vmem>>[vector<16xi32>, vector<16xi32>], vector<16xf32>,
      %get3A_447 = arith.index_cast %mul3A_389 : i32 to index
      %get3A_448 = arith.constant 64 : index
      %get3A_449 = tpu.vector_load %arg8[%get3A_447, %get3A_448] {strides = array<i32>} : memref<79x128xi32, #tpu.memory_space<vmem>>, vector<16xi32>,
      %shift_right_arithmetic3A_450 = arith.constant 4 : i32
      %shift_right_arithmetic3A_451 = vector.broadcast %shift_right_arithmetic3A_450 : i32 to vector<16xi32>
      %shift_right_arithmetic3A_452 = arith.shrsi %get3A_449, %shift_right_arithmetic3A_451 : vector<16xi32>
      %and3A_453 = arith.constant 15 : i32
      %and3A_454 = vector.broadcast %and3A_453 : i32 to vector<16xi32>
      %and3A_455 = arith.andi %get3A_449, %and3A_454 : vector<16xi32>
      tpu.vector_store_idx %arg14[%shift_right_arithmetic3A_452, %and3A_455], %broadcast_in_dim3A_338 {add = true} : memref<640x16xf32, #tpu.memory_space<vmem>>[vector<16xi32>, vector<16xi32>], vector<16xf32>,
      %get3A_456 = arith.index_cast %mul3A_389 : i32 to index
      %get3A_457 = arith.constant 80 : index
      %get3A_458 = tpu.vector_load %arg8[%get3A_456, %get3A_457] {strides = array<i32>} : memref<79x128xi32, #tpu.memory_space<vmem>>, vector<16xi32>,
      %shift_right_arithmetic3A_459 = arith.constant 4 : i32
      %shift_right_arithmetic3A_460 = vector.broadcast %shift_right_arithmetic3A_459 : i32 to vector<16xi32>
      %shift_right_arithmetic3A_461 = arith.shrsi %get3A_458, %shift_right_arithmetic3A_460 : vector<16xi32>
      %and3A_462 = arith.constant 15 : i32
      %and3A_463 = vector.broadcast %and3A_462 : i32 to vector<16xi32>
      %and3A_464 = arith.andi %get3A_458, %and3A_463 : vector<16xi32>
      tpu.vector_store_idx %arg14[%shift_right_arithmetic3A_461, %and3A_464], %broadcast_in_dim3A_338 {add = true} : memref<640x16xf32, #tpu.memory_space<vmem>>[vector<16xi32>, vector<16xi32>], vector<16xf32>,
      %get3A_465 = arith.index_cast %mul3A_389 : i32 to index
      %get3A_466 = arith.constant 96 : index
      %get3A_467 = tpu.vector_load %arg8[%get3A_465, %get3A_466] {strides = array<i32>} : memref<79x128xi32, #tpu.memory_space<vmem>>, vector<16xi32>,
      %shift_right_arithmetic3A_468 = arith.constant 4 : i32
      %shift_right_arithmetic3A_469 = vector.broadcast %shift_right_arithmetic3A_468 : i32 to vector<16xi32>
      %shift_right_arithmetic3A_470 = arith.shrsi %get3A_467, %shift_right_arithmetic3A_469 : vector<16xi32>
      %and3A_471 = arith.constant 15 : i32
      %and3A_472 = vector.broadcast %and3A_471 : i32 to vector<16xi32>
      %and3A_473 = arith.andi %get3A_467, %and3A_472 : vector<16xi32>
      tpu.vector_store_idx %arg14[%shift_right_arithmetic3A_470, %and3A_473], %broadcast_in_dim3A_338 {add = true} : memref<640x16xf32, #tpu.memory_space<vmem>>[vector<16xi32>, vector<16xi32>], vector<16xf32>,
      %get3A_474 = arith.index_cast %mul3A_389 : i32 to index
      %get3A_475 = arith.constant 112 : index
      %get3A_476 = tpu.vector_load %arg8[%get3A_474, %get3A_475] {strides = array<i32>} : memref<79x128xi32, #tpu.memory_space<vmem>>, vector<16xi32>,
      %shift_right_arithmetic3A_477 = arith.constant 4 : i32
      %shift_right_arithmetic3A_478 = vector.broadcast %shift_right_arithmetic3A_477 : i32 to vector<16xi32>
      %shift_right_arithmetic3A_479 = arith.shrsi %get3A_476, %shift_right_arithmetic3A_478 : vector<16xi32>
      %and3A_480 = arith.constant 15 : i32
      %and3A_481 = vector.broadcast %and3A_480 : i32 to vector<16xi32>
      %and3A_482 = arith.andi %get3A_476, %and3A_481 : vector<16xi32>
      tpu.vector_store_idx %arg14[%shift_right_arithmetic3A_479, %and3A_482], %broadcast_in_dim3A_338 {add = true} : memref<640x16xf32, #tpu.memory_space<vmem>>[vector<16xi32>, vector<16xi32>], vector<16xf32>,
      %add3A_483 = arith.constant 1 : i32
      %add3A_484 = arith.addi %mul3A_389, %add3A_483 : i32
      %dma_wait3A_485 = arith.constant 0 : i32
      %dma_wait3A_486 = tpu.memref_slice %arg7[%add3A_484, %dma_wait3A_485] : memref<79x128xi32, #tpu.memory_space<vmem>> -> memref<1x128xi32, #tpu.memory_space<vmem>>
      %dma_wait3A_487 = tpu.memref_squeeze %dma_wait3A_486 : memref<1x128xi32, #tpu.memory_space<vmem>> -> memref<128xi32, #tpu.memory_space<vmem>>
      %dma_wait3A_488 = arith.constant 0 : i32
      %dma_wait3A_489 = arith.constant 0 : i32
      %dma_wait3A_490 = tpu.memref_slice %arg2[%dma_wait3A_488, %dma_wait3A_489] : memref<10000x32xf32, #tpu.memory_space<hbm>> -> memref<10000x32xf32, #tpu.memory_space<hbm>>
      tpu.wait_indirect_dma semaphore(%arg19 : memref<!tpu.dma_semaphore, #tpu.memory_space<semaphore_mem>>) src(%dma_wait3A_490 : memref<10000x32xf32, #tpu.memory_space<hbm>>) dst(%arg10 : memref<128x32xf32, #tpu.memory_space<vmem>>)
      %add3A_491 = arith.constant 1 : i32
      %add3A_492 = arith.addi %mul3A_389, %add3A_491 : i32
      %dma_start3A_493 = arith.constant 0 : i32
      %dma_start3A_494 = tpu.memref_slice %arg8[%add3A_492, %dma_start3A_493] : memref<79x128xi32, #tpu.memory_space<vmem>> -> memref<1x128xi32, #tpu.memory_space<vmem>>
      %dma_start3A_495 = tpu.memref_squeeze %dma_start3A_494 : memref<1x128xi32, #tpu.memory_space<vmem>> -> memref<128xi32, #tpu.memory_space<vmem>>
      %dma_start3A_496 = arith.constant 0 : i32
      %dma_start3A_497 = arith.constant 0 : i32
      %dma_start3A_498 = tpu.memref_slice %arg13[%dma_start3A_496, %dma_start3A_497] : memref<10112x32xf32, #tpu.memory_space<vmem_shared>> -> memref<10112x32xf32, #tpu.memory_space<vmem_shared>>
      tpu.enqueue_indirect_dma source(%arg10 : memref<128x32xf32, #tpu.memory_space<vmem>>) target(%dma_start3A_498 : memref<10112x32xf32, #tpu.memory_space<vmem_shared>>) offsets(%dma_start3A_495 : memref<128xi32, #tpu.memory_space<vmem>>) semaphore(%arg22 : memref<!tpu.dma_semaphore, #tpu.memory_space<semaphore_mem>>) {add = true}
      %add3A_499 = arith.constant 1 : i32
      %add3A_500 = arith.addi %mul3A_389, %add3A_499 : i32
      %get3A_501 = arith.index_cast %add3A_500 : i32 to index
      %get3A_502 = arith.constant 0 : index
      %get3A_503 = tpu.vector_load %arg8[%get3A_501, %get3A_502] {strides = array<i32>} : memref<79x128xi32, #tpu.memory_space<vmem>>, vector<16xi32>,
      %shift_right_arithmetic3A_504 = arith.constant 4 : i32
      %shift_right_arithmetic3A_505 = vector.broadcast %shift_right_arithmetic3A_504 : i32 to vector<16xi32>
      %shift_right_arithmetic3A_506 = arith.shrsi %get3A_503, %shift_right_arithmetic3A_505 : vector<16xi32>
      %and3A_507 = arith.constant 15 : i32
      %and3A_508 = vector.broadcast %and3A_507 : i32 to vector<16xi32>
      %and3A_509 = arith.andi %get3A_503, %and3A_508 : vector<16xi32>
      tpu.vector_store_idx %arg14[%shift_right_arithmetic3A_506, %and3A_509], %broadcast_in_dim3A_338 {add = true} : memref<640x16xf32, #tpu.memory_space<vmem>>[vector<16xi32>, vector<16xi32>], vector<16xf32>,
      %get3A_510 = arith.index_cast %add3A_500 : i32 to index
      %get3A_511 = arith.constant 16 : index
      %get3A_512 = tpu.vector_load %arg8[%get3A_510, %get3A_511] {strides = array<i32>} : memref<79x128xi32, #tpu.memory_space<vmem>>, vector<16xi32>,
      %shift_right_arithmetic3A_513 = arith.constant 4 : i32
      %shift_right_arithmetic3A_514 = vector.broadcast %shift_right_arithmetic3A_513 : i32 to vector<16xi32>
      %shift_right_arithmetic3A_515 = arith.shrsi %get3A_512, %shift_right_arithmetic3A_514 : vector<16xi32>
      %and3A_516 = arith.constant 15 : i32
      %and3A_517 = vector.broadcast %and3A_516 : i32 to vector<16xi32>
      %and3A_518 = arith.andi %get3A_512, %and3A_517 : vector<16xi32>
      tpu.vector_store_idx %arg14[%shift_right_arithmetic3A_515, %and3A_518], %broadcast_in_dim3A_338 {add = true} : memref<640x16xf32, #tpu.memory_space<vmem>>[vector<16xi32>, vector<16xi32>], vector<16xf32>,
      %get3A_519 = arith.index_cast %add3A_500 : i32 to index
      %get3A_520 = arith.constant 32 : index
      %get3A_521 = tpu.vector_load %arg8[%get3A_519, %get3A_520] {strides = array<i32>} : memref<79x128xi32, #tpu.memory_space<vmem>>, vector<16xi32>,
      %shift_right_arithmetic3A_522 = arith.constant 4 : i32
      %shift_right_arithmetic3A_523 = vector.broadcast %shift_right_arithmetic3A_522 : i32 to vector<16xi32>
      %shift_right_arithmetic3A_524 = arith.shrsi %get3A_521, %shift_right_arithmetic3A_523 : vector<16xi32>
      %and3A_525 = arith.constant 15 : i32
      %and3A_526 = vector.broadcast %and3A_525 : i32 to vector<16xi32>
      %and3A_527 = arith.andi %get3A_521, %and3A_526 : vector<16xi32>
      tpu.vector_store_idx %arg14[%shift_right_arithmetic3A_524, %and3A_527], %broadcast_in_dim3A_338 {add = true} : memref<640x16xf32, #tpu.memory_space<vmem>>[vector<16xi32>, vector<16xi32>], vector<16xf32>,
      %get3A_528 = arith.index_cast %add3A_500 : i32 to index
      %get3A_529 = arith.constant 48 : index
      %get3A_530 = tpu.vector_load %arg8[%get3A_528, %get3A_529] {strides = array<i32>} : memref<79x128xi32, #tpu.memory_space<vmem>>, vector<16xi32>,
      %shift_right_arithmetic3A_531 = arith.constant 4 : i32
      %shift_right_arithmetic3A_532 = vector.broadcast %shift_right_arithmetic3A_531 : i32 to vector<16xi32>
      %shift_right_arithmetic3A_533 = arith.shrsi %get3A_530, %shift_right_arithmetic3A_532 : vector<16xi32>
      %and3A_534 = arith.constant 15 : i32
      %and3A_535 = vector.broadcast %and3A_534 : i32 to vector<16xi32>
      %and3A_536 = arith.andi %get3A_530, %and3A_535 : vector<16xi32>
      tpu.vector_store_idx %arg14[%shift_right_arithmetic3A_533, %and3A_536], %broadcast_in_dim3A_338 {add = true} : memref<640x16xf32, #tpu.memory_space<vmem>>[vector<16xi32>, vector<16xi32>], vector<16xf32>,
      %get3A_537 = arith.index_cast %add3A_500 : i32 to index
      %get3A_538 = arith.constant 64 : index
      %get3A_539 = tpu.vector_load %arg8[%get3A_537, %get3A_538] {strides = array<i32>} : memref<79x128xi32, #tpu.memory_space<vmem>>, vector<16xi32>,
      %shift_right_arithmetic3A_540 = arith.constant 4 : i32
      %shift_right_arithmetic3A_541 = vector.broadcast %shift_right_arithmetic3A_540 : i32 to vector<16xi32>
      %shift_right_arithmetic3A_542 = arith.shrsi %get3A_539, %shift_right_arithmetic3A_541 : vector<16xi32>
      %and3A_543 = arith.constant 15 : i32
      %and3A_544 = vector.broadcast %and3A_543 : i32 to vector<16xi32>
      %and3A_545 = arith.andi %get3A_539, %and3A_544 : vector<16xi32>
      tpu.vector_store_idx %arg14[%shift_right_arithmetic3A_542, %and3A_545], %broadcast_in_dim3A_338 {add = true} : memref<640x16xf32, #tpu.memory_space<vmem>>[vector<16xi32>, vector<16xi32>], vector<16xf32>,
      %get3A_546 = arith.index_cast %add3A_500 : i32 to index
      %get3A_547 = arith.constant 80 : index
      %get3A_548 = tpu.vector_load %arg8[%get3A_546, %get3A_547] {strides = array<i32>} : memref<79x128xi32, #tpu.memory_space<vmem>>, vector<16xi32>,
      %shift_right_arithmetic3A_549 = arith.constant 4 : i32
      %shift_right_arithmetic3A_550 = vector.broadcast %shift_right_arithmetic3A_549 : i32 to vector<16xi32>
      %shift_right_arithmetic3A_551 = arith.shrsi %get3A_548, %shift_right_arithmetic3A_550 : vector<16xi32>
      %and3A_552 = arith.constant 15 : i32
      %and3A_553 = vector.broadcast %and3A_552 : i32 to vector<16xi32>
      %and3A_554 = arith.andi %get3A_548, %and3A_553 : vector<16xi32>
      tpu.vector_store_idx %arg14[%shift_right_arithmetic3A_551, %and3A_554], %broadcast_in_dim3A_338 {add = true} : memref<640x16xf32, #tpu.memory_space<vmem>>[vector<16xi32>, vector<16xi32>], vector<16xf32>,
      %get3A_555 = arith.index_cast %add3A_500 : i32 to index
      %get3A_556 = arith.constant 96 : index
      %get3A_557 = tpu.vector_load %arg8[%get3A_555, %get3A_556] {strides = array<i32>} : memref<79x128xi32, #tpu.memory_space<vmem>>, vector<16xi32>,
      %shift_right_arithmetic3A_558 = arith.constant 4 : i32
      %shift_right_arithmetic3A_559 = vector.broadcast %shift_right_arithmetic3A_558 : i32 to vector<16xi32>
      %shift_right_arithmetic3A_560 = arith.shrsi %get3A_557, %shift_right_arithmetic3A_559 : vector<16xi32>
      %and3A_561 = arith.constant 15 : i32
      %and3A_562 = vector.broadcast %and3A_561 : i32 to vector<16xi32>
      %and3A_563 = arith.andi %get3A_557, %and3A_562 : vector<16xi32>
      tpu.vector_store_idx %arg14[%shift_right_arithmetic3A_560, %and3A_563], %broadcast_in_dim3A_338 {add = true} : memref<640x16xf32, #tpu.memory_space<vmem>>[vector<16xi32>, vector<16xi32>], vector<16xf32>,
      %get3A_564 = arith.index_cast %add3A_500 : i32 to index
      %get3A_565 = arith.constant 112 : index
      %get3A_566 = tpu.vector_load %arg8[%get3A_564, %get3A_565] {strides = array<i32>} : memref<79x128xi32, #tpu.memory_space<vmem>>, vector<16xi32>,
      %shift_right_arithmetic3A_567 = arith.constant 4 : i32
      %shift_right_arithmetic3A_568 = vector.broadcast %shift_right_arithmetic3A_567 : i32 to vector<16xi32>
      %shift_right_arithmetic3A_569 = arith.shrsi %get3A_566, %shift_right_arithmetic3A_568 : vector<16xi32>
      %and3A_570 = arith.constant 15 : i32
      %and3A_571 = vector.broadcast %and3A_570 : i32 to vector<16xi32>
      %and3A_572 = arith.andi %get3A_566, %and3A_571 : vector<16xi32>
      tpu.vector_store_idx %arg14[%shift_right_arithmetic3A_569, %and3A_572], %broadcast_in_dim3A_338 {add = true} : memref<640x16xf32, #tpu.memory_space<vmem>>[vector<16xi32>, vector<16xi32>], vector<16xf32>,
      %dma_wait3A_573 = arith.constant 0 : i32
      %dma_wait3A_574 = tpu.memref_slice %arg8[%mul3A_389, %dma_wait3A_573] : memref<79x128xi32, #tpu.memory_space<vmem>> -> memref<1x128xi32, #tpu.memory_space<vmem>>
      %dma_wait3A_575 = tpu.memref_squeeze %dma_wait3A_574 : memref<1x128xi32, #tpu.memory_space<vmem>> -> memref<128xi32, #tpu.memory_space<vmem>>
      %dma_wait3A_576 = arith.constant 0 : i32
      %dma_wait3A_577 = arith.constant 0 : i32
      %dma_wait3A_578 = tpu.memref_slice %arg13[%dma_wait3A_576, %dma_wait3A_577] : memref<10112x32xf32, #tpu.memory_space<vmem_shared>> -> memref<10112x32xf32, #tpu.memory_space<vmem_shared>>
      tpu.wait_indirect_dma semaphore(%arg21 : memref<!tpu.dma_semaphore, #tpu.memory_space<semaphore_mem>>) src(%arg9 : memref<128x32xf32, #tpu.memory_space<vmem>>) dst(%dma_wait3A_578 : memref<10112x32xf32, #tpu.memory_space<vmem_shared>>)
      %lt3A = arith.constant 25 : i32
      %lt3A_579 = arith.cmpi slt, %add3A_387, %lt3A : i32
      %convert_element_type3A_580 = arith.extui %lt3A_579 : i1 to i32
      %cond3A_581 = arith.constant 0 : i32
      %cond3A_582 = arith.cmpi ne, %convert_element_type3A_580, %cond3A_581 : i32
      scf.if %cond3A_582 {
        %add3A_686 = arith.constant 3 : i32
        %add3A_687 = arith.addi %mul3A_389, %add3A_686 : i32
        %dma_start3A_688 = arith.constant 0 : i32
        %dma_start3A_689 = tpu.memref_slice %arg7[%add3A_687, %dma_start3A_688] : memref<79x128xi32, #tpu.memory_space<vmem>> -> memref<1x128xi32, #tpu.memory_space<vmem>>
        %dma_start3A_690 = tpu.memref_squeeze %dma_start3A_689 : memref<1x128xi32, #tpu.memory_space<vmem>> -> memref<128xi32, #tpu.memory_space<vmem>>
        %dma_start3A_691 = arith.constant 0 : i32
        %dma_start3A_692 = arith.constant 0 : i32
        %dma_start3A_693 = tpu.memref_slice %arg2[%dma_start3A_691, %dma_start3A_692] : memref<10000x32xf32, #tpu.memory_space<hbm>> -> memref<10000x32xf32, #tpu.memory_space<hbm>>
        tpu.enqueue_indirect_dma source(%dma_start3A_693 : memref<10000x32xf32, #tpu.memory_space<hbm>>) target(%arg9 : memref<128x32xf32, #tpu.memory_space<vmem>>) offsets(%dma_start3A_690 : memref<128xi32, #tpu.memory_space<vmem>>) semaphore(%arg18 : memref<!tpu.dma_semaphore, #tpu.memory_space<semaphore_mem>>)
      } else {
      }
      %add3A_583 = arith.constant 2 : i32
      %add3A_584 = arith.addi %mul3A_389, %add3A_583 : i32
      %dma_wait3A_585 = arith.constant 0 : i32
      %dma_wait3A_586 = tpu.memref_slice %arg7[%add3A_584, %dma_wait3A_585] : memref<79x128xi32, #tpu.memory_space<vmem>> -> memref<1x128xi32, #tpu.memory_space<vmem>>
      %dma_wait3A_587 = tpu.memref_squeeze %dma_wait3A_586 : memref<1x128xi32, #tpu.memory_space<vmem>> -> memref<128xi32, #tpu.memory_space<vmem>>
      %dma_wait3A_588 = arith.constant 0 : i32
      %dma_wait3A_589 = arith.constant 0 : i32
      %dma_wait3A_590 = tpu.memref_slice %arg2[%dma_wait3A_588, %dma_wait3A_589] : memref<10000x32xf32, #tpu.memory_space<hbm>> -> memref<10000x32xf32, #tpu.memory_space<hbm>>
      tpu.wait_indirect_dma semaphore(%arg20 : memref<!tpu.dma_semaphore, #tpu.memory_space<semaphore_mem>>) src(%dma_wait3A_590 : memref<10000x32xf32, #tpu.memory_space<hbm>>) dst(%arg11 : memref<128x32xf32, #tpu.memory_space<vmem>>)
      %add3A_591 = arith.constant 2 : i32
      %add3A_592 = arith.addi %mul3A_389, %add3A_591 : i32
      %dma_start3A_593 = arith.constant 0 : i32
      %dma_start3A_594 = tpu.memref_slice %arg8[%add3A_592, %dma_start3A_593] : memref<79x128xi32, #tpu.memory_space<vmem>> -> memref<1x128xi32, #tpu.memory_space<vmem>>
      %dma_start3A_595 = tpu.memref_squeeze %dma_start3A_594 : memref<1x128xi32, #tpu.memory_space<vmem>> -> memref<128xi32, #tpu.memory_space<vmem>>
      %dma_start3A_596 = arith.constant 0 : i32
      %dma_start3A_597 = arith.constant 0 : i32
      %dma_start3A_598 = tpu.memref_slice %arg13[%dma_start3A_596, %dma_start3A_597] : memref<10112x32xf32, #tpu.memory_space<vmem_shared>> -> memref<10112x32xf32, #tpu.memory_space<vmem_shared>>
      tpu.enqueue_indirect_dma source(%arg11 : memref<128x32xf32, #tpu.memory_space<vmem>>) target(%dma_start3A_598 : memref<10112x32xf32, #tpu.memory_space<vmem_shared>>) offsets(%dma_start3A_595 : memref<128xi32, #tpu.memory_space<vmem>>) semaphore(%arg23 : memref<!tpu.dma_semaphore, #tpu.memory_space<semaphore_mem>>) {add = true}
      %add3A_599 = arith.constant 2 : i32
      %add3A_600 = arith.addi %mul3A_389, %add3A_599 : i32
      %get3A_601 = arith.index_cast %add3A_600 : i32 to index
      %get3A_602 = arith.constant 0 : index
      %get3A_603 = tpu.vector_load %arg8[%get3A_601, %get3A_602] {strides = array<i32>} : memref<79x128xi32, #tpu.memory_space<vmem>>, vector<16xi32>,
      %shift_right_arithmetic3A_604 = arith.constant 4 : i32
      %shift_right_arithmetic3A_605 = vector.broadcast %shift_right_arithmetic3A_604 : i32 to vector<16xi32>
      %shift_right_arithmetic3A_606 = arith.shrsi %get3A_603, %shift_right_arithmetic3A_605 : vector<16xi32>
      %and3A_607 = arith.constant 15 : i32
      %and3A_608 = vector.broadcast %and3A_607 : i32 to vector<16xi32>
      %and3A_609 = arith.andi %get3A_603, %and3A_608 : vector<16xi32>
      tpu.vector_store_idx %arg14[%shift_right_arithmetic3A_606, %and3A_609], %broadcast_in_dim3A_338 {add = true} : memref<640x16xf32, #tpu.memory_space<vmem>>[vector<16xi32>, vector<16xi32>], vector<16xf32>,
      %get3A_610 = arith.index_cast %add3A_600 : i32 to index
      %get3A_611 = arith.constant 16 : index
      %get3A_612 = tpu.vector_load %arg8[%get3A_610, %get3A_611] {strides = array<i32>} : memref<79x128xi32, #tpu.memory_space<vmem>>, vector<16xi32>,
      %shift_right_arithmetic3A_613 = arith.constant 4 : i32
      %shift_right_arithmetic3A_614 = vector.broadcast %shift_right_arithmetic3A_613 : i32 to vector<16xi32>
      %shift_right_arithmetic3A_615 = arith.shrsi %get3A_612, %shift_right_arithmetic3A_614 : vector<16xi32>
      %and3A_616 = arith.constant 15 : i32
      %and3A_617 = vector.broadcast %and3A_616 : i32 to vector<16xi32>
      %and3A_618 = arith.andi %get3A_612, %and3A_617 : vector<16xi32>
      tpu.vector_store_idx %arg14[%shift_right_arithmetic3A_615, %and3A_618], %broadcast_in_dim3A_338 {add = true} : memref<640x16xf32, #tpu.memory_space<vmem>>[vector<16xi32>, vector<16xi32>], vector<16xf32>,
      %get3A_619 = arith.index_cast %add3A_600 : i32 to index
      %get3A_620 = arith.constant 32 : index
      %get3A_621 = tpu.vector_load %arg8[%get3A_619, %get3A_620] {strides = array<i32>} : memref<79x128xi32, #tpu.memory_space<vmem>>, vector<16xi32>,
      %shift_right_arithmetic3A_622 = arith.constant 4 : i32
      %shift_right_arithmetic3A_623 = vector.broadcast %shift_right_arithmetic3A_622 : i32 to vector<16xi32>
      %shift_right_arithmetic3A_624 = arith.shrsi %get3A_621, %shift_right_arithmetic3A_623 : vector<16xi32>
      %and3A_625 = arith.constant 15 : i32
      %and3A_626 = vector.broadcast %and3A_625 : i32 to vector<16xi32>
      %and3A_627 = arith.andi %get3A_621, %and3A_626 : vector<16xi32>
      tpu.vector_store_idx %arg14[%shift_right_arithmetic3A_624, %and3A_627], %broadcast_in_dim3A_338 {add = true} : memref<640x16xf32, #tpu.memory_space<vmem>>[vector<16xi32>, vector<16xi32>], vector<16xf32>,
      %get3A_628 = arith.index_cast %add3A_600 : i32 to index
      %get3A_629 = arith.constant 48 : index
      %get3A_630 = tpu.vector_load %arg8[%get3A_628, %get3A_629] {strides = array<i32>} : memref<79x128xi32, #tpu.memory_space<vmem>>, vector<16xi32>,
      %shift_right_arithmetic3A_631 = arith.constant 4 : i32
      %shift_right_arithmetic3A_632 = vector.broadcast %shift_right_arithmetic3A_631 : i32 to vector<16xi32>
      %shift_right_arithmetic3A_633 = arith.shrsi %get3A_630, %shift_right_arithmetic3A_632 : vector<16xi32>
      %and3A_634 = arith.constant 15 : i32
      %and3A_635 = vector.broadcast %and3A_634 : i32 to vector<16xi32>
      %and3A_636 = arith.andi %get3A_630, %and3A_635 : vector<16xi32>
      tpu.vector_store_idx %arg14[%shift_right_arithmetic3A_633, %and3A_636], %broadcast_in_dim3A_338 {add = true} : memref<640x16xf32, #tpu.memory_space<vmem>>[vector<16xi32>, vector<16xi32>], vector<16xf32>,
      %get3A_637 = arith.index_cast %add3A_600 : i32 to index
      %get3A_638 = arith.constant 64 : index
      %get3A_639 = tpu.vector_load %arg8[%get3A_637, %get3A_638] {strides = array<i32>} : memref<79x128xi32, #tpu.memory_space<vmem>>, vector<16xi32>,
      %shift_right_arithmetic3A_640 = arith.constant 4 : i32
      %shift_right_arithmetic3A_641 = vector.broadcast %shift_right_arithmetic3A_640 : i32 to vector<16xi32>
      %shift_right_arithmetic3A_642 = arith.shrsi %get3A_639, %shift_right_arithmetic3A_641 : vector<16xi32>
      %and3A_643 = arith.constant 15 : i32
      %and3A_644 = vector.broadcast %and3A_643 : i32 to vector<16xi32>
      %and3A_645 = arith.andi %get3A_639, %and3A_644 : vector<16xi32>
      tpu.vector_store_idx %arg14[%shift_right_arithmetic3A_642, %and3A_645], %broadcast_in_dim3A_338 {add = true} : memref<640x16xf32, #tpu.memory_space<vmem>>[vector<16xi32>, vector<16xi32>], vector<16xf32>,
      %get3A_646 = arith.index_cast %add3A_600 : i32 to index
      %get3A_647 = arith.constant 80 : index
      %get3A_648 = tpu.vector_load %arg8[%get3A_646, %get3A_647] {strides = array<i32>} : memref<79x128xi32, #tpu.memory_space<vmem>>, vector<16xi32>,
      %shift_right_arithmetic3A_649 = arith.constant 4 : i32
      %shift_right_arithmetic3A_650 = vector.broadcast %shift_right_arithmetic3A_649 : i32 to vector<16xi32>
      %shift_right_arithmetic3A_651 = arith.shrsi %get3A_648, %shift_right_arithmetic3A_650 : vector<16xi32>
      %and3A_652 = arith.constant 15 : i32
      %and3A_653 = vector.broadcast %and3A_652 : i32 to vector<16xi32>
      %and3A_654 = arith.andi %get3A_648, %and3A_653 : vector<16xi32>
      tpu.vector_store_idx %arg14[%shift_right_arithmetic3A_651, %and3A_654], %broadcast_in_dim3A_338 {add = true} : memref<640x16xf32, #tpu.memory_space<vmem>>[vector<16xi32>, vector<16xi32>], vector<16xf32>,
      %get3A_655 = arith.index_cast %add3A_600 : i32 to index
      %get3A_656 = arith.constant 96 : index
      %get3A_657 = tpu.vector_load %arg8[%get3A_655, %get3A_656] {strides = array<i32>} : memref<79x128xi32, #tpu.memory_space<vmem>>, vector<16xi32>,
      %shift_right_arithmetic3A_658 = arith.constant 4 : i32
      %shift_right_arithmetic3A_659 = vector.broadcast %shift_right_arithmetic3A_658 : i32 to vector<16xi32>
      %shift_right_arithmetic3A_660 = arith.shrsi %get3A_657, %shift_right_arithmetic3A_659 : vector<16xi32>
      %and3A_661 = arith.constant 15 : i32
      %and3A_662 = vector.broadcast %and3A_661 : i32 to vector<16xi32>
      %and3A_663 = arith.andi %get3A_657, %and3A_662 : vector<16xi32>
      tpu.vector_store_idx %arg14[%shift_right_arithmetic3A_660, %and3A_663], %broadcast_in_dim3A_338 {add = true} : memref<640x16xf32, #tpu.memory_space<vmem>>[vector<16xi32>, vector<16xi32>], vector<16xf32>,
      %get3A_664 = arith.index_cast %add3A_600 : i32 to index
      %get3A_665 = arith.constant 112 : index
      %get3A_666 = tpu.vector_load %arg8[%get3A_664, %get3A_665] {strides = array<i32>} : memref<79x128xi32, #tpu.memory_space<vmem>>, vector<16xi32>,
      %shift_right_arithmetic3A_667 = arith.constant 4 : i32
      %shift_right_arithmetic3A_668 = vector.broadcast %shift_right_arithmetic3A_667 : i32 to vector<16xi32>
      %shift_right_arithmetic3A_669 = arith.shrsi %get3A_666, %shift_right_arithmetic3A_668 : vector<16xi32>
      %and3A_670 = arith.constant 15 : i32
      %and3A_671 = vector.broadcast %and3A_670 : i32 to vector<16xi32>
      %and3A_672 = arith.andi %get3A_666, %and3A_671 : vector<16xi32>
      tpu.vector_store_idx %arg14[%shift_right_arithmetic3A_669, %and3A_672], %broadcast_in_dim3A_338 {add = true} : memref<640x16xf32, #tpu.memory_space<vmem>>[vector<16xi32>, vector<16xi32>], vector<16xf32>,
      %add3A_673 = arith.constant 1 : i32
      %add3A_674 = arith.addi %mul3A_389, %add3A_673 : i32
      %dma_wait3A_675 = arith.constant 0 : i32
      %dma_wait3A_676 = tpu.memref_slice %arg8[%add3A_674, %dma_wait3A_675] : memref<79x128xi32, #tpu.memory_space<vmem>> -> memref<1x128xi32, #tpu.memory_space<vmem>>
      %dma_wait3A_677 = tpu.memref_squeeze %dma_wait3A_676 : memref<1x128xi32, #tpu.memory_space<vmem>> -> memref<128xi32, #tpu.memory_space<vmem>>
      %dma_wait3A_678 = arith.constant 0 : i32
      %dma_wait3A_679 = arith.constant 0 : i32
      %dma_wait3A_680 = tpu.memref_slice %arg13[%dma_wait3A_678, %dma_wait3A_679] : memref<10112x32xf32, #tpu.memory_space<vmem_shared>> -> memref<10112x32xf32, #tpu.memory_space<vmem_shared>>
      tpu.wait_indirect_dma semaphore(%arg22 : memref<!tpu.dma_semaphore, #tpu.memory_space<semaphore_mem>>) src(%arg10 : memref<128x32xf32, #tpu.memory_space<vmem>>) dst(%dma_wait3A_680 : memref<10112x32xf32, #tpu.memory_space<vmem_shared>>)
      %lt3A_681 = arith.constant 25 : i32
      %lt3A_682 = arith.cmpi slt, %add3A_387, %lt3A_681 : i32
      %convert_element_type3A_683 = arith.extui %lt3A_682 : i1 to i32
      %cond3A_684 = arith.constant 0 : i32
      %cond3A_685 = arith.cmpi ne, %convert_element_type3A_683, %cond3A_684 : i32
      scf.if %cond3A_685 {
        %add3A_686 = arith.constant 4 : i32
        %add3A_687 = arith.addi %mul3A_389, %add3A_686 : i32
        %dma_start3A_688 = arith.constant 0 : i32
        %dma_start3A_689 = tpu.memref_slice %arg7[%add3A_687, %dma_start3A_688] : memref<79x128xi32, #tpu.memory_space<vmem>> -> memref<1x128xi32, #tpu.memory_space<vmem>>
        %dma_start3A_690 = tpu.memref_squeeze %dma_start3A_689 : memref<1x128xi32, #tpu.memory_space<vmem>> -> memref<128xi32, #tpu.memory_space<vmem>>
        %dma_start3A_691 = arith.constant 0 : i32
        %dma_start3A_692 = arith.constant 0 : i32
        %dma_start3A_693 = tpu.memref_slice %arg2[%dma_start3A_691, %dma_start3A_692] : memref<10000x32xf32, #tpu.memory_space<hbm>> -> memref<10000x32xf32, #tpu.memory_space<hbm>>
        tpu.enqueue_indirect_dma source(%dma_start3A_693 : memref<10000x32xf32, #tpu.memory_space<hbm>>) target(%arg10 : memref<128x32xf32, #tpu.memory_space<vmem>>) offsets(%dma_start3A_690 : memref<128xi32, #tpu.memory_space<vmem>>) semaphore(%arg19 : memref<!tpu.dma_semaphore, #tpu.memory_space<semaphore_mem>>)
      } else {
      }
    }
    %scan3A_356 = arith.constant 26 : i32
    %dma_wait3A = arith.constant 77 : i32
    %dma_wait3A_357 = arith.constant 0 : i32
    %dma_wait3A_358 = tpu.memref_slice %arg8[%dma_wait3A, %dma_wait3A_357] : memref<79x128xi32, #tpu.memory_space<vmem>> -> memref<1x128xi32, #tpu.memory_space<vmem>>
    %dma_wait3A_359 = tpu.memref_squeeze %dma_wait3A_358 : memref<1x128xi32, #tpu.memory_space<vmem>> -> memref<128xi32, #tpu.memory_space<vmem>>
    %dma_wait3A_360 = arith.constant 0 : i32
    %dma_wait3A_361 = arith.constant 0 : i32
    %dma_wait3A_362 = tpu.memref_slice %arg13[%dma_wait3A_360, %dma_wait3A_361] : memref<10112x32xf32, #tpu.memory_space<vmem_shared>> -> memref<10112x32xf32, #tpu.memory_space<vmem_shared>>
    tpu.wait_indirect_dma semaphore(%arg23 : memref<!tpu.dma_semaphore, #tpu.memory_space<semaphore_mem>>) src(%arg11 : memref<128x32xf32, #tpu.memory_space<vmem>>) dst(%dma_wait3A_362 : memref<10112x32xf32, #tpu.memory_space<vmem_shared>>)
    %convert_element_type3A = arith.extui %ge3A_1 : i1 to i32
    %cond3A = arith.constant 0 : i32
    %cond3A_363 = arith.cmpi ne, %convert_element_type3A, %cond3A : i32
    scf.if %cond3A_363 {
      %dma_start3A_383 = arith.constant 78 : i32
      %dma_start3A_384 = arith.constant 0 : i32
      %dma_start3A_385 = tpu.memref_slice %arg7[%dma_start3A_383, %dma_start3A_384] : memref<79x128xi32, #tpu.memory_space<vmem>> -> memref<1x128xi32, #tpu.memory_space<vmem>>
      %dma_start3A_386 = tpu.memref_squeeze %dma_start3A_385 : memref<1x128xi32, #tpu.memory_space<vmem>> -> memref<128xi32, #tpu.memory_space<vmem>>
      %dma_start3A_387 = arith.constant 0 : i32
      %dma_start3A_388 = arith.constant 0 : i32
      %dma_start3A_389 = tpu.memref_slice %arg2[%dma_start3A_387, %dma_start3A_388] : memref<10000x32xf32, #tpu.memory_space<hbm>> -> memref<10000x32xf32, #tpu.memory_space<hbm>>
      tpu.enqueue_indirect_dma source(%dma_start3A_389 : memref<10000x32xf32, #tpu.memory_space<hbm>>) target(%arg9 : memref<128x32xf32, #tpu.memory_space<vmem>>) offsets(%dma_start3A_386 : memref<128xi32, #tpu.memory_space<vmem>>) semaphore(%arg18 : memref<!tpu.dma_semaphore, #tpu.memory_space<semaphore_mem>>)
      %dma_wait3A_390 = arith.constant 78 : i32
      %dma_wait3A_391 = arith.constant 0 : i32
      %dma_wait3A_392 = tpu.memref_slice %arg7[%dma_wait3A_390, %dma_wait3A_391] : memref<79x128xi32, #tpu.memory_space<vmem>> -> memref<1x128xi32, #tpu.memory_space<vmem>>
      %dma_wait3A_393 = tpu.memref_squeeze %dma_wait3A_392 : memref<1x128xi32, #tpu.memory_space<vmem>> -> memref<128xi32, #tpu.memory_space<vmem>>
      %dma_wait3A_394 = arith.constant 0 : i32
      %dma_wait3A_395 = arith.constant 0 : i32
      %dma_wait3A_396 = tpu.memref_slice %arg2[%dma_wait3A_394, %dma_wait3A_395] : memref<10000x32xf32, #tpu.memory_space<hbm>> -> memref<10000x32xf32, #tpu.memory_space<hbm>>
      tpu.wait_indirect_dma semaphore(%arg18 : memref<!tpu.dma_semaphore, #tpu.memory_space<semaphore_mem>>) src(%dma_wait3A_396 : memref<10000x32xf32, #tpu.memory_space<hbm>>) dst(%arg9 : memref<128x32xf32, #tpu.memory_space<vmem>>)
      %dma_start3A_397 = arith.constant 78 : i32
      %dma_start3A_398 = arith.constant 0 : i32
      %dma_start3A_399 = tpu.memref_slice %arg8[%dma_start3A_397, %dma_start3A_398] : memref<79x128xi32, #tpu.memory_space<vmem>> -> memref<1x128xi32, #tpu.memory_space<vmem>>
      %dma_start3A_400 = tpu.memref_squeeze %dma_start3A_399 : memref<1x128xi32, #tpu.memory_space<vmem>> -> memref<128xi32, #tpu.memory_space<vmem>>
      %dma_start3A_401 = arith.constant 0 : i32
      %dma_start3A_402 = arith.constant 0 : i32
      %dma_start3A_403 = tpu.memref_slice %arg13[%dma_start3A_401, %dma_start3A_402] : memref<10112x32xf32, #tpu.memory_space<vmem_shared>> -> memref<10112x32xf32, #tpu.memory_space<vmem_shared>>
      tpu.enqueue_indirect_dma source(%arg9 : memref<128x32xf32, #tpu.memory_space<vmem>>) target(%dma_start3A_403 : memref<10112x32xf32, #tpu.memory_space<vmem_shared>>) offsets(%dma_start3A_400 : memref<128xi32, #tpu.memory_space<vmem>>) semaphore(%arg21 : memref<!tpu.dma_semaphore, #tpu.memory_space<semaphore_mem>>) {add = true}
      %get3A = arith.constant 78 : i32
      %get3A_404 = arith.index_cast %get3A : i32 to index
      %get3A_405 = arith.constant 0 : index
      %get3A_406 = tpu.vector_load %arg8[%get3A_404, %get3A_405] {strides = array<i32>} : memref<79x128xi32, #tpu.memory_space<vmem>>, vector<16xi32>,
      %shift_right_arithmetic3A = arith.constant 4 : i32
      %shift_right_arithmetic3A_407 = vector.broadcast %shift_right_arithmetic3A : i32 to vector<16xi32>
      %shift_right_arithmetic3A_408 = arith.shrsi %get3A_406, %shift_right_arithmetic3A_407 : vector<16xi32>
      %and3A = arith.constant 15 : i32
      %and3A_409 = vector.broadcast %and3A : i32 to vector<16xi32>
      %and3A_410 = arith.andi %get3A_406, %and3A_409 : vector<16xi32>
      tpu.vector_store_idx %arg14[%shift_right_arithmetic3A_408, %and3A_410], %broadcast_in_dim3A_338 {add = true} : memref<640x16xf32, #tpu.memory_space<vmem>>[vector<16xi32>, vector<16xi32>], vector<16xf32>,
      %get3A_411 = arith.constant 78 : i32
      %get3A_412 = arith.index_cast %get3A_411 : i32 to index
      %get3A_413 = arith.constant 16 : index
      %get3A_414 = tpu.vector_load %arg8[%get3A_412, %get3A_413] {strides = array<i32>} : memref<79x128xi32, #tpu.memory_space<vmem>>, vector<16xi32>,
      %shift_right_arithmetic3A_415 = arith.constant 4 : i32
      %shift_right_arithmetic3A_416 = vector.broadcast %shift_right_arithmetic3A_415 : i32 to vector<16xi32>
      %shift_right_arithmetic3A_417 = arith.shrsi %get3A_414, %shift_right_arithmetic3A_416 : vector<16xi32>
      %and3A_418 = arith.constant 15 : i32
      %and3A_419 = vector.broadcast %and3A_418 : i32 to vector<16xi32>
      %and3A_420 = arith.andi %get3A_414, %and3A_419 : vector<16xi32>
      tpu.vector_store_idx %arg14[%shift_right_arithmetic3A_417, %and3A_420], %broadcast_in_dim3A_338 {add = true} : memref<640x16xf32, #tpu.memory_space<vmem>>[vector<16xi32>, vector<16xi32>], vector<16xf32>,
      %get3A_421 = arith.constant 78 : i32
      %get3A_422 = arith.index_cast %get3A_421 : i32 to index
      %get3A_423 = arith.constant 32 : index
      %get3A_424 = tpu.vector_load %arg8[%get3A_422, %get3A_423] {strides = array<i32>} : memref<79x128xi32, #tpu.memory_space<vmem>>, vector<16xi32>,
      %shift_right_arithmetic3A_425 = arith.constant 4 : i32
      %shift_right_arithmetic3A_426 = vector.broadcast %shift_right_arithmetic3A_425 : i32 to vector<16xi32>
      %shift_right_arithmetic3A_427 = arith.shrsi %get3A_424, %shift_right_arithmetic3A_426 : vector<16xi32>
      %and3A_428 = arith.constant 15 : i32
      %and3A_429 = vector.broadcast %and3A_428 : i32 to vector<16xi32>
      %and3A_430 = arith.andi %get3A_424, %and3A_429 : vector<16xi32>
      tpu.vector_store_idx %arg14[%shift_right_arithmetic3A_427, %and3A_430], %broadcast_in_dim3A_338 {add = true} : memref<640x16xf32, #tpu.memory_space<vmem>>[vector<16xi32>, vector<16xi32>], vector<16xf32>,
      %get3A_431 = arith.constant 78 : i32
      %get3A_432 = arith.index_cast %get3A_431 : i32 to index
      %get3A_433 = arith.constant 48 : index
      %get3A_434 = tpu.vector_load %arg8[%get3A_432, %get3A_433] {strides = array<i32>} : memref<79x128xi32, #tpu.memory_space<vmem>>, vector<16xi32>,
      %shift_right_arithmetic3A_435 = arith.constant 4 : i32
      %shift_right_arithmetic3A_436 = vector.broadcast %shift_right_arithmetic3A_435 : i32 to vector<16xi32>
      %shift_right_arithmetic3A_437 = arith.shrsi %get3A_434, %shift_right_arithmetic3A_436 : vector<16xi32>
      %and3A_438 = arith.constant 15 : i32
      %and3A_439 = vector.broadcast %and3A_438 : i32 to vector<16xi32>
      %and3A_440 = arith.andi %get3A_434, %and3A_439 : vector<16xi32>
      tpu.vector_store_idx %arg14[%shift_right_arithmetic3A_437, %and3A_440], %broadcast_in_dim3A_338 {add = true} : memref<640x16xf32, #tpu.memory_space<vmem>>[vector<16xi32>, vector<16xi32>], vector<16xf32>,
      %get3A_441 = arith.constant 78 : i32
      %get3A_442 = arith.index_cast %get3A_441 : i32 to index
      %get3A_443 = arith.constant 64 : index
      %get3A_444 = tpu.vector_load %arg8[%get3A_442, %get3A_443] {strides = array<i32>} : memref<79x128xi32, #tpu.memory_space<vmem>>, vector<16xi32>,
      %shift_right_arithmetic3A_445 = arith.constant 4 : i32
      %shift_right_arithmetic3A_446 = vector.broadcast %shift_right_arithmetic3A_445 : i32 to vector<16xi32>
      %shift_right_arithmetic3A_447 = arith.shrsi %get3A_444, %shift_right_arithmetic3A_446 : vector<16xi32>
      %and3A_448 = arith.constant 15 : i32
      %and3A_449 = vector.broadcast %and3A_448 : i32 to vector<16xi32>
      %and3A_450 = arith.andi %get3A_444, %and3A_449 : vector<16xi32>
      tpu.vector_store_idx %arg14[%shift_right_arithmetic3A_447, %and3A_450], %broadcast_in_dim3A_338 {add = true} : memref<640x16xf32, #tpu.memory_space<vmem>>[vector<16xi32>, vector<16xi32>], vector<16xf32>,
      %get3A_451 = arith.constant 78 : i32
      %get3A_452 = arith.index_cast %get3A_451 : i32 to index
      %get3A_453 = arith.constant 80 : index
      %get3A_454 = tpu.vector_load %arg8[%get3A_452, %get3A_453] {strides = array<i32>} : memref<79x128xi32, #tpu.memory_space<vmem>>, vector<16xi32>,
      %shift_right_arithmetic3A_455 = arith.constant 4 : i32
      %shift_right_arithmetic3A_456 = vector.broadcast %shift_right_arithmetic3A_455 : i32 to vector<16xi32>
      %shift_right_arithmetic3A_457 = arith.shrsi %get3A_454, %shift_right_arithmetic3A_456 : vector<16xi32>
      %and3A_458 = arith.constant 15 : i32
      %and3A_459 = vector.broadcast %and3A_458 : i32 to vector<16xi32>
      %and3A_460 = arith.andi %get3A_454, %and3A_459 : vector<16xi32>
      tpu.vector_store_idx %arg14[%shift_right_arithmetic3A_457, %and3A_460], %broadcast_in_dim3A_338 {add = true} : memref<640x16xf32, #tpu.memory_space<vmem>>[vector<16xi32>, vector<16xi32>], vector<16xf32>,
      %get3A_461 = arith.constant 78 : i32
      %get3A_462 = arith.index_cast %get3A_461 : i32 to index
      %get3A_463 = arith.constant 96 : index
      %get3A_464 = tpu.vector_load %arg8[%get3A_462, %get3A_463] {strides = array<i32>} : memref<79x128xi32, #tpu.memory_space<vmem>>, vector<16xi32>,
      %shift_right_arithmetic3A_465 = arith.constant 4 : i32
      %shift_right_arithmetic3A_466 = vector.broadcast %shift_right_arithmetic3A_465 : i32 to vector<16xi32>
      %shift_right_arithmetic3A_467 = arith.shrsi %get3A_464, %shift_right_arithmetic3A_466 : vector<16xi32>
      %and3A_468 = arith.constant 15 : i32
      %and3A_469 = vector.broadcast %and3A_468 : i32 to vector<16xi32>
      %and3A_470 = arith.andi %get3A_464, %and3A_469 : vector<16xi32>
      tpu.vector_store_idx %arg14[%shift_right_arithmetic3A_467, %and3A_470], %broadcast_in_dim3A_338 {add = true} : memref<640x16xf32, #tpu.memory_space<vmem>>[vector<16xi32>, vector<16xi32>], vector<16xf32>,
      %get3A_471 = arith.constant 78 : i32
      %get3A_472 = arith.index_cast %get3A_471 : i32 to index
      %get3A_473 = arith.constant 112 : index
      %get3A_474 = tpu.vector_load %arg8[%get3A_472, %get3A_473] {strides = array<i32>} : memref<79x128xi32, #tpu.memory_space<vmem>>, vector<16xi32>,
      %shift_right_arithmetic3A_475 = arith.constant 4 : i32
      %shift_right_arithmetic3A_476 = vector.broadcast %shift_right_arithmetic3A_475 : i32 to vector<16xi32>
      %shift_right_arithmetic3A_477 = arith.shrsi %get3A_474, %shift_right_arithmetic3A_476 : vector<16xi32>
      %and3A_478 = arith.constant 15 : i32
      %and3A_479 = vector.broadcast %and3A_478 : i32 to vector<16xi32>
      %and3A_480 = arith.andi %get3A_474, %and3A_479 : vector<16xi32>
      tpu.vector_store_idx %arg14[%shift_right_arithmetic3A_477, %and3A_480], %broadcast_in_dim3A_338 {add = true} : memref<640x16xf32, #tpu.memory_space<vmem>>[vector<16xi32>, vector<16xi32>], vector<16xf32>,
      %dma_wait3A_481 = arith.constant 78 : i32
      %dma_wait3A_482 = arith.constant 0 : i32
      %dma_wait3A_483 = tpu.memref_slice %arg8[%dma_wait3A_481, %dma_wait3A_482] : memref<79x128xi32, #tpu.memory_space<vmem>> -> memref<1x128xi32, #tpu.memory_space<vmem>>
      %dma_wait3A_484 = tpu.memref_squeeze %dma_wait3A_483 : memref<1x128xi32, #tpu.memory_space<vmem>> -> memref<128xi32, #tpu.memory_space<vmem>>
      %dma_wait3A_485 = arith.constant 0 : i32
      %dma_wait3A_486 = arith.constant 0 : i32
      %dma_wait3A_487 = tpu.memref_slice %arg13[%dma_wait3A_485, %dma_wait3A_486] : memref<10112x32xf32, #tpu.memory_space<vmem_shared>> -> memref<10112x32xf32, #tpu.memory_space<vmem_shared>>
      tpu.wait_indirect_dma semaphore(%arg21 : memref<!tpu.dma_semaphore, #tpu.memory_space<semaphore_mem>>) src(%arg9 : memref<128x32xf32, #tpu.memory_space<vmem>>) dst(%dma_wait3A_487 : memref<10112x32xf32, #tpu.memory_space<vmem_shared>>)
    } else {
    }
    %run_scoped3A = arith.constant 0 : i32
    "tpu.region"() ({
      %run_scoped3A_383 = tpu.sem_alloc : memref<!tpu.dma_semaphore, #tpu.memory_space<semaphore_mem>>
      %dma_start3A_384 = arith.constant 0 : i32
      %dma_start3A_385 = arith.constant 0 : i32
      %dma_start3A_386 = tpu.memref_slice %arg14[%dma_start3A_384, %dma_start3A_385] : memref<640x16xf32, #tpu.memory_space<vmem>> -> memref<128x16xf32, #tpu.memory_space<vmem>>
      %dma_start3A_387 = arith.constant 0 : i32
      %dma_start3A_388 = tpu.memref_slice %arg15[%run_scoped3A, %dma_start3A_387] : memref<5x128xi32, #tpu.memory_space<vmem>> -> memref<1x128xi32, #tpu.memory_space<vmem>>
      %dma_start3A_389 = tpu.memref_squeeze %dma_start3A_388 : memref<1x128xi32, #tpu.memory_space<vmem>> -> memref<128xi32, #tpu.memory_space<vmem>>
      %dma_start3A_390 = arith.constant 0 : i32
      %dma_start3A_391 = arith.constant 0 : i32
      %dma_start3A_392 = tpu.memref_slice %arg17[%dma_start3A_390, %dma_start3A_391] : memref<640x16xf32, #tpu.memory_space<vmem_shared>> -> memref<640x16xf32, #tpu.memory_space<vmem_shared>>
      tpu.enqueue_indirect_dma source(%dma_start3A_386 : memref<128x16xf32, #tpu.memory_space<vmem>>) target(%dma_start3A_392 : memref<640x16xf32, #tpu.memory_space<vmem_shared>>) offsets(%dma_start3A_389 : memref<128xi32, #tpu.memory_space<vmem>>) semaphore(%run_scoped3A_383 : memref<!tpu.dma_semaphore, #tpu.memory_space<semaphore_mem>>) {add = true}
      %dma_wait3A_393 = arith.constant 0 : i32
      %dma_wait3A_394 = arith.constant 0 : i32
      %dma_wait3A_395 = tpu.memref_slice %arg14[%dma_wait3A_393, %dma_wait3A_394] : memref<640x16xf32, #tpu.memory_space<vmem>> -> memref<128x16xf32, #tpu.memory_space<vmem>>
      %dma_wait3A_396 = arith.constant 0 : i32
      %dma_wait3A_397 = tpu.memref_slice %arg15[%run_scoped3A, %dma_wait3A_396] : memref<5x128xi32, #tpu.memory_space<vmem>> -> memref<1x128xi32, #tpu.memory_space<vmem>>
      %dma_wait3A_398 = tpu.memref_squeeze %dma_wait3A_397 : memref<1x128xi32, #tpu.memory_space<vmem>> -> memref<128xi32, #tpu.memory_space<vmem>>
      %dma_wait3A_399 = arith.constant 0 : i32
      %dma_wait3A_400 = arith.constant 0 : i32
      %dma_wait3A_401 = tpu.memref_slice %arg17[%dma_wait3A_399, %dma_wait3A_400] : memref<640x16xf32, #tpu.memory_space<vmem_shared>> -> memref<640x16xf32, #tpu.memory_space<vmem_shared>>
      tpu.wait_indirect_dma semaphore(%run_scoped3A_383 : memref<!tpu.dma_semaphore, #tpu.memory_space<semaphore_mem>>) src(%dma_wait3A_395 : memref<128x16xf32, #tpu.memory_space<vmem>>) dst(%dma_wait3A_401 : memref<640x16xf32, #tpu.memory_space<vmem_shared>>)
      tpu.yield
    }) : () -> ()
    %run_scoped3A_364 = arith.constant 1 : i32
    "tpu.region"() ({
      %run_scoped3A_383 = tpu.sem_alloc : memref<!tpu.dma_semaphore, #tpu.memory_space<semaphore_mem>>
      %dma_start3A_384 = arith.constant 128 : i32
      %dma_start3A_385 = arith.constant 0 : i32
      %dma_start3A_386 = tpu.memref_slice %arg14[%dma_start3A_384, %dma_start3A_385] : memref<640x16xf32, #tpu.memory_space<vmem>> -> memref<128x16xf32, #tpu.memory_space<vmem>>
      %dma_start3A_387 = arith.constant 0 : i32
      %dma_start3A_388 = tpu.memref_slice %arg15[%run_scoped3A_364, %dma_start3A_387] : memref<5x128xi32, #tpu.memory_space<vmem>> -> memref<1x128xi32, #tpu.memory_space<vmem>>
      %dma_start3A_389 = tpu.memref_squeeze %dma_start3A_388 : memref<1x128xi32, #tpu.memory_space<vmem>> -> memref<128xi32, #tpu.memory_space<vmem>>
      %dma_start3A_390 = arith.constant 0 : i32
      %dma_start3A_391 = arith.constant 0 : i32
      %dma_start3A_392 = tpu.memref_slice %arg17[%dma_start3A_390, %dma_start3A_391] : memref<640x16xf32, #tpu.memory_space<vmem_shared>> -> memref<640x16xf32, #tpu.memory_space<vmem_shared>>
      tpu.enqueue_indirect_dma source(%dma_start3A_386 : memref<128x16xf32, #tpu.memory_space<vmem>>) target(%dma_start3A_392 : memref<640x16xf32, #tpu.memory_space<vmem_shared>>) offsets(%dma_start3A_389 : memref<128xi32, #tpu.memory_space<vmem>>) semaphore(%run_scoped3A_383 : memref<!tpu.dma_semaphore, #tpu.memory_space<semaphore_mem>>) {add = true}
      %dma_wait3A_393 = arith.constant 128 : i32
      %dma_wait3A_394 = arith.constant 0 : i32
      %dma_wait3A_395 = tpu.memref_slice %arg14[%dma_wait3A_393, %dma_wait3A_394] : memref<640x16xf32, #tpu.memory_space<vmem>> -> memref<128x16xf32, #tpu.memory_space<vmem>>
      %dma_wait3A_396 = arith.constant 0 : i32
      %dma_wait3A_397 = tpu.memref_slice %arg15[%run_scoped3A_364, %dma_wait3A_396] : memref<5x128xi32, #tpu.memory_space<vmem>> -> memref<1x128xi32, #tpu.memory_space<vmem>>
      %dma_wait3A_398 = tpu.memref_squeeze %dma_wait3A_397 : memref<1x128xi32, #tpu.memory_space<vmem>> -> memref<128xi32, #tpu.memory_space<vmem>>
      %dma_wait3A_399 = arith.constant 0 : i32
      %dma_wait3A_400 = arith.constant 0 : i32
      %dma_wait3A_401 = tpu.memref_slice %arg17[%dma_wait3A_399, %dma_wait3A_400] : memref<640x16xf32, #tpu.memory_space<vmem_shared>> -> memref<640x16xf32, #tpu.memory_space<vmem_shared>>
      tpu.wait_indirect_dma semaphore(%run_scoped3A_383 : memref<!tpu.dma_semaphore, #tpu.memory_space<semaphore_mem>>) src(%dma_wait3A_395 : memref<128x16xf32, #tpu.memory_space<vmem>>) dst(%dma_wait3A_401 : memref<640x16xf32, #tpu.memory_space<vmem_shared>>)
      tpu.yield
    }) : () -> ()
    %run_scoped3A_365 = arith.constant 2 : i32
    "tpu.region"() ({
      %run_scoped3A_383 = tpu.sem_alloc : memref<!tpu.dma_semaphore, #tpu.memory_space<semaphore_mem>>
      %dma_start3A_384 = arith.constant 256 : i32
      %dma_start3A_385 = arith.constant 0 : i32
      %dma_start3A_386 = tpu.memref_slice %arg14[%dma_start3A_384, %dma_start3A_385] : memref<640x16xf32, #tpu.memory_space<vmem>> -> memref<128x16xf32, #tpu.memory_space<vmem>>
      %dma_start3A_387 = arith.constant 0 : i32
      %dma_start3A_388 = tpu.memref_slice %arg15[%run_scoped3A_365, %dma_start3A_387] : memref<5x128xi32, #tpu.memory_space<vmem>> -> memref<1x128xi32, #tpu.memory_space<vmem>>
      %dma_start3A_389 = tpu.memref_squeeze %dma_start3A_388 : memref<1x128xi32, #tpu.memory_space<vmem>> -> memref<128xi32, #tpu.memory_space<vmem>>
      %dma_start3A_390 = arith.constant 0 : i32
      %dma_start3A_391 = arith.constant 0 : i32
      %dma_start3A_392 = tpu.memref_slice %arg17[%dma_start3A_390, %dma_start3A_391] : memref<640x16xf32, #tpu.memory_space<vmem_shared>> -> memref<640x16xf32, #tpu.memory_space<vmem_shared>>
      tpu.enqueue_indirect_dma source(%dma_start3A_386 : memref<128x16xf32, #tpu.memory_space<vmem>>) target(%dma_start3A_392 : memref<640x16xf32, #tpu.memory_space<vmem_shared>>) offsets(%dma_start3A_389 : memref<128xi32, #tpu.memory_space<vmem>>) semaphore(%run_scoped3A_383 : memref<!tpu.dma_semaphore, #tpu.memory_space<semaphore_mem>>) {add = true}
      %dma_wait3A_393 = arith.constant 256 : i32
      %dma_wait3A_394 = arith.constant 0 : i32
      %dma_wait3A_395 = tpu.memref_slice %arg14[%dma_wait3A_393, %dma_wait3A_394] : memref<640x16xf32, #tpu.memory_space<vmem>> -> memref<128x16xf32, #tpu.memory_space<vmem>>
      %dma_wait3A_396 = arith.constant 0 : i32
      %dma_wait3A_397 = tpu.memref_slice %arg15[%run_scoped3A_365, %dma_wait3A_396] : memref<5x128xi32, #tpu.memory_space<vmem>> -> memref<1x128xi32, #tpu.memory_space<vmem>>
      %dma_wait3A_398 = tpu.memref_squeeze %dma_wait3A_397 : memref<1x128xi32, #tpu.memory_space<vmem>> -> memref<128xi32, #tpu.memory_space<vmem>>
      %dma_wait3A_399 = arith.constant 0 : i32
      %dma_wait3A_400 = arith.constant 0 : i32
      %dma_wait3A_401 = tpu.memref_slice %arg17[%dma_wait3A_399, %dma_wait3A_400] : memref<640x16xf32, #tpu.memory_space<vmem_shared>> -> memref<640x16xf32, #tpu.memory_space<vmem_shared>>
      tpu.wait_indirect_dma semaphore(%run_scoped3A_383 : memref<!tpu.dma_semaphore, #tpu.memory_space<semaphore_mem>>) src(%dma_wait3A_395 : memref<128x16xf32, #tpu.memory_space<vmem>>) dst(%dma_wait3A_401 : memref<640x16xf32, #tpu.memory_space<vmem_shared>>)
      tpu.yield
    }) : () -> ()
    %run_scoped3A_366 = arith.constant 3 : i32
    "tpu.region"() ({
      %run_scoped3A_383 = tpu.sem_alloc : memref<!tpu.dma_semaphore, #tpu.memory_space<semaphore_mem>>
      %dma_start3A_384 = arith.constant 384 : i32
      %dma_start3A_385 = arith.constant 0 : i32
      %dma_start3A_386 = tpu.memref_slice %arg14[%dma_start3A_384, %dma_start3A_385] : memref<640x16xf32, #tpu.memory_space<vmem>> -> memref<128x16xf32, #tpu.memory_space<vmem>>
      %dma_start3A_387 = arith.constant 0 : i32
      %dma_start3A_388 = tpu.memref_slice %arg15[%run_scoped3A_366, %dma_start3A_387] : memref<5x128xi32, #tpu.memory_space<vmem>> -> memref<1x128xi32, #tpu.memory_space<vmem>>
      %dma_start3A_389 = tpu.memref_squeeze %dma_start3A_388 : memref<1x128xi32, #tpu.memory_space<vmem>> -> memref<128xi32, #tpu.memory_space<vmem>>
      %dma_start3A_390 = arith.constant 0 : i32
      %dma_start3A_391 = arith.constant 0 : i32
      %dma_start3A_392 = tpu.memref_slice %arg17[%dma_start3A_390, %dma_start3A_391] : memref<640x16xf32, #tpu.memory_space<vmem_shared>> -> memref<640x16xf32, #tpu.memory_space<vmem_shared>>
      tpu.enqueue_indirect_dma source(%dma_start3A_386 : memref<128x16xf32, #tpu.memory_space<vmem>>) target(%dma_start3A_392 : memref<640x16xf32, #tpu.memory_space<vmem_shared>>) offsets(%dma_start3A_389 : memref<128xi32, #tpu.memory_space<vmem>>) semaphore(%run_scoped3A_383 : memref<!tpu.dma_semaphore, #tpu.memory_space<semaphore_mem>>) {add = true}
      %dma_wait3A_393 = arith.constant 384 : i32
      %dma_wait3A_394 = arith.constant 0 : i32
      %dma_wait3A_395 = tpu.memref_slice %arg14[%dma_wait3A_393, %dma_wait3A_394] : memref<640x16xf32, #tpu.memory_space<vmem>> -> memref<128x16xf32, #tpu.memory_space<vmem>>
      %dma_wait3A_396 = arith.constant 0 : i32
      %dma_wait3A_397 = tpu.memref_slice %arg15[%run_scoped3A_366, %dma_wait3A_396] : memref<5x128xi32, #tpu.memory_space<vmem>> -> memref<1x128xi32, #tpu.memory_space<vmem>>
      %dma_wait3A_398 = tpu.memref_squeeze %dma_wait3A_397 : memref<1x128xi32, #tpu.memory_space<vmem>> -> memref<128xi32, #tpu.memory_space<vmem>>
      %dma_wait3A_399 = arith.constant 0 : i32
      %dma_wait3A_400 = arith.constant 0 : i32
      %dma_wait3A_401 = tpu.memref_slice %arg17[%dma_wait3A_399, %dma_wait3A_400] : memref<640x16xf32, #tpu.memory_space<vmem_shared>> -> memref<640x16xf32, #tpu.memory_space<vmem_shared>>
      tpu.wait_indirect_dma semaphore(%run_scoped3A_383 : memref<!tpu.dma_semaphore, #tpu.memory_space<semaphore_mem>>) src(%dma_wait3A_395 : memref<128x16xf32, #tpu.memory_space<vmem>>) dst(%dma_wait3A_401 : memref<640x16xf32, #tpu.memory_space<vmem_shared>>)
      tpu.yield
    }) : () -> ()
    %run_scoped3A_367 = arith.constant 4 : i32
    "tpu.region"() ({
      %run_scoped3A_383 = tpu.sem_alloc : memref<!tpu.dma_semaphore, #tpu.memory_space<semaphore_mem>>
      %dma_start3A_384 = arith.constant 512 : i32
      %dma_start3A_385 = arith.constant 0 : i32
      %dma_start3A_386 = tpu.memref_slice %arg14[%dma_start3A_384, %dma_start3A_385] : memref<640x16xf32, #tpu.memory_space<vmem>> -> memref<128x16xf32, #tpu.memory_space<vmem>>
      %dma_start3A_387 = arith.constant 0 : i32
      %dma_start3A_388 = tpu.memref_slice %arg15[%run_scoped3A_367, %dma_start3A_387] : memref<5x128xi32, #tpu.memory_space<vmem>> -> memref<1x128xi32, #tpu.memory_space<vmem>>
      %dma_start3A_389 = tpu.memref_squeeze %dma_start3A_388 : memref<1x128xi32, #tpu.memory_space<vmem>> -> memref<128xi32, #tpu.memory_space<vmem>>
      %dma_start3A_390 = arith.constant 0 : i32
      %dma_start3A_391 = arith.constant 0 : i32
      %dma_start3A_392 = tpu.memref_slice %arg17[%dma_start3A_390, %dma_start3A_391] : memref<640x16xf32, #tpu.memory_space<vmem_shared>> -> memref<640x16xf32, #tpu.memory_space<vmem_shared>>
      tpu.enqueue_indirect_dma source(%dma_start3A_386 : memref<128x16xf32, #tpu.memory_space<vmem>>) target(%dma_start3A_392 : memref<640x16xf32, #tpu.memory_space<vmem_shared>>) offsets(%dma_start3A_389 : memref<128xi32, #tpu.memory_space<vmem>>) semaphore(%run_scoped3A_383 : memref<!tpu.dma_semaphore, #tpu.memory_space<semaphore_mem>>) {add = true}
      %dma_wait3A_393 = arith.constant 512 : i32
      %dma_wait3A_394 = arith.constant 0 : i32
      %dma_wait3A_395 = tpu.memref_slice %arg14[%dma_wait3A_393, %dma_wait3A_394] : memref<640x16xf32, #tpu.memory_space<vmem>> -> memref<128x16xf32, #tpu.memory_space<vmem>>
      %dma_wait3A_396 = arith.constant 0 : i32
      %dma_wait3A_397 = tpu.memref_slice %arg15[%run_scoped3A_367, %dma_wait3A_396] : memref<5x128xi32, #tpu.memory_space<vmem>> -> memref<1x128xi32, #tpu.memory_space<vmem>>
      %dma_wait3A_398 = tpu.memref_squeeze %dma_wait3A_397 : memref<1x128xi32, #tpu.memory_space<vmem>> -> memref<128xi32, #tpu.memory_space<vmem>>
      %dma_wait3A_399 = arith.constant 0 : i32
      %dma_wait3A_400 = arith.constant 0 : i32
      %dma_wait3A_401 = tpu.memref_slice %arg17[%dma_wait3A_399, %dma_wait3A_400] : memref<640x16xf32, #tpu.memory_space<vmem_shared>> -> memref<640x16xf32, #tpu.memory_space<vmem_shared>>
      tpu.wait_indirect_dma semaphore(%run_scoped3A_383 : memref<!tpu.dma_semaphore, #tpu.memory_space<semaphore_mem>>) src(%dma_wait3A_395 : memref<128x16xf32, #tpu.memory_space<vmem>>) dst(%dma_wait3A_401 : memref<640x16xf32, #tpu.memory_space<vmem_shared>>)
      tpu.yield
    }) : () -> ()
    %barrier3A_368 = arith.constant 0 : index
    tpu.barrier barrier_id(%barrier3A_368)
    "tpu.trace_stop"() : () -> ()
    "tpu.trace_start"() <{level = 10 : i32, message = "writeout"}> : () -> ()
    %mul3A_369 = arith.constant 632 : i32
    %mul3A_370 = arith.muli %arg1, %mul3A_369 : i32
    "tpu.region"() ({
      %run_scoped3A_383 = tpu.sem_alloc : memref<!tpu.dma_semaphore, #tpu.memory_space<semaphore_mem>>
      %dma_start3A_384 = arith.constant 0 : i32
      %dma_start3A_385 = tpu.memref_slice %arg13[%mul3A_370, %dma_start3A_384] : memref<10112x32xf32, #tpu.memory_space<vmem_shared>> -> memref<632x32xf32, #tpu.memory_space<vmem_shared>>
      %dma_start3A_386 = arith.constant 0 : i32
      %dma_start3A_387 = tpu.memref_slice %arg13[%mul3A_370, %dma_start3A_386] : memref<10112x32xf32, #tpu.memory_space<vmem_shared>> -> memref<632x32xf32, #tpu.memory_space<vmem_shared>>
      tpu.enqueue_dma source(%dma_start3A_387 : memref<632x32xf32, #tpu.memory_space<vmem_shared>>) target(%arg12 : memref<632x32xf32, #tpu.memory_space<vmem>>) target_semaphore(%run_scoped3A_383 : memref<!tpu.dma_semaphore, #tpu.memory_space<semaphore_mem>>)
      %dma_wait3A_388 = arith.constant 0 : i32
      %dma_wait3A_389 = tpu.memref_slice %arg13[%mul3A_370, %dma_wait3A_388] : memref<10112x32xf32, #tpu.memory_space<vmem_shared>> -> memref<632x32xf32, #tpu.memory_space<vmem_shared>>
      %dma_wait3A_390 = arith.constant 0 : i32
      %dma_wait3A_391 = tpu.memref_slice %arg13[%mul3A_370, %dma_wait3A_390] : memref<10112x32xf32, #tpu.memory_space<vmem_shared>> -> memref<632x32xf32, #tpu.memory_space<vmem_shared>>
      tpu.wait_dma2 semaphore(%run_scoped3A_383 : memref<!tpu.dma_semaphore, #tpu.memory_space<semaphore_mem>>) src(%dma_wait3A_391 : memref<632x32xf32, #tpu.memory_space<vmem_shared>>) dst(%arg12 : memref<632x32xf32, #tpu.memory_space<vmem>>)
      tpu.yield
    }) : () -> ()
    %mul3A_371 = arith.constant 10112 : i32
    %mul3A_372 = arith.muli %arg0, %mul3A_371 : i32
    %mul3A_373 = arith.constant 632 : i32
    %mul3A_374 = arith.muli %arg1, %mul3A_373 : i32
    %add3A_375 = arith.addi %mul3A_372, %mul3A_374 : i32
    "tpu.region"() ({
      %run_scoped3A_383 = tpu.sem_alloc : memref<!tpu.dma_semaphore, #tpu.memory_space<semaphore_mem>>
      %dma_start3A_384 = arith.constant 0 : i32
      %dma_start3A_385 = tpu.memref_slice %arg5[%add3A_375, %dma_start3A_384] : memref<20224x32xf32, #tpu.memory_space<hbm>> -> memref<632x32xf32, #tpu.memory_space<hbm>>
      %dma_start3A_386 = arith.constant 0 : i32
      %dma_start3A_387 = tpu.memref_slice %arg5[%add3A_375, %dma_start3A_386] : memref<20224x32xf32, #tpu.memory_space<hbm>> -> memref<632x32xf32, #tpu.memory_space<hbm>>
      tpu.enqueue_dma source(%arg12 : memref<632x32xf32, #tpu.memory_space<vmem>>) target(%dma_start3A_387 : memref<632x32xf32, #tpu.memory_space<hbm>>) target_semaphore(%run_scoped3A_383 : memref<!tpu.dma_semaphore, #tpu.memory_space<semaphore_mem>>)
      %dma_wait3A_388 = arith.constant 0 : i32
      %dma_wait3A_389 = tpu.memref_slice %arg5[%add3A_375, %dma_wait3A_388] : memref<20224x32xf32, #tpu.memory_space<hbm>> -> memref<632x32xf32, #tpu.memory_space<hbm>>
      %dma_wait3A_390 = arith.constant 0 : i32
      %dma_wait3A_391 = tpu.memref_slice %arg5[%add3A_375, %dma_wait3A_390] : memref<20224x32xf32, #tpu.memory_space<hbm>> -> memref<632x32xf32, #tpu.memory_space<hbm>>
      tpu.wait_dma2 semaphore(%run_scoped3A_383 : memref<!tpu.dma_semaphore, #tpu.memory_space<semaphore_mem>>) src(%arg12 : memref<632x32xf32, #tpu.memory_space<vmem>>) dst(%dma_wait3A_391 : memref<632x32xf32, #tpu.memory_space<hbm>>)
      tpu.yield
    }) : () -> ()
    %mul3A_376 = arith.constant 40 : i32
    %mul3A_377 = arith.muli %arg1, %mul3A_376 : i32
    "tpu.region"() ({
      %run_scoped3A_383 = tpu.sem_alloc : memref<!tpu.dma_semaphore, #tpu.memory_space<semaphore_mem>>
      %dma_start3A_384 = arith.constant 0 : i32
      %dma_start3A_385 = tpu.memref_slice %arg17[%mul3A_377, %dma_start3A_384] : memref<640x16xf32, #tpu.memory_space<vmem_shared>> -> memref<40x16xf32, #tpu.memory_space<vmem_shared>>
      %dma_start3A_386 = arith.constant 0 : i32
      %dma_start3A_387 = tpu.memref_slice %arg17[%mul3A_377, %dma_start3A_386] : memref<640x16xf32, #tpu.memory_space<vmem_shared>> -> memref<40x16xf32, #tpu.memory_space<vmem_shared>>
      tpu.enqueue_dma source(%dma_start3A_387 : memref<40x16xf32, #tpu.memory_space<vmem_shared>>) target(%arg16 : memref<40x16xf32, #tpu.memory_space<vmem>>) target_semaphore(%run_scoped3A_383 : memref<!tpu.dma_semaphore, #tpu.memory_space<semaphore_mem>>)
      %dma_wait3A_388 = arith.constant 0 : i32
      %dma_wait3A_389 = tpu.memref_slice %arg17[%mul3A_377, %dma_wait3A_388] : memref<640x16xf32, #tpu.memory_space<vmem_shared>> -> memref<40x16xf32, #tpu.memory_space<vmem_shared>>
      %dma_wait3A_390 = arith.constant 0 : i32
      %dma_wait3A_391 = tpu.memref_slice %arg17[%mul3A_377, %dma_wait3A_390] : memref<640x16xf32, #tpu.memory_space<vmem_shared>> -> memref<40x16xf32, #tpu.memory_space<vmem_shared>>
      tpu.wait_dma2 semaphore(%run_scoped3A_383 : memref<!tpu.dma_semaphore, #tpu.memory_space<semaphore_mem>>) src(%dma_wait3A_391 : memref<40x16xf32, #tpu.memory_space<vmem_shared>>) dst(%arg16 : memref<40x16xf32, #tpu.memory_space<vmem>>)
      tpu.yield
    }) : () -> ()
    %mul3A_378 = arith.constant 640 : i32
    %mul3A_379 = arith.muli %arg0, %mul3A_378 : i32
    %mul3A_380 = arith.constant 40 : i32
    %mul3A_381 = arith.muli %arg1, %mul3A_380 : i32
    %add3A_382 = arith.addi %mul3A_379, %mul3A_381 : i32
    "tpu.region"() ({
      %run_scoped3A_383 = tpu.sem_alloc : memref<!tpu.dma_semaphore, #tpu.memory_space<semaphore_mem>>
      %dma_start3A_384 = arith.constant 0 : i32
      %dma_start3A_385 = tpu.memref_slice %arg6[%add3A_382, %dma_start3A_384] : memref<1280x16xf32, #tpu.memory_space<hbm>> -> memref<40x16xf32, #tpu.memory_space<hbm>>
      %dma_start3A_386 = arith.constant 0 : i32
      %dma_start3A_387 = tpu.memref_slice %arg6[%add3A_382, %dma_start3A_386] : memref<1280x16xf32, #tpu.memory_space<hbm>> -> memref<40x16xf32, #tpu.memory_space<hbm>>
      tpu.enqueue_dma source(%arg16 : memref<40x16xf32, #tpu.memory_space<vmem>>) target(%dma_start3A_387 : memref<40x16xf32, #tpu.memory_space<hbm>>) target_semaphore(%run_scoped3A_383 : memref<!tpu.dma_semaphore, #tpu.memory_space<semaphore_mem>>)
      %dma_wait3A_388 = arith.constant 0 : i32
      %dma_wait3A_389 = tpu.memref_slice %arg6[%add3A_382, %dma_wait3A_388] : memref<1280x16xf32, #tpu.memory_space<hbm>> -> memref<40x16xf32, #tpu.memory_space<hbm>>
      %dma_wait3A_390 = arith.constant 0 : i32
      %dma_wait3A_391 = tpu.memref_slice %arg6[%add3A_382, %dma_wait3A_390] : memref<1280x16xf32, #tpu.memory_space<hbm>> -> memref<40x16xf32, #tpu.memory_space<hbm>>
      tpu.wait_dma2 semaphore(%run_scoped3A_383 : memref<!tpu.dma_semaphore, #tpu.memory_space<semaphore_mem>>) src(%arg16 : memref<40x16xf32, #tpu.memory_space<vmem>>) dst(%dma_wait3A_391 : memref<40x16xf32, #tpu.memory_space<hbm>>)
      tpu.yield
    }) : () -> ()
    "tpu.trace_stop"() : () -> ()
    return
  }
}

module attributes {stable_mosaic.version = 14 : i64} {
  func.func @body(%arg0: memref<10000x128xf32, #tpu.memory_space<vmem>>, %arg1: memref<32x128xf32, #tpu.memory_space<vmem>>, %arg2: memref<32x128xf32, #tpu.memory_space<vmem>>, %arg3: memref<10000x32xf32, #tpu.memory_space<vmem>>, %arg4: memref<10000x32xf32, #tpu.memory_space<vmem>>) attributes {dimension_semantics = [], scalar_prefetch = 0 : i64, scratch_operands = 0 : i64, tpu.core_type = #tpu.core_type<tc>} {
    %get3A = arith.constant 0 : index
    %get3A_0 = arith.constant 0 : index
    %get3A_1 = vector.load %arg0[%get3A, %get3A_0] : memref<10000x128xf32, #tpu.memory_space<vmem>>, vector<10000x128xf32>
    %get3A_2 = arith.constant 0 : index
    %get3A_3 = arith.constant 0 : index
    %get3A_4 = vector.load %arg1[%get3A_2, %get3A_3] : memref<32x128xf32, #tpu.memory_space<vmem>>, vector<32x128xf32>
    %dot_general3A = arith.constant dense<0.000000e+00> : vector<10000x32xf32>
    %dot_general3A_5 = tpu.matmul %get3A_1, %get3A_4, %dot_general3A {dimension_numbers = #tpu.dot_dimension_numbers<[1], [1], [0], [0], [0, 0, 1, 0], [], []>, transpose_lhs_hint = false} : vector<10000x128xf32>, vector<32x128xf32>, vector<10000x32xf32> -> vector<10000x32xf32>
    %swap3A = arith.constant 0 : index
    %swap3A_6 = arith.constant 0 : index
    %swap3A_7 = vector.load %arg3[%swap3A, %swap3A_6] : memref<10000x32xf32, #tpu.memory_space<vmem>>, vector<10000x32xf32>
    tpu.vector_store %arg3[%swap3A, %swap3A_6], %dot_general3A_5 {strides = array<i32>} : memref<10000x32xf32, #tpu.memory_space<vmem>>, vector<10000x32xf32>,
    %get3A_8 = arith.constant 0 : index
    %get3A_9 = arith.constant 0 : index
    %get3A_10 = vector.load %arg2[%get3A_8, %get3A_9] : memref<32x128xf32, #tpu.memory_space<vmem>>, vector<32x128xf32>
    %dot_general3A_11 = arith.constant dense<0.000000e+00> : vector<10000x32xf32>
    %dot_general3A_12 = tpu.matmul %get3A_1, %get3A_10, %dot_general3A_11 {dimension_numbers = #tpu.dot_dimension_numbers<[1], [1], [0], [0], [0, 0, 1, 0], [], []>, transpose_lhs_hint = false} : vector<10000x128xf32>, vector<32x128xf32>, vector<10000x32xf32> -> vector<10000x32xf32>
    %swap3A_13 = arith.constant 0 : index
    %swap3A_14 = arith.constant 0 : index
    %swap3A_15 = vector.load %arg4[%swap3A_13, %swap3A_14] : memref<10000x32xf32, #tpu.memory_space<vmem>>, vector<10000x32xf32>
    tpu.vector_store %arg4[%swap3A_13, %swap3A_14], %dot_general3A_12 {strides = array<i32>} : memref<10000x32xf32, #tpu.memory_space<vmem>>, vector<10000x32xf32>,
    return
  }
}

module attributes {stable_mosaic.version = 14 : i64} {
  func.func @body(%arg0: memref<20224x32xf32, #tpu.memory_space<vmem>>, %arg1: memref<10000x1xf32, #tpu.memory_space<vmem>>, %arg2: memref<10000x32xf32, #tpu.memory_space<vmem>>, %arg3: memref<1x32xf32, #tpu.memory_space<vmem>>, %arg4: memref<16x32xf32, #tpu.memory_space<vmem>>, %arg5: memref<16x32xf32, #tpu.memory_space<vmem>>, %arg6: memref<1x16xf32, #tpu.memory_space<vmem>>, %arg7: memref<10000x16xf32, #tpu.memory_space<vmem>>, %arg8: memref<10000x16xf32, #tpu.memory_space<vmem>>, %arg9: memref<10000x16xf32, #tpu.memory_space<vmem>>) attributes {dimension_semantics = [], scalar_prefetch = 0 : i64, scratch_operands = 0 : i64, tpu.core_type = #tpu.core_type<tc>} {
    %get3A = arith.constant 0 : index
    %get3A_0 = arith.constant 0 : index
    %get3A_1 = vector.load %arg0[%get3A, %get3A_0] : memref<20224x32xf32, #tpu.memory_space<vmem>>, vector<10000x32xf32>
    %get3A_2 = arith.constant 10112 : index
    %get3A_3 = arith.constant 0 : index
    %get3A_4 = vector.load %arg0[%get3A_2, %get3A_3] : memref<20224x32xf32, #tpu.memory_space<vmem>>, vector<10000x32xf32>
    %add3A = arith.addf %get3A_1, %get3A_4 : vector<10000x32xf32>
    %get3A_5 = arith.constant 0 : index
    %get3A_6 = arith.constant 0 : index
    %get3A_7 = vector.load %arg1[%get3A_5, %get3A_6] : memref<10000x1xf32, #tpu.memory_space<vmem>>, vector<10000x1xf32>
    %max3A = arith.constant 1.000000e+00 : f32
    %max3A_8 = vector.broadcast %max3A : f32 to vector<10000x1xf32>
    %max3A_9 = arith.maximumf %get3A_7, %max3A_8 : vector<10000x1xf32>
    %div3A = arith.constant 1.000000e+00 : f32
    %div3A_10 = vector.broadcast %div3A : f32 to vector<10000x1xf32>
    %div3A_11 = arith.divf %div3A_10, %max3A_9 : vector<10000x1xf32>
    %mul3A = vector.broadcast %div3A_11 : vector<10000x1xf32> to vector<10000x32xf32>
    %mul3A_12 = arith.mulf %add3A, %mul3A : vector<10000x32xf32>
    %get3A_13 = arith.constant 0 : index
    %get3A_14 = arith.constant 0 : index
    %get3A_15 = vector.load %arg3[%get3A_13, %get3A_14] : memref<1x32xf32, #tpu.memory_space<vmem>>, vector<1x32xf32>
    %add3A_16 = vector.broadcast %get3A_15 : vector<1x32xf32> to vector<10000x32xf32>
    %add3A_17 = arith.addf %mul3A_12, %add3A_16 : vector<10000x32xf32>
    %get3A_18 = arith.constant 0 : index
    %get3A_19 = arith.constant 0 : index
    %get3A_20 = vector.load %arg2[%get3A_18, %get3A_19] : memref<10000x32xf32, #tpu.memory_space<vmem>>, vector<10000x32xf32>
    %add3A_21 = arith.addf %add3A_17, %get3A_20 : vector<10000x32xf32>
    %max3A_22 = arith.constant 0.000000e+00 : f32
    %max3A_23 = vector.broadcast %max3A_22 : f32 to vector<10000x32xf32>
    %max3A_24 = arith.maximumf %add3A_21, %max3A_23 : vector<10000x32xf32>
    %get3A_25 = arith.constant 0 : index
    %get3A_26 = arith.constant 0 : index
    %get3A_27 = vector.load %arg4[%get3A_25, %get3A_26] : memref<16x32xf32, #tpu.memory_space<vmem>>, vector<16x32xf32>
    %dot_general3A = arith.constant dense<0.000000e+00> : vector<10000x16xf32>
    %dot_general3A_28 = tpu.matmul %max3A_24, %get3A_27, %dot_general3A {dimension_numbers = #tpu.dot_dimension_numbers<[1], [1], [0], [0], [0, 0, 1, 0], [], []>, transpose_lhs_hint = false} : vector<10000x32xf32>, vector<16x32xf32>, vector<10000x16xf32> -> vector<10000x16xf32>
    %swap3A = arith.constant 0 : index
    %swap3A_29 = arith.constant 0 : index
    %swap3A_30 = vector.load %arg7[%swap3A, %swap3A_29] : memref<10000x16xf32, #tpu.memory_space<vmem>>, vector<10000x16xf32>
    tpu.vector_store %arg7[%swap3A, %swap3A_29], %dot_general3A_28 {strides = array<i32>} : memref<10000x16xf32, #tpu.memory_space<vmem>>, vector<10000x16xf32>,
    %get3A_31 = arith.constant 0 : index
    %get3A_32 = arith.constant 0 : index
    %get3A_33 = vector.load %arg5[%get3A_31, %get3A_32] : memref<16x32xf32, #tpu.memory_space<vmem>>, vector<16x32xf32>
    %dot_general3A_34 = arith.constant dense<0.000000e+00> : vector<10000x16xf32>
    %dot_general3A_35 = tpu.matmul %max3A_24, %get3A_33, %dot_general3A_34 {dimension_numbers = #tpu.dot_dimension_numbers<[1], [1], [0], [0], [0, 0, 1, 0], [], []>, transpose_lhs_hint = false} : vector<10000x32xf32>, vector<16x32xf32>, vector<10000x16xf32> -> vector<10000x16xf32>
    %get3A_36 = arith.constant 0 : index
    %get3A_37 = arith.constant 0 : index
    %get3A_38 = vector.load %arg6[%get3A_36, %get3A_37] : memref<1x16xf32, #tpu.memory_space<vmem>>, vector<1x16xf32>
    %add3A_39 = vector.broadcast %get3A_38 : vector<1x16xf32> to vector<10000x16xf32>
    %add3A_40 = arith.addf %dot_general3A_35, %add3A_39 : vector<10000x16xf32>
    %swap3A_41 = arith.constant 0 : index
    %swap3A_42 = arith.constant 0 : index
    %swap3A_43 = vector.load %arg8[%swap3A_41, %swap3A_42] : memref<10000x16xf32, #tpu.memory_space<vmem>>, vector<10000x16xf32>
    tpu.vector_store %arg8[%swap3A_41, %swap3A_42], %add3A_40 {strides = array<i32>} : memref<10000x16xf32, #tpu.memory_space<vmem>>, vector<10000x16xf32>,
    %broadcast_in_dim3A = vector.shape_cast %div3A_11 : vector<10000x1xf32> to vector<10000x1xf32>
    %broadcast_in_dim3A_44 = vector.broadcast %broadcast_in_dim3A : vector<10000x1xf32> to vector<10000x16xf32>
    %swap3A_45 = arith.constant 0 : index
    %swap3A_46 = arith.constant 0 : index
    %swap3A_47 = vector.load %arg9[%swap3A_45, %swap3A_46] : memref<10000x16xf32, #tpu.memory_space<vmem>>, vector<10000x16xf32>
    tpu.vector_store %arg9[%swap3A_45, %swap3A_46], %broadcast_in_dim3A_44 {strides = array<i32>} : memref<10000x16xf32, #tpu.memory_space<vmem>>, vector<10000x16xf32>,
    return
  }
}

module attributes {stable_mosaic.version = 14 : i64} {
  func.func @body(%arg0: memref<20224x16xf32, #tpu.memory_space<vmem>>, %arg1: memref<10000x16xf32, #tpu.memory_space<vmem>>, %arg2: memref<10000x16xf32, #tpu.memory_space<vmem>>, %arg3: memref<10000x16xf32, #tpu.memory_space<vmem>>) attributes {dimension_semantics = [], scalar_prefetch = 0 : i64, scratch_operands = 0 : i64, tpu.core_type = #tpu.core_type<tc>} {
    %get3A = arith.constant 0 : index
    %get3A_0 = arith.constant 0 : index
    %get3A_1 = vector.load %arg0[%get3A, %get3A_0] : memref<20224x16xf32, #tpu.memory_space<vmem>>, vector<10000x16xf32>
    %get3A_2 = arith.constant 10112 : index
    %get3A_3 = arith.constant 0 : index
    %get3A_4 = vector.load %arg0[%get3A_2, %get3A_3] : memref<20224x16xf32, #tpu.memory_space<vmem>>, vector<10000x16xf32>
    %add3A = arith.addf %get3A_1, %get3A_4 : vector<10000x16xf32>
    %get3A_5 = arith.constant 0 : index
    %get3A_6 = arith.constant 0 : index
    %get3A_7 = vector.load %arg1[%get3A_5, %get3A_6] : memref<10000x16xf32, #tpu.memory_space<vmem>>, vector<10000x16xf32>
    %mul3A = arith.mulf %add3A, %get3A_7 : vector<10000x16xf32>
    %get3A_8 = arith.constant 0 : index
    %get3A_9 = arith.constant 0 : index
    %get3A_10 = vector.load %arg2[%get3A_8, %get3A_9] : memref<10000x16xf32, #tpu.memory_space<vmem>>, vector<10000x16xf32>
    %add3A_11 = arith.addf %mul3A, %get3A_10 : vector<10000x16xf32>
    %swap3A = arith.constant 0 : index
    %swap3A_12 = arith.constant 0 : index
    %swap3A_13 = vector.load %arg3[%swap3A, %swap3A_12] : memref<10000x16xf32, #tpu.memory_space<vmem>>, vector<10000x16xf32>
    tpu.vector_store %arg3[%swap3A, %swap3A_12], %add3A_11 {strides = array<i32>} : memref<10000x16xf32, #tpu.memory_space<vmem>>, vector<10000x16xf32>,
    return
  }
}

</mosaic_0001>

<sc_bundles>
// kernel: kernel.10.cloned.1.call-start
scs
__scs_entry_jumppad:
0x0: {  	(pc) =	sbr.rel $0x88, $3  }
0x1: {  	(tag) =	ssettag $0x0;
	lr =	simm.s32 $0x1  }
0x2: {  	[smem:$0x3F99] =	sst lr;
	_ =	strace $0xD0000000  }
0x3: {  	_ = 	snop  }
0x4: {  	_ = 	snop  }
0x5: {  	_ = 	snop  }
0x6: {  	_ = 	snop  }
0x7: {  	_ = 	snop  }
__scs_overlays_trampoline_lowered:
0x8: {  	[smem:$0x3FA8] =	sst s0  }
0x9: {  	[smem:$0x3FA9] =	sst s1  }
0xa: {  	[smem:$0x3FAA] =	sst s2  }
0xb: {  	[smem:$0x3FAB] =	sst s3  }
0xc: {  	[smem:$0x3FAC] =	sst s4  }
0xd: {  	[smem:$0x3FAD] =	sst s5  }
0xe: {  	[smem:$0x3FAE] =	sst s6  }
0xf: {  	[smem:$0x3FAF] =	sst s7  }
0x10: {  	[smem:$0x3FB0] =	sst s8  }
0x11: {  	[smem:$0x3FB1] =	sst s9;
	s0 =	simm.s32 @!p0 $0x0  }
0x12: {  	s1 =	sld [smem:$0x3F97];
	s0 =	simm.s32 @p0 $0x1  }
0x13: {  	[smem:$0x3FB2] =	sst s0;
	s0 =	simm.s32 @!p1 $0x0  }
0x14: {  	s2 =	sld [smem:$0x3F96];
	s0 =	simm.s32 @p1 $0x1  }
0x15: {  	[smem:$0x3FB3] =	sst s0;
	s0 =	simm.s32 @!p2 $0x0  }
0x16: {  	s3 =	sld [smem:$0x3FDB];
	s0 =	simm.s32 @p2 $0x1  }
0x17: {  	s4 =	simm.s32 $0x1BF5;
	[smem:$0x3FB5] =	sst s0  }
0x18: {  	s0 =	sld [smem:$0x3F98];
	_ =	swait.ge [sflag:s4], $0x0  }
0x19: {  	s7 =	sld [smem:$0x3F99]  }
0x1a: {  	s8 =	sadd.s32 $0xFFFFE003, lr  }
0x1b: {  	s9 =	sadd.s32 $0xFFFFFEF7, lr;
	s5 =	simm.s32 $0xFFFFFFFF;
	p2 =	slt.u32 s8, $0xFFFFF086  }
0x1c: {  	p1 =	slt.u32 s9, $0xF7A;
	s5 =	simm.s32 @!p2 $0x0  }
0x1d: {  	s5 =	simm.s32 @p1 $0x1;
	p0 =	seq.s32 s7, s2  }
0x1e: {  	s7 =	smul.u32 @!p0 $0xF7A, s2;
	p2 =	seq.s32 @!p0 s5, $0x0  }
0x1f: {  	s9 =	smul.u32 $0xF7A, s1;
	s8 =	simm.s32 @!p0 $0x1BF5;
	p2 =	por !p2, p0  }
0x20: {  	[sflag:s8] =	ssyncset.s32 @!p0 $0xFFFFF086;
	s6 =	sadd.s32 @!p0 s3, s7;
	s7 =	simm.s32 @!p0 $0x108  }
0x21: {  	s3 =	sadd.s32 s3, s9;
	s6 =	sadd.s32 @!p0 $0x88, s6;
	s7 =	simm.s32 @p2 $0x1082  }
0x22: {  	[simem:s7], [sflag:s8] =	dma.local @!p0 [hbm:s6], $0xF7A  }
0x23: {  	s9 =	sor.u32 $0xD0000000, s2;
	s6 =	simm.s32 $0x108;
	_ =	swait.ge @!p0 [sflag:s8], $0x0  }
0x24: {  	s3 =	sadd.s32 $0x88, s3;
	s6 =	simm.s32 @!p1 $0x1082;
	[sflag:s4] =	ssyncset.s32 $0xFFFFF086  }
0x25: {  	[simem:s6], [sflag:s4] =	dma.local [hbm:s3], $0xF7A  }
0x26: {  	[smem:$0x3F99] =	sst s1;
	(tag) =	ssettag s2;
	_ =	strace s9  }
0x27: {  	s1 =	sld [smem:$0x3FA9]  }
0x28: {  	s2 =	sld [smem:$0x3FAA]  }
0x29: {  	s4 =	sld [smem:$0x3FAC]  }
0x2a: {  	p0 =	seq.s32 s5, $0x0;
	s5 =	sld [smem:$0x3FAD]  }
0x2b: {  	s6 =	sld [smem:$0x3FAE]  }
0x2c: {  	s7 =	sld [smem:$0x3FAF]  }
0x2d: {  	s3 =	simm.s32 $0x108;
	s8 =	sld [smem:$0x3FB0]  }
0x2e: {  	s3 =	simm.s32 @!p0 $0x1082;
	s9 =	sld [smem:$0x3FB1]  }
0x2f: {  	lr =	sadd.s32 s0, s3;
	s0 =	sld [smem:$0x3FA8]  }
0x30: {  	s3 =	sld [smem:$0x3FAB]  }
0x31: {  	[smem:$0x3FB4] =	sst s10  }
0x32: {  	s10 =	sld [smem:$0x3FB2];
	_ =	sdelay $0x3  }
0x33: {  	p0 =	seq.s32 s10, $0x1;
	s10 =	sld [smem:$0x3FB4];
	_ =	sdelay $0x3  }
0x34: {  	[smem:$0x3FB4] =	sst s10  }
0x35: {  	s10 =	sld [smem:$0x3FB3];
	_ =	sdelay $0x3  }
0x36: {  	p1 =	seq.s32 s10, $0x1;
	s10 =	sld [smem:$0x3FB4];
	_ =	sdelay $0x3  }
0x37: {  	[smem:$0x3FB4] =	sst s10  }
0x38: {  	s10 =	sld [smem:$0x3FB5]  }
0x39: {  	_ = 	snop;
	(pc) =	sbr.ind lr, $3  }
0x3a: {  	_ = 	snop  }
0x3b: {  	_ = 	snop  }
0x3c: {  	p2 =	seq.s32 s10, $0x1;
	s10 =	sld [smem:$0x3FB4]  }
0x3d: {  	_ =	shalt  }
0x3e: {  	_ =	shalt  }
0x3f: {  	_ =	shalt  }
0x40: {  	_ =	shalt  }
0x41: {  	_ =	shalt  }
0x42: {  	_ =	shalt  }
0x43: {  	_ =	shalt  }
0x44: {  	_ =	shalt  }
0x45: {  	_ =	shalt  }
0x46: {  	_ =	shalt  }
0x47: {  	_ =	shalt  }
0x48: {  	_ =	shalt  }
0x49: {  	_ =	shalt  }
0x4a: {  	_ =	shalt  }
0x4b: {  	_ =	shalt  }
0x4c: {  	_ =	shalt  }
0x4d: {  	_ =	shalt  }
0x4e: {  	_ =	shalt  }
0x4f: {  	_ =	shalt  }
0x50: {  	_ =	shalt  }
0x51: {  	_ =	shalt  }
0x52: {  	_ =	shalt  }
0x53: {  	_ =	shalt  }
0x54: {  	_ =	shalt  }
0x55: {  	_ =	shalt  }
0x56: {  	_ =	shalt  }
0x57: {  	_ =	shalt  }
0x58: {  	_ =	shalt  }
0x59: {  	_ =	shalt  }
0x5a: {  	_ =	shalt  }
0x5b: {  	_ =	shalt  }
0x5c: {  	_ =	shalt  }
0x5d: {  	_ =	shalt  }
0x5e: {  	_ =	shalt  }
0x5f: {  	_ =	shalt  }
0x60: {  	_ =	shalt  }
0x61: {  	_ =	shalt  }
0x62: {  	_ =	shalt  }
0x63: {  	_ =	shalt  }
0x64: {  	_ =	shalt  }
0x65: {  	_ =	shalt  }
0x66: {  	_ =	shalt  }
0x67: {  	_ =	shalt  }
0x68: {  	_ =	shalt  }
0x69: {  	_ =	shalt  }
0x6a: {  	_ =	shalt  }
0x6b: {  	_ =	shalt  }
0x6c: {  	_ =	shalt  }
0x6d: {  	_ =	shalt  }
0x6e: {  	_ =	shalt  }
0x6f: {  	_ =	shalt  }
0x70: {  	_ =	shalt  }
0x71: {  	_ =	shalt  }
0x72: {  	_ =	shalt  }
0x73: {  	_ =	shalt  }
0x74: {  	_ =	shalt  }
0x75: {  	_ =	shalt  }
0x76: {  	_ =	shalt  }
0x77: {  	_ =	shalt  }
0x78: {  	_ =	shalt  }
0x79: {  	_ =	shalt  }
0x7a: {  	_ =	shalt  }
0x7b: {  	_ =	shalt  }
0x7c: {  	_ =	shalt  }
0x7d: {  	_ =	shalt  }
0x7e: {  	_ =	shalt  }
0x7f: {  	_ =	shalt  }
0x80: {  	_ =	shalt  }
0x81: {  	_ =	shalt  }
0x82: {  	_ =	shalt  }
0x83: {  	_ =	shalt  }
0x84: {  	_ =	shalt  }
0x85: {  	_ =	shalt  }
0x86: {  	_ =	shalt  }
0x87: {  	_ =	shalt  }
.Lfunc_end0:
.L_simem_size_0:
called_computation.1_lowered:
.L_overlay_start_0:
0x88: {  	s2 =	sld [smem:$0x3FD9]  }
0x89: {  	s3 =	sld [smem:$0x3FFE];
	_ =	sdelay $0x1  }
0x8a: {  	s1 =	srdreg.scid  }
0x8b: {  	s0 =	sand.u32 $0x1, s1  }
0x8c: {  	s17 =	sshll.u32 s0, $0xA;
	s2 =	sadd.s32 s3, s2  }
0x8d: {  	s2 =	sadd.s32 s2, s17  }
0x8e: {  	[smem:$0x3FC0] =	sst s2  }
0x8f: {  	_ = 	snop  }
0x90: {  	s2 =	sld [smem:$0x3FD0];
	(tm) =	ssettm $0x1  }
0x91: {  	s18 =	sld [smem:$0x3FFB];
	_ =	sdelay $0x3  }
0x92: {  	_ =	strace s18  }
0x93: {  	s3 =	sld [smem:$0x3FFC];
	_ =	sdelay $0x3  }
0x94: {  	_ =	strace s3  }
0x95: {  	s3 =	sld [smem:$0x3FFD];
	_ =	sdelay $0x3  }
0x96: {  	_ =	strace s3  }
0x97: {  	_ =	strace $0x8FFFFFFF  }
0x98: {  	s19 =	sld [smem:$0x3FDB];
	_ =	sdelay $0x1  }
0x99: {  	s4 =	simm.s32 $_scs_section_size  }
0x9a: {  	s5 =	simm.s32 $_size__tile_overlayer_lowered;
	s6 =	simm.s32 $_tile_overlayer_lowered  }
0x9b: {  	s22 =	simm.s32 $0x1BFF;
	s21 =	sshll.u32 s6, $0x1;
	s3 =	sadd.s32 s4, s19  }
0x9c: {  	s7 =	simm.s32 $0x0;
	s20 =	sshll.u32 s5, $0x1;
	s5 =	sadd.s32 s21, s3  }
0x9d: {  	[timem:s7], [sflag:s22] =	dma.local [hbm:s5], s20  }
0x9e: {  	_ =	swait.ge [sflag:s22], s20  }
0x9f: {  	s4 =	ssub.s32 $0x0, s20;
	[sflag:s22] =	ssyncset.done $0x0  }
0xa0: {  	[sflag:s22] =	ssyncadd.s32 s4;
	_ =	sdelay $0x1  }
0xa1: {  	s23 =	simm.s32 $0x1B8B  }
0xa2: {  	_ =	swait.ge [sflag:s23], $0x1  }
0xa3: {  	[sflag:s23] =	ssyncset.done $0x0  }
0xa4: {  	s25 =	simm.s32 $0x1B8E;
	s24 =	sld [smem:$0x3FFE];
	[sflag:s23] =	ssyncadd.s32 $0xFFFFFFFF  }
0xa5: {  	s26 =	simm.s32 $execute0_lowered;
	[smem:$0x3FD2] =	sst s25  }
0xa6: {  	s5 =	sshll.u32 s26, $0x1;
	_ =	strace $0x8000004D;
	[dreg:$0x1] =	wrdreg $0xFFFFFFFF  }
0xa7: {  	s28 =	simm.s32 $_size_execute0_lowered;
	s3 =	sadd.s32 s3, s5;
	[dreg:$0x0] =	wrdreg $0x0  }
0xa8: {  	s5 =	sshll.u32 s28, $0x1;
	[dreg:$0x2] =	wrdreg s3  }
0xa9: {  	[dreg:$0x3] =	wrdreg s5  }
0xaa: {  	[dreg:$0x4] =	wrdreg $0xC0  }
0xab: {  	_ =	task [dreg:s7], $0x5FFFF  }
0xac: {  	[dreg:$0x1] =	wrdreg $0xFFFFFFFF  }
0xad: {  	[dreg:$0x0] =	wrdreg $0x60  }
0xae: {  	[dreg:$0x2] =	wrdreg s2  }
0xaf: {  	[dreg:$0x3] =	wrdreg s24  }
0xb0: {  	[dreg:$0x4] =	wrdreg $0x8E800  }
0xb1: {  	[dreg:$0x5] =	wrdreg $0x9  }
0xb2: {  	_ =	task.clear_ibuf [dreg:s7], $0x6FFFF;
	_ =	strace $0x9000004D  }
0xb3: {  	s29 =	simm.s32 $0x9;
	_ =	strace $0x80000053  }
0xb4: {  	_ =	swait.ge [sflag:s29], $0x1  }
0xb5: {  	[sflag:s29] =	ssyncadd.s32 $0xFFFFFFFF  }
0xb6: {  	_ =	strace $0x90000053  }
0xb7: {  	_ =	sfence  }
0xb8: {  	s30 =	sld [smem:$0x0];
	_ =	sdelay $0x2  }
0xb9: {  	s31 =	sshll.u32 s1, $0xD;
	s1 =	sshrl.u32 s1, $0x2  }
0xba: {  	s3 =	sand.u32 $0x4000, s31;
	s1 =	sadd.s32 s1, s30  }
0xbb: {  	s0 =	sor.u32 s3, s0;
	s1 =	sshll.u32 s1, $0x11  }
0xbc: {  	s0 =	sor.u32 s1, s0  }
0xbd: {  	s0 =	sadd.s32 $0x8F2B, s0  }
0xbe: {  	[sflag:s0] =	ssyncadd.remote.s32 $0x1  }
0xbf: {  	_ =	sfence.sel $0xFFFF  }
0xc0: {  	[dreg:$0x0] =	wrdreg $0xFFFFFFFF;
	(pc) =	sbr.abs _section_cstart, $3  }
0xc1: {  	[dreg:$0x1] =	wrdreg $0xFFFFFFFF  }
0xc2: {  	_ =	task.clear_ibuf [dreg:s7], $0x2FFFF;
	_ =	strace $0x9FFFFFFF  }
0xc3: {  	(tm) =	ssettm $0x7FFFFFFF  }
tec
execute0_lowered:
.L_overlay_start_1:
0x0: {  	(tag) =	ssettag $0x1  }
0x1: {  	s1 =	rddreg [dreg:$0x0]  }
0x2: {  	s2 =	rddreg [dreg:$0x1];
	s3 =	srdreg.scid  }
0x3: {  	s0 =	stileid.u32;
	s11 =	simm.s32 $0x2780;
	s12 =	simm.s32 $0x6700  }
0x4: {  	s13 =	simm.s32 $0x80;
	s14 =	simm.s32 $0x4F00;
	s15 =	simm.s32 $0x5700  }
0x5: {  	s16 =	simm.s32 $0x100;
	s17 =	simm.s32 $0x5F00;
	s18 =	simm.s32 $0x1  }
0x6: {  	s19 =	simm.s32 $0x2;
	s20 =	simm.s32 $0x2800;
	s21 =	simm.s32 $0x4  }
0x7: {  	s22 =	simm.s32 $0x180;
	s23 =	simm.s32 $0x3;
	s28 =	simm.s32 $0x6  }
0x8: {  	s29 =	simm.s32 $0x0;
	s5 =	sand.u32 $0x1, s3;
	s6 =	smul.u32 $0x4F0, s0  }
0x9: {  	s4 =	sshll.u32 s0, $0x1;
	s3 =	rddreg [dreg:$0x2];
	s25 =	smul.u32 $0x9E00, s0  }
0xa: {  	p0 =	slt.u32 s0, $0xE;
	s7 =	smul.u32 $0x4F00, s5;
	s8 =	sor.u32 s5, s4  }
0xb: {  	s4 =	simm.s32 $0x0;
	s5 =	ssub.s32 $0x2, s5;
	s9 =	smul.u32 $0x4E, s8  }
0xc: {  	[smem:$0x7FF] =	sst s4;
	s8 =	smax.u32 s8, $0x1C;
	s30 =	sshrl.u32 s5, $0x1  }
0xd: {  	s31 =	sshrl.u32 s25, $0x2;
	s25 =	simm.s32 $0x5;
	_ =	strace $0x8000004E  }
.Ltmp0:
0xe: {  	s6 =	sadd.s32 s6, s7;
	s10 =	ssub.s32 s5, s30;
	(pc) =	sbr.rel .LBB2_1-.Ltmp0, $4  }
0xf: {  	s24 =	sadd.s32 s9, s8;
	s26 =	sadd.s32 s6, s2;
	s9 =	smax.u32 s10, $0x1  }
0x10: {  	s10 =	simm.s32 $0x7;
	s7 =	sshll.u32 s24, $0x4;
	s8 =	sadd.s32 $0x15800, s26  }
0x11: {  	s24 =	simm.s32 $0x2880;
	s26 =	simm.s32 $0x200;
	s2 =	sadd.s32 s2, s7  }
0x12: {  	v0 =	vimm.f32 $0.0e+00;
	s7 =	sadd.s32 s31, s3;
	s5 =	sadd.s32 $0xB840, s2;
	s6 =	sadd.s32 $0x1A40, s2  }
.LBB2_6:
0x13: {  	_ =	swait.ge [sflag:s23], $0x800  }
0x14: {  	[sflag:s23] =	ssyncset.done $0x0  }
0x15: {  	[sflag:s23] =	ssyncadd.s32 $0xFFFFF800  }
0x16: {  	[spmem:s3] =	stream.indirect.scatter.add.f32 [tilespmem:s17], [sflag:$0x6], $0x10, s2, s13, $0x2000b8;
	[tilespmem:$0xB600] =	vst v63  }
0x17: {  	_ =	swait.ge [sflag:s25], $0x800  }
0x18: {  	[sflag:s25] =	ssyncset.done $0x0  }
0x19: {  	[sflag:s25] =	ssyncadd.s32 $0xFFFFF800  }
0x1a: {  	_ =	swait.ge [sflag:s28], $0x800  }
0x1b: {  	s0 =	simm.s32 @!p0 $0x80;
	[sflag:s28] =	ssyncset.done $0x0  }
0x1c: {  	s30 =	simm.s32 @!p0 $0x4F00;
	s2 =	simm.s32 @!p0 $0x2700;
	[sflag:s28] =	ssyncadd.s32 $0xFFFFF800  }
0x1d: {  	[tilespmem:s30], [sflag:$0x1] =	stream.indirect.gather @!p0 [hbm4b:s1+s0], $0x10, s2, s0, $0x2000b8;
	[tilespmem:$0xB600] =	vst v63  }
0x1e: {  	s2 =	simm.s32 @!p0 $0x1  }
0x1f: {  	_ =	swait.ge @!p0 [sflag:s2], $0x800  }
0x20: {  	[sflag:s2] =	ssyncset.done @!p0 $0x0  }
0x21: {  	[sflag:s2] =	ssyncadd.s32 @!p0 $0xFFFFF800;
	s2 =	simm.s32 @!p0 $0x4E80  }
0x22: {  	[spmem:s3] =	stream.indirect.scatter.add.f32 @!p0 [tilespmem:s30], [sflag:$0x4], $0x10, s2, s0, $0x2000b8;
	[tilespmem:$0xB600] =	vst v63  }
0x23: {  	s0 =	simm.s32 @!p0 $0x4  }
0x24: {  	_ =	swait.ge @!p0 [sflag:s0], $0x800  }
0x25: {  	[sflag:s0] =	ssyncset.done @!p0 $0x0  }
0x26: {  	[sflag:s0] =	ssyncadd.s32 @!p0 $0xFFFFF800  }
0x27: {  	[bflag:$0x0] =	sbarrier.arrive $0xFFFF  }
0x28: {  	_ =	strace $0x90000051  }
0x29: {  	_ =	strace $0x80000052  }
0x2a: {  	[tilespmem:s12], [sflag:$0x7] =	stream.linear.gather [spmem:s7], $0x2780, $0x200038;
	[tilespmem:$0xB600] =	vst v63  }
0x2b: {  	_ =	swait.ge [sflag:s10], $0x2780  }
0x2c: {  	s29 =	sadd.s32 $0x1, s29;
	[sflag:s10] =	ssyncset.done $0x0  }
0x2d: {  	p1 =	sne.s32 s29, s9;
	[sflag:s10] =	ssyncadd.s32 $0xFFFFD880  }
0x2e: {  	[hbm4b:s8+s4] =	stream.linear.scatter [tilespmem:s12], [sflag:$0x7], $0x2780, $0x200038;
	[tilespmem:$0xB600] =	vst v63  }
.Ltmp1:
0x2f: {  	_ = 	snop;
	(pc) =	sbr.rel @!p1 .LBB2_7-.Ltmp1, $4  }
0x30: {  	_ =	swait.ge [sflag:s10], $0x2780  }
0x31: {  	[sflag:s10] =	ssyncset.done $0x0  }
0x32: {  	[sflag:s10] =	ssyncadd.s32 $0xFFFFD880  }
0x33: {  	_ =	strace $0x90000052  }
.LBB2_1:
0x34: {  	_ =	strace $0x8000004F  }
0x35: {  	[tilespmem:s4], [sflag:$0x7] =	stream.linear.gather [hbm4b:s5+s4], $0x2780, $0x200038;
	[tilespmem:$0xB600] =	vst v63  }
0x36: {  	_ =	swait.ge [sflag:s10], $0x2780  }
0x37: {  	[sflag:s10] =	ssyncset.done $0x0  }
0x38: {  	[sflag:s10] =	ssyncadd.s32 $0xFFFFD880  }
0x39: {  	[tilespmem:s11], [sflag:$0x7] =	stream.linear.gather [hbm4b:s6+s4], $0x2780, $0x200038;
	[tilespmem:$0xB600] =	vst v63  }
0x3a: {  	_ =	swait.ge [sflag:s10], $0x2780  }
0x3b: {  	[sflag:s10] =	ssyncset.done $0x0  }
0x3c: {  	[sflag:s10] =	ssyncadd.s32 $0xFFFFD880  }
0x3d: {  	_ =	strace $0x9000004F  }
0x3e: {  	s30 =	simm.s32 $0x40;
	s2 =	simm.s32 $0x0;
	_ =	strace $0x80000050  }
.LBB2_2:
0x3f: {  	p1 =	sne.s32 s30, $0x9DC0;
	[tilespmem:s2+$0x6700] =	vst v0;
	s2 =	smov.u32 s30;
	s30 =	sadd.s32 $0x40, s30  }
.Ltmp2:
0x40: {  	(pc) =	sbr.rel @p1 .LBB2_2-.Ltmp2, $2  }
0x41: {  	_ =	sdelay $0x2  }
0x42: {  	s2 =	sshra.s32 s2, $0x2  }
0x43: {  	[tilespmem:s2+$0x6700] =	vst v0  }
0x44: {  	[spmem:s7] =	stream.linear.scatter [tilespmem:s12], [sflag:$0x7], $0x2780, $0x200038;
	[tilespmem:$0xB600] =	vst v63  }
0x45: {  	_ =	swait.ge [sflag:s10], $0x2780  }
0x46: {  	[sflag:s10] =	ssyncset.done $0x0  }
0x47: {  	[sflag:s10] =	ssyncadd.s32 $0xFFFFD880  }
0x48: {  	[bflag:$0x0] =	sbarrier.arrive $0xFFFF  }
0x49: {  	_ =	strace $0x90000050  }
0x4a: {  	s30 =	simm.s32 $0x0;
	_ =	strace $0x80000051  }
0x4b: {  	[tilespmem:s14], [sflag:$0x1] =	stream.indirect.gather [hbm4b:s1+s13], $0x10, s30, s13, $0x2000b8;
	[tilespmem:$0xB600] =	vst v63  }
0x4c: {  	_ = 	snop  }
0x4d: {  	[tilespmem:s15], [sflag:$0x2] =	stream.indirect.gather [hbm4b:s1+s13], $0x10, s13, s13, $0x2000b8;
	[tilespmem:$0xB600] =	vst v63  }
0x4e: {  	_ = 	snop  }
0x4f: {  	[tilespmem:s17], [sflag:$0x3] =	stream.indirect.gather [hbm4b:s1+s13], $0x10, s16, s13, $0x2000b8;
	[tilespmem:$0xB600] =	vst v63  }
0x50: {  	_ =	swait.ge [sflag:s18], $0x800  }
0x51: {  	[sflag:s18] =	ssyncset.done $0x0  }
0x52: {  	[sflag:s18] =	ssyncadd.s32 $0xFFFFF800  }
0x53: {  	[spmem:s3] =	stream.indirect.scatter.add.f32 [tilespmem:s14], [sflag:$0x4], $0x10, s11, s13, $0x2000b8;
	[tilespmem:$0xB600] =	vst v63  }
0x54: {  	_ =	swait.ge [sflag:s19], $0x800  }
0x55: {  	[sflag:s19] =	ssyncset.done $0x0  }
0x56: {  	[sflag:s19] =	ssyncadd.s32 $0xFFFFF800  }
0x57: {  	[spmem:s3] =	stream.indirect.scatter.add.f32 [tilespmem:s15], [sflag:$0x5], $0x10, s20, s13, $0x2000b8;
	[tilespmem:$0xB600] =	vst v63  }
0x58: {  	_ =	swait.ge [sflag:s21], $0x800  }
0x59: {  	[sflag:s21] =	ssyncset.done $0x0  }
0x5a: {  	[sflag:s21] =	ssyncadd.s32 $0xFFFFF800  }
0x5b: {  	[tilespmem:s14], [sflag:$0x1] =	stream.indirect.gather [hbm4b:s1+s13], $0x10, s22, s13, $0x2000b8;
	[tilespmem:$0xB600] =	vst v63  }
0x5c: {  	_ =	swait.ge [sflag:s23], $0x800  }
0x5d: {  	[sflag:s23] =	ssyncset.done $0x0  }
0x5e: {  	[sflag:s23] =	ssyncadd.s32 $0xFFFFF800  }
0x5f: {  	[spmem:s3] =	stream.indirect.scatter.add.f32 [tilespmem:s17], [sflag:$0x6], $0x10, s24, s13, $0x2000b8;
	[tilespmem:$0xB600] =	vst v63  }
0x60: {  	_ =	swait.ge [sflag:s25], $0x800  }
0x61: {  	[sflag:s25] =	ssyncset.done $0x0  }
0x62: {  	[sflag:s25] =	ssyncadd.s32 $0xFFFFF800  }
0x63: {  	[tilespmem:s15], [sflag:$0x2] =	stream.indirect.gather [hbm4b:s1+s13], $0x10, s26, s13, $0x2000b8;
	[tilespmem:$0xB600] =	vst v63  }
.LBB2_4:
0x64: {  	_ =	swait.ge [sflag:s28], $0x800  }
0x65: {  	s31 =	sshra.s32 s30, $0x2;
	[sflag:s28] =	ssyncset.done $0x0  }
0x66: {  	s2 =	sadd.s32 $0x280, s31;
	[sflag:s28] =	ssyncadd.s32 $0xFFFFF800  }
0x67: {  	[tilespmem:s17], [sflag:$0x3] =	stream.indirect.gather [hbm4b:s1+s13], $0x10, s2, s13, $0x2000b8;
	[tilespmem:$0xB600] =	vst v63  }
0x68: {  	_ =	swait.ge [sflag:s18], $0x800  }
0x69: {  	[sflag:s18] =	ssyncset.done $0x0  }
0x6a: {  	s0 =	sadd.s32 $0x2900, s31;
	[sflag:s18] =	ssyncadd.s32 $0xFFFFF800  }
0x6b: {  	[spmem:s3] =	stream.indirect.scatter.add.f32 [tilespmem:s14], [sflag:$0x4], $0x10, s0, s13, $0x2000b8;
	[tilespmem:$0xB600] =	vst v63  }
0x6c: {  	_ =	swait.ge [sflag:s19], $0x800  }
0x6d: {  	p1 =	seq.s32 s30, $0x9000;
	[sflag:s19] =	ssyncset.done $0x0  }
.Ltmp3:
0x6e: {  	s0 =	sadd.s32 $0x2980, s31;
	[sflag:s19] =	ssyncadd.s32 $0xFFFFF800;
	(pc) =	sbr.rel @p1 .LBB2_6-.Ltmp3, $4  }
0x6f: {  	[spmem:s3] =	stream.indirect.scatter.add.f32 [tilespmem:s15], [sflag:$0x5], $0x10, s0, s13, $0x2000b8;
	[tilespmem:$0xB600] =	vst v63  }
0x70: {  	_ =	swait.ge [sflag:s21], $0x800  }
0x71: {  	[sflag:s21] =	ssyncset.done $0x0  }
0x72: {  	s2 =	sadd.s32 $0x2A00, s31;
	[sflag:s21] =	ssyncadd.s32 $0xFFFFF800  }
0x73: {  	s0 =	sadd.s32 $0x300, s31  }
0x74: {  	[tilespmem:s14], [sflag:$0x1] =	stream.indirect.gather [hbm4b:s1+s13], $0x10, s0, s13, $0x2000b8;
	[tilespmem:$0xB600] =	vst v63  }
0x75: {  	_ =	swait.ge [sflag:s23], $0x800  }
0x76: {  	[sflag:s23] =	ssyncset.done $0x0  }
0x77: {  	[sflag:s23] =	ssyncadd.s32 $0xFFFFF800  }
0x78: {  	[spmem:s3] =	stream.indirect.scatter.add.f32 [tilespmem:s17], [sflag:$0x6], $0x10, s2, s13, $0x2000b8;
	[tilespmem:$0xB600] =	vst v63  }
.Ltmp4:
0x79: {  	_ = 	snop;
	(pc) =	sbr.rel .LBB2_4-.Ltmp4, $4  }
0x7a: {  	_ =	swait.ge [sflag:s25], $0x800  }
0x7b: {  	[sflag:s25] =	ssyncset.done $0x0  }
0x7c: {  	s31 =	sadd.s32 $0x380, s31;
	s30 =	sadd.s32 $0x600, s30;
	[sflag:s25] =	ssyncadd.s32 $0xFFFFF800  }
0x7d: {  	[tilespmem:s15], [sflag:$0x2] =	stream.indirect.gather [hbm4b:s1+s13], $0x10, s31, s13, $0x2000b8;
	[tilespmem:$0xB600] =	vst v63  }
.LBB2_7:
0x7e: {  	_ =	sfence.sel $0x180000  }
0x7f: {  	[bflag:$0x0] =	sbarrier.arrive $0xFFFF  }
0x80: {  	_ =	strace $0x9000004E  }
0x81: {  	s0 =	stileid.u32;
	[bflag:$0x2] =	sbarrier.arrive $0xFFFF  }
0x82: {  	p0 =	sne.s32 s0, $0x0;
	s0 =	rddreg [dreg:$0x3]  }
0x83: {  	s0 =	sadd.s32 @!p0 $0x100000, s0  }
0x84: {  	[sflag:s0] =	ssyncadd.tile.s32 @!p0 $0x1;
	_ =	shalt  }
.Lfunc_end2:
_tile_overlayer_lowered:
.L_overlay_start_2:
0x85: {  	(tag) =	ssettag $0x2  }
0x86: {  	s0 =	rddreg [dreg:$0x0];
	s2 =	stileid.u32  }
0x87: {  	s1 =	rddreg [dreg:$0x1];
	p0 =	sne.s32 s2, $0x0  }
0x88: {  	s3 =	rddreg [dreg:$0x2];
	[bflag:$0x3] =	sbarrier.arrive $0xFFFF;
	s2 =	simm.s32 @!p0 $0x1C07  }
0x89: {  	[timem:s3], [sflag:s2] =	dma.local @!p0 [hbm:s0], s1  }
0x8a: {  	s0 =	simm.s32 @!p0 $0x7  }
0x8b: {  	_ =	swait.ge @!p0 [sflag:s0], s1  }
0x8c: {  	s1 =	ssub.s32 @!p0 $0x0, s1;
	[sflag:s0] =	ssyncset.done @!p0 $0x0  }
0x8d: {  	[sflag:s0] =	ssyncadd.s32 @!p0 s1  }
0x8e: {  	[bflag:$0x3] =	sbarrier.arrive $0xFFFF  }
0x8f: {  	_ =	shalt  }

// kernel: kernel.7.cloned.1.call-start
scs
__scs_entry_jumppad:
0x0: {  	(pc) =	sbr.rel $0x88, $3  }
0x1: {  	(tag) =	ssettag $0x0;
	lr =	simm.s32 $0x1  }
0x2: {  	[smem:$0x3F99] =	sst lr;
	_ =	strace $0xD0000000  }
0x3: {  	_ = 	snop  }
0x4: {  	_ = 	snop  }
0x5: {  	_ = 	snop  }
0x6: {  	_ = 	snop  }
0x7: {  	_ = 	snop  }
__scs_overlays_trampoline_lowered:
0x8: {  	[smem:$0x3FA8] =	sst s0  }
0x9: {  	[smem:$0x3FA9] =	sst s1  }
0xa: {  	[smem:$0x3FAA] =	sst s2  }
0xb: {  	[smem:$0x3FAB] =	sst s3  }
0xc: {  	[smem:$0x3FAC] =	sst s4  }
0xd: {  	[smem:$0x3FAD] =	sst s5  }
0xe: {  	[smem:$0x3FAE] =	sst s6  }
0xf: {  	[smem:$0x3FAF] =	sst s7  }
0x10: {  	[smem:$0x3FB0] =	sst s8  }
0x11: {  	[smem:$0x3FB1] =	sst s9;
	s0 =	simm.s32 @!p0 $0x0  }
0x12: {  	s1 =	sld [smem:$0x3F97];
	s0 =	simm.s32 @p0 $0x1  }
0x13: {  	[smem:$0x3FB2] =	sst s0;
	s0 =	simm.s32 @!p1 $0x0  }
0x14: {  	s2 =	sld [smem:$0x3F96];
	s0 =	simm.s32 @p1 $0x1  }
0x15: {  	[smem:$0x3FB3] =	sst s0;
	s0 =	simm.s32 @!p2 $0x0  }
0x16: {  	s3 =	sld [smem:$0x3FDB];
	s0 =	simm.s32 @p2 $0x1  }
0x17: {  	s4 =	simm.s32 $0x1BF5;
	[smem:$0x3FB5] =	sst s0  }
0x18: {  	s0 =	sld [smem:$0x3F98];
	_ =	swait.ge [sflag:s4], $0x0  }
0x19: {  	s7 =	sld [smem:$0x3F99]  }
0x1a: {  	s8 =	sadd.s32 $0xFFFFE003, lr  }
0x1b: {  	s9 =	sadd.s32 $0xFFFFFEF7, lr;
	s5 =	simm.s32 $0xFFFFFFFF;
	p2 =	slt.u32 s8, $0xFFFFF086  }
0x1c: {  	p1 =	slt.u32 s9, $0xF7A;
	s5 =	simm.s32 @!p2 $0x0  }
0x1d: {  	s5 =	simm.s32 @p1 $0x1;
	p0 =	seq.s32 s7, s2  }
0x1e: {  	s7 =	smul.u32 @!p0 $0xF7A, s2;
	p2 =	seq.s32 @!p0 s5, $0x0  }
0x1f: {  	s9 =	smul.u32 $0xF7A, s1;
	s8 =	simm.s32 @!p0 $0x1BF5;
	p2 =	por !p2, p0  }
0x20: {  	[sflag:s8] =	ssyncset.s32 @!p0 $0xFFFFF086;
	s6 =	sadd.s32 @!p0 s3, s7;
	s7 =	simm.s32 @!p0 $0x108  }
0x21: {  	s3 =	sadd.s32 s3, s9;
	s6 =	sadd.s32 @!p0 $0x88, s6;
	s7 =	simm.s32 @p2 $0x1082  }
0x22: {  	[simem:s7], [sflag:s8] =	dma.local @!p0 [hbm:s6], $0xF7A  }
0x23: {  	s9 =	sor.u32 $0xD0000000, s2;
	s6 =	simm.s32 $0x108;
	_ =	swait.ge @!p0 [sflag:s8], $0x0  }
0x24: {  	s3 =	sadd.s32 $0x88, s3;
	s6 =	simm.s32 @!p1 $0x1082;
	[sflag:s4] =	ssyncset.s32 $0xFFFFF086  }
0x25: {  	[simem:s6], [sflag:s4] =	dma.local [hbm:s3], $0xF7A  }
0x26: {  	[smem:$0x3F99] =	sst s1;
	(tag) =	ssettag s2;
	_ =	strace s9  }
0x27: {  	s1 =	sld [smem:$0x3FA9]  }
0x28: {  	s2 =	sld [smem:$0x3FAA]  }
0x29: {  	s4 =	sld [smem:$0x3FAC]  }
0x2a: {  	p0 =	seq.s32 s5, $0x0;
	s5 =	sld [smem:$0x3FAD]  }
0x2b: {  	s6 =	sld [smem:$0x3FAE]  }
0x2c: {  	s7 =	sld [smem:$0x3FAF]  }
0x2d: {  	s3 =	simm.s32 $0x108;
	s8 =	sld [smem:$0x3FB0]  }
0x2e: {  	s3 =	simm.s32 @!p0 $0x1082;
	s9 =	sld [smem:$0x3FB1]  }
0x2f: {  	lr =	sadd.s32 s0, s3;
	s0 =	sld [smem:$0x3FA8]  }
0x30: {  	s3 =	sld [smem:$0x3FAB]  }
0x31: {  	[smem:$0x3FB4] =	sst s10  }
0x32: {  	s10 =	sld [smem:$0x3FB2];
	_ =	sdelay $0x3  }
0x33: {  	p0 =	seq.s32 s10, $0x1;
	s10 =	sld [smem:$0x3FB4];
	_ =	sdelay $0x3  }
0x34: {  	[smem:$0x3FB4] =	sst s10  }
0x35: {  	s10 =	sld [smem:$0x3FB3];
	_ =	sdelay $0x3  }
0x36: {  	p1 =	seq.s32 s10, $0x1;
	s10 =	sld [smem:$0x3FB4];
	_ =	sdelay $0x3  }
0x37: {  	[smem:$0x3FB4] =	sst s10  }
0x38: {  	s10 =	sld [smem:$0x3FB5]  }
0x39: {  	_ = 	snop;
	(pc) =	sbr.ind lr, $3  }
0x3a: {  	_ = 	snop  }
0x3b: {  	_ = 	snop  }
0x3c: {  	p2 =	seq.s32 s10, $0x1;
	s10 =	sld [smem:$0x3FB4]  }
0x3d: {  	_ =	shalt  }
0x3e: {  	_ =	shalt  }
0x3f: {  	_ =	shalt  }
0x40: {  	_ =	shalt  }
0x41: {  	_ =	shalt  }
0x42: {  	_ =	shalt  }
0x43: {  	_ =	shalt  }
0x44: {  	_ =	shalt  }
0x45: {  	_ =	shalt  }
0x46: {  	_ =	shalt  }
0x47: {  	_ =	shalt  }
0x48: {  	_ =	shalt  }
0x49: {  	_ =	shalt  }
0x4a: {  	_ =	shalt  }
0x4b: {  	_ =	shalt  }
0x4c: {  	_ =	shalt  }
0x4d: {  	_ =	shalt  }
0x4e: {  	_ =	shalt  }
0x4f: {  	_ =	shalt  }
0x50: {  	_ =	shalt  }
0x51: {  	_ =	shalt  }
0x52: {  	_ =	shalt  }
0x53: {  	_ =	shalt  }
0x54: {  	_ =	shalt  }
0x55: {  	_ =	shalt  }
0x56: {  	_ =	shalt  }
0x57: {  	_ =	shalt  }
0x58: {  	_ =	shalt  }
0x59: {  	_ =	shalt  }
0x5a: {  	_ =	shalt  }
0x5b: {  	_ =	shalt  }
0x5c: {  	_ =	shalt  }
0x5d: {  	_ =	shalt  }
0x5e: {  	_ =	shalt  }
0x5f: {  	_ =	shalt  }
0x60: {  	_ =	shalt  }
0x61: {  	_ =	shalt  }
0x62: {  	_ =	shalt  }
0x63: {  	_ =	shalt  }
0x64: {  	_ =	shalt  }
0x65: {  	_ =	shalt  }
0x66: {  	_ =	shalt  }
0x67: {  	_ =	shalt  }
0x68: {  	_ =	shalt  }
0x69: {  	_ =	shalt  }
0x6a: {  	_ =	shalt  }
0x6b: {  	_ =	shalt  }
0x6c: {  	_ =	shalt  }
0x6d: {  	_ =	shalt  }
0x6e: {  	_ =	shalt  }
0x6f: {  	_ =	shalt  }
0x70: {  	_ =	shalt  }
0x71: {  	_ =	shalt  }
0x72: {  	_ =	shalt  }
0x73: {  	_ =	shalt  }
0x74: {  	_ =	shalt  }
0x75: {  	_ =	shalt  }
0x76: {  	_ =	shalt  }
0x77: {  	_ =	shalt  }
0x78: {  	_ =	shalt  }
0x79: {  	_ =	shalt  }
0x7a: {  	_ =	shalt  }
0x7b: {  	_ =	shalt  }
0x7c: {  	_ =	shalt  }
0x7d: {  	_ =	shalt  }
0x7e: {  	_ =	shalt  }
0x7f: {  	_ =	shalt  }
0x80: {  	_ =	shalt  }
0x81: {  	_ =	shalt  }
0x82: {  	_ =	shalt  }
0x83: {  	_ =	shalt  }
0x84: {  	_ =	shalt  }
0x85: {  	_ =	shalt  }
0x86: {  	_ =	shalt  }
0x87: {  	_ =	shalt  }
.Lfunc_end0:
.L_simem_size_0:
called_computation_lowered:
.L_overlay_start_0:
0x88: {  	s2 =	sld [smem:$0x3FD9]  }
0x89: {  	s3 =	sld [smem:$0x3FFE];
	_ =	sdelay $0x1  }
0x8a: {  	s1 =	srdreg.scid  }
0x8b: {  	s0 =	sand.u32 $0x1, s1  }
0x8c: {  	s17 =	sshll.u32 s0, $0xA;
	s2 =	sadd.s32 s3, s2  }
0x8d: {  	s2 =	sadd.s32 s2, s17  }
0x8e: {  	[smem:$0x3FC0] =	sst s2  }
0x8f: {  	_ = 	snop  }
0x90: {  	s2 =	sld [smem:$0x3FD0];
	(tm) =	ssettm $0x1  }
0x91: {  	s18 =	sld [smem:$0x3FFB];
	_ =	sdelay $0x3  }
0x92: {  	_ =	strace s18  }
0x93: {  	s3 =	sld [smem:$0x3FFC];
	_ =	sdelay $0x3  }
0x94: {  	_ =	strace s3  }
0x95: {  	s3 =	sld [smem:$0x3FFD];
	_ =	sdelay $0x3  }
0x96: {  	_ =	strace s3  }
0x97: {  	_ =	strace $0x8FFFFFFF  }
0x98: {  	s19 =	sld [smem:$0x3FDB];
	_ =	sdelay $0x1  }
0x99: {  	s4 =	simm.s32 $_scs_section_size  }
0x9a: {  	s5 =	simm.s32 $_size__tile_overlayer_lowered;
	s6 =	simm.s32 $_tile_overlayer_lowered  }
0x9b: {  	s22 =	simm.s32 $0x1BFF;
	s21 =	sshll.u32 s6, $0x1;
	s3 =	sadd.s32 s4, s19  }
0x9c: {  	s7 =	simm.s32 $0x0;
	s20 =	sshll.u32 s5, $0x1;
	s5 =	sadd.s32 s21, s3  }
0x9d: {  	[timem:s7], [sflag:s22] =	dma.local [hbm:s5], s20  }
0x9e: {  	_ =	swait.ge [sflag:s22], s20  }
0x9f: {  	s4 =	ssub.s32 $0x0, s20;
	[sflag:s22] =	ssyncset.done $0x0  }
0xa0: {  	[sflag:s22] =	ssyncadd.s32 s4;
	_ =	sdelay $0x1  }
0xa1: {  	s23 =	simm.s32 $0x1B8B  }
0xa2: {  	_ =	swait.ge [sflag:s23], $0x1  }
0xa3: {  	[sflag:s23] =	ssyncset.done $0x0  }
0xa4: {  	s25 =	simm.s32 $0x1B8E;
	s24 =	sld [smem:$0x3FFE];
	[sflag:s23] =	ssyncadd.s32 $0xFFFFFFFF  }
0xa5: {  	s26 =	simm.s32 $execute0_lowered;
	[smem:$0x3FD2] =	sst s25  }
0xa6: {  	s5 =	sshll.u32 s26, $0x1;
	_ =	strace $0x80000046;
	[dreg:$0x1] =	wrdreg $0xFFFFFFFF  }
0xa7: {  	s28 =	simm.s32 $_size_execute0_lowered;
	s3 =	sadd.s32 s3, s5;
	[dreg:$0x0] =	wrdreg $0x0  }
0xa8: {  	s5 =	sshll.u32 s28, $0x1;
	[dreg:$0x2] =	wrdreg s3  }
0xa9: {  	[dreg:$0x3] =	wrdreg s5  }
0xaa: {  	[dreg:$0x4] =	wrdreg $0xC0  }
0xab: {  	_ =	task [dreg:s7], $0x5FFFF  }
0xac: {  	[dreg:$0x1] =	wrdreg $0xFFFFFFFF  }
0xad: {  	[dreg:$0x0] =	wrdreg $0x60  }
0xae: {  	[dreg:$0x2] =	wrdreg s24  }
0xaf: {  	[dreg:$0x3] =	wrdreg s2  }
0xb0: {  	[dreg:$0x4] =	wrdreg $0xCE000  }
0xb1: {  	[dreg:$0x5] =	wrdreg $0x14A000  }
0xb2: {  	[dreg:$0x6] =	wrdreg $0x9  }
0xb3: {  	_ =	task.clear_ibuf [dreg:s7], $0x7FFFF;
	_ =	strace $0x90000046  }
0xb4: {  	s29 =	simm.s32 $0x9;
	_ =	strace $0x8000004C  }
0xb5: {  	_ =	swait.ge [sflag:s29], $0x1  }
0xb6: {  	[sflag:s29] =	ssyncadd.s32 $0xFFFFFFFF  }
0xb7: {  	_ =	strace $0x9000004C  }
0xb8: {  	_ =	sfence  }
0xb9: {  	s30 =	sld [smem:$0x0];
	_ =	sdelay $0x2  }
0xba: {  	s31 =	sshll.u32 s1, $0xD;
	s1 =	sshrl.u32 s1, $0x2  }
0xbb: {  	s3 =	sand.u32 $0x4000, s31;
	s1 =	sadd.s32 s1, s30  }
0xbc: {  	s0 =	sor.u32 s3, s0;
	s1 =	sshll.u32 s1, $0x11  }
0xbd: {  	s0 =	sor.u32 s1, s0  }
0xbe: {  	s0 =	sadd.s32 $0x8F2B, s0  }
0xbf: {  	[sflag:s0] =	ssyncadd.remote.s32 $0x1  }
0xc0: {  	_ =	sfence.sel $0xFFFF  }
0xc1: {  	[dreg:$0x0] =	wrdreg $0xFFFFFFFF;
	(pc) =	sbr.abs _section_cstart, $3  }
0xc2: {  	[dreg:$0x1] =	wrdreg $0xFFFFFFFF  }
0xc3: {  	_ =	task.clear_ibuf [dreg:s7], $0x2FFFF;
	_ =	strace $0x9FFFFFFF  }
0xc4: {  	(tm) =	ssettm $0x7FFFFFFF  }
0xc5: {  	_ =	shalt  }
tec
execute0_lowered:
.L_overlay_start_1:
0x0: {  	(tag) =	ssettag $0x1  }
0x1: {  	s0 =	rddreg [dreg:$0x0]  }
0x2: {  	s1 =	rddreg [dreg:$0x1]  }
0x3: {  	s2 =	rddreg [dreg:$0x2]  }
0x4: {  	s3 =	rddreg [dreg:$0x3];
	s5 =	srdreg.scid  }
0x5: {  	s26 =	stileid.u32;
	s4 =	simm.s32 $0x0;
	s15 =	simm.s32 $0x7F00  }
0x6: {  	s16 =	simm.s32 $0x11D00;
	s17 =	simm.s32 $0x80;
	s18 =	simm.s32 $0x4F00  }
0x7: {  	s19 =	simm.s32 $0x5F00;
	s30 =	simm.s32 $0x14780;
	s7 =	smul.u32 $0x9E0, s26  }
0x8: {  	v0 =	vlaneseq.u32;
	v1 =	vimm.f32 $0.0e+00;
	v41 =	vimm.f32 $1.000000000e+00;
	s31 =	simm.s32 $0x0;
	s6 =	sand.u32 $0x1, s5;
	s23 =	smul.u32 $0x13C00, s26  }
0x9: {  	[smem:$0x7FF] =	sst s4;
	s20 =	sshll.u32 s26, $0x1;
	s12 =	smul.u32 $0x50, s26;
	v2 =	vor.u32 $0x10, v0;
	v3 =	vor.u32 $0x20, v0;
	v4 =	vor.u32 $0x30, v0  }
0xa: {  	s5 =	sadd.s32 $0x3CA00, s0;
	s13 =	smul.u32 $0xA00, s26;
	v5 =	vor.u32 $0x40, v0;
	v6 =	vor.u32 $0x50, v0;
	v7 =	vor.u32 $0x60, v0;
	p0 =	slt.u32 s26, $0xE  }
0xb: {  	v8 =	vor.u32 $0x70, v0;
	v9 =	vor.u32 $0x80, v0;
	v10 =	vor.u32 $0x90, v0;
	s26 =	simm.s32 $0x6;
	s8 =	smul.u32 $0x9E00, s6;
	_ =	strace $0x80000047  }
0xc: {  	v11 =	vor.u32 $0xA0, v0;
	v12 =	vor.u32 $0xB0, v0;
	v13 =	vor.u32 $0xC0, v0;
	s9 =	sor.u32 s6, s20;
	s11 =	ssub.s32 $0x2, s6;
	s25 =	smul.u32 $0x500, s6  }
0xd: {  	v14 =	vor.u32 $0xD0, v0;
	v15 =	vor.u32 $0xE0, v0;
	v16 =	vor.u32 $0xF0, v0;
	s20 =	simm.s32 $0x6F00;
	s21 =	smul.u32 $0x4E, s9;
	s22 =	smax.u32 s9, $0x1C  }
0xe: {  	v17 =	vor.u32 $0x100, v0;
	v18 =	vor.u32 $0x110, v0;
	v19 =	vor.u32 $0x120, v0;
	s24 =	sshrl.u32 s11, $0x1;
	s28 =	sshrl.u32 s23, $0x2;
	s29 =	sshrl.u32 s13, $0x2  }
0xf: {  	v20 =	vor.u32 $0x130, v0;
	v21 =	vor.u32 $0x140, v0;
	v22 =	vor.u32 $0x150, v0;
	s13 =	simm.s32 $0x7;
	s23 =	simm.s32 $0x4;
	s7 =	sadd.s32 s7, s8  }
0x10: {  	v23 =	vor.u32 $0x160, v0;
	v24 =	vor.u32 $0x170, v0;
	v25 =	vor.u32 $0x180, v0;
	s14 =	ssub.s32 s11, s24;
	s8 =	sadd.s32 s28, s2;
	s11 =	sadd.s32 s12, s25  }
.Ltmp0:
0x11: {  	v26 =	vor.u32 $0x190, v0;
	v27 =	vor.u32 $0x1A0, v0;
	v28 =	vor.u32 $0x1B0, v0;
	s9 =	sadd.s32 s29, s3;
	s24 =	simm.s32 $0x3;
	(pc) =	sbr.rel .LBB2_1-.Ltmp0, $4  }
0x12: {  	v29 =	vor.u32 $0x1C0, v0;
	v30 =	vor.u32 $0x1D0, v0;
	v31 =	vor.u32 $0x1E0, v0;
	s25 =	simm.s32 $0x5;
	s10 =	sadd.s32 s7, s0;
	s7 =	sadd.s32 s21, s22  }
0x13: {  	v32 =	vor.u32 $0x1F0, v0;
	v33 =	vor.u32 $0x200, v0;
	v34 =	vor.u32 $0x210, v0;
	s11 =	sadd.s32 s1, s11;
	s12 =	smax.u32 s14, $0x1;
	s7 =	sshll.u32 s7, $0x4  }
0x14: {  	v35 =	vor.u32 $0x220, v0;
	v36 =	vor.u32 $0x230, v0;
	v37 =	vor.u32 $0x240, v0;
	s21 =	simm.s32 $0x1;
	s22 =	simm.s32 $0x2;
	s0 =	sadd.s32 s0, s7  }
0x15: {  	v38 =	vor.u32 $0x250, v0;
	v39 =	vor.u32 $0x260, v0;
	v40 =	vor.u32 $0x270, v0;
	s10 =	sadd.s32 $0x46800, s10;
	s6 =	sadd.s32 $0xB840, s0;
	s7 =	sadd.s32 $0x1A40, s0  }
.LBB2_8:
0x16: {  	_ =	swait.ge [sflag:s26], $0x1000  }
0x17: {  	s0 =	simm.s32 @!p0 $0x80;
	[sflag:s26] =	ssyncset.done $0x0  }
0x18: {  	s1 =	simm.s32 @!p0 $0x2700;
	s14 =	simm.s32 @!p0 $0x4F00;
	[sflag:s26] =	ssyncadd.s32 $0xFFFFF000  }
0x19: {  	[tilespmem:s14], [sflag:$0x1] =	stream.indirect.gather @!p0 [hbm4b:s5+s0], $0x20, s1, s0, $0x2000b8;
	[tilespmem:$0x14C80] =	vst v63  }
0x1a: {  	s1 =	simm.s32 @!p0 $0x1  }
0x1b: {  	_ =	swait.ge @!p0 [sflag:s1], $0x1000  }
0x1c: {  	[sflag:s1] =	ssyncset.done @!p0 $0x0  }
0x1d: {  	[sflag:s1] =	ssyncadd.s32 @!p0 $0xFFFFF000;
	s1 =	simm.s32 @!p0 $0x4E80  }
0x1e: {  	[spmem:s2] =	stream.indirect.scatter.add.f32 @!p0 [tilespmem:s14], [sflag:$0x4], $0x20, s1, s0, $0x2000b8;
	[tilespmem:$0x14C80] =	vst v63  }
0x1f: {  	v42 =	vld @!p0 [tilespmem:$0x4E80];
	_ =	sdelay $0x6  }
0x20: {  	v43 =	vimm.f32 @!p0 $1.000000000e+00;
	s0 =	simm.s32 @!p0 $0x11D00  }
0x21: {  	[tilespmem:v42+s0+$0x0] =	vst.idx.add.f32.msk @!p0 $0xffff, v43  }
0x22: {  	v42 =	vld @!p0 [tilespmem:$0x4E90];
	_ =	sdelay $0x7  }
0x23: {  	[tilespmem:v42+s0+$0x0] =	vst.idx.add.f32.msk @!p0 $0xffff, v43  }
0x24: {  	v42 =	vld @!p0 [tilespmem:$0x4EA0];
	_ =	sdelay $0x7  }
0x25: {  	[tilespmem:v42+s0+$0x0] =	vst.idx.add.f32.msk @!p0 $0xffff, v43  }
0x26: {  	v42 =	vld @!p0 [tilespmem:$0x4EB0];
	_ =	sdelay $0x7  }
0x27: {  	[tilespmem:v42+s0+$0x0] =	vst.idx.add.f32.msk @!p0 $0xffff, v43  }
0x28: {  	v42 =	vld @!p0 [tilespmem:$0x4EC0];
	_ =	sdelay $0x7  }
0x29: {  	[tilespmem:v42+s0+$0x0] =	vst.idx.add.f32.msk @!p0 $0xffff, v43  }
0x2a: {  	v42 =	vld @!p0 [tilespmem:$0x4ED0];
	_ =	sdelay $0x7  }
0x2b: {  	[tilespmem:v42+s0+$0x0] =	vst.idx.add.f32.msk @!p0 $0xffff, v43  }
0x2c: {  	v42 =	vld @!p0 [tilespmem:$0x4EE0];
	_ =	sdelay $0x7  }
0x2d: {  	[tilespmem:v42+s0+$0x0] =	vst.idx.add.f32.msk @!p0 $0xffff, v43  }
0x2e: {  	v42 =	vld @!p0 [tilespmem:$0x4EF0];
	_ =	sdelay $0x7  }
0x2f: {  	[tilespmem:v42+s0+$0x0] =	vst.idx.add.f32.msk @!p0 $0xffff, v43;
	s0 =	simm.s32 @!p0 $0x4  }
0x30: {  	_ =	swait.ge @!p0 [sflag:s0], $0x1000  }
0x31: {  	[sflag:s0] =	ssyncset.done @!p0 $0x0  }
0x32: {  	s29 =	simm.s32 $0x14500;
	[sflag:s0] =	ssyncadd.s32 @!p0 $0xFFFFF000  }
0x33: {  	[spmem:s3] =	stream.indirect.scatter.add.f32 [tilespmem:s16], [sflag:$0x7], $0x10, s29, s17, $0x2000b8;
	[tilespmem:$0x14C80] =	vst v63  }
0x34: {  	_ =	swait.ge [sflag:s13], $0x800  }
0x35: {  	[sflag:s13] =	ssyncset.done $0x0  }
0x36: {  	s1 =	simm.s32 $0x14580;
	s14 =	simm.s32 $0x12500;
	[sflag:s13] =	ssyncadd.s32 $0xFFFFF800  }
0x37: {  	[spmem:s3] =	stream.indirect.scatter.add.f32 [tilespmem:s14], [sflag:$0x7], $0x10, s1, s17, $0x2000b8;
	[tilespmem:$0x14C80] =	vst v63  }
0x38: {  	_ =	swait.ge [sflag:s13], $0x800  }
0x39: {  	[sflag:s13] =	ssyncset.done $0x0  }
0x3a: {  	s28 =	simm.s32 $0x14600;
	s29 =	simm.s32 $0x12D00;
	[sflag:s13] =	ssyncadd.s32 $0xFFFFF800  }
0x3b: {  	[spmem:s3] =	stream.indirect.scatter.add.f32 [tilespmem:s29], [sflag:$0x7], $0x10, s28, s17, $0x2000b8;
	[tilespmem:$0x14C80] =	vst v63  }
0x3c: {  	_ =	swait.ge [sflag:s13], $0x800  }
0x3d: {  	[sflag:s13] =	ssyncset.done $0x0  }
0x3e: {  	s1 =	simm.s32 $0x14680;
	s14 =	simm.s32 $0x13500;
	[sflag:s13] =	ssyncadd.s32 $0xFFFFF800  }
0x3f: {  	[spmem:s3] =	stream.indirect.scatter.add.f32 [tilespmem:s14], [sflag:$0x7], $0x10, s1, s17, $0x2000b8;
	[tilespmem:$0x14C80] =	vst v63  }
0x40: {  	_ =	swait.ge [sflag:s13], $0x800  }
0x41: {  	[sflag:s13] =	ssyncset.done $0x0  }
0x42: {  	s28 =	simm.s32 $0x14700;
	s29 =	simm.s32 $0x13D00;
	[sflag:s13] =	ssyncadd.s32 $0xFFFFF800  }
0x43: {  	[spmem:s3] =	stream.indirect.scatter.add.f32 [tilespmem:s29], [sflag:$0x7], $0x10, s28, s17, $0x2000b8;
	[tilespmem:$0x14C80] =	vst v63  }
0x44: {  	_ =	swait.ge [sflag:s13], $0x800  }
0x45: {  	[sflag:s13] =	ssyncset.done $0x0  }
0x46: {  	[sflag:s13] =	ssyncadd.s32 $0xFFFFF800  }
0x47: {  	[bflag:$0x0] =	sbarrier.arrive $0xFFFF  }
0x48: {  	_ =	strace $0x9000004A  }
0x49: {  	_ =	strace $0x8000004B  }
0x4a: {  	[tilespmem:s15], [sflag:$0x7] =	stream.linear.gather [spmem:s8], $0x4F00, $0x200038;
	[tilespmem:$0x14C80] =	vst v63  }
0x4b: {  	_ =	swait.ge [sflag:s13], $0x4F00  }
0x4c: {  	[sflag:s13] =	ssyncset.done $0x0  }
0x4d: {  	[sflag:s13] =	ssyncadd.s32 $0xFFFFB100  }
0x4e: {  	[hbm4b:s10+s4] =	stream.linear.scatter [tilespmem:s15], [sflag:$0x7], $0x4F00, $0x200038;
	[tilespmem:$0x14C80] =	vst v63  }
0x4f: {  	_ =	swait.ge [sflag:s13], $0x4F00  }
0x50: {  	[sflag:s13] =	ssyncset.done $0x0  }
0x51: {  	[sflag:s13] =	ssyncadd.s32 $0xFFFFB100  }
0x52: {  	[tilespmem:s30], [sflag:$0x7] =	stream.linear.gather [spmem:s9], $0x280, $0x200038;
	[tilespmem:$0x14C80] =	vst v63  }
0x53: {  	_ =	swait.ge [sflag:s13], $0x280  }
0x54: {  	s31 =	sadd.s32 $0x1, s31;
	[sflag:s13] =	ssyncset.done $0x0  }
0x55: {  	p1 =	sne.s32 s31, s12;
	[sflag:s13] =	ssyncadd.s32 $0xFFFFFD80  }
0x56: {  	[hbm4b:s11+s4] =	stream.linear.scatter [tilespmem:s30], [sflag:$0x7], $0x280, $0x200038;
	[tilespmem:$0x14C80] =	vst v63  }
.Ltmp1:
0x57: {  	_ = 	snop;
	(pc) =	sbr.rel @!p1 .LBB2_9-.Ltmp1, $4  }
0x58: {  	_ =	swait.ge [sflag:s13], $0x280  }
0x59: {  	[sflag:s13] =	ssyncset.done $0x0  }
0x5a: {  	[sflag:s13] =	ssyncadd.s32 $0xFFFFFD80  }
0x5b: {  	_ =	strace $0x9000004B  }
.LBB2_1:
0x5c: {  	_ =	strace $0x80000048  }
0x5d: {  	[tilespmem:s4], [sflag:$0x7] =	stream.linear.gather [hbm4b:s6+s4], $0x2780, $0x200038;
	[tilespmem:$0x14C80] =	vst v63  }
0x5e: {  	_ =	swait.ge [sflag:s13], $0x2780  }
0x5f: {  	[sflag:s13] =	ssyncset.done $0x0  }
0x60: {  	s0 =	simm.s32 $0x2780;
	[sflag:s13] =	ssyncadd.s32 $0xFFFFD880  }
0x61: {  	[tilespmem:s0], [sflag:$0x7] =	stream.linear.gather [hbm4b:s7+s4], $0x2780, $0x200038;
	[tilespmem:$0x14C80] =	vst v63  }
0x62: {  	_ =	swait.ge [sflag:s13], $0x2780  }
0x63: {  	[sflag:s13] =	ssyncset.done $0x0  }
0x64: {  	[sflag:s13] =	ssyncadd.s32 $0xFFFFD880  }
0x65: {  	_ =	strace $0x90000048  }
0x66: {  	s1 =	simm.s32 $0x0;
	s0 =	simm.s32 $0x80;
	_ =	strace $0x80000049  }
.LBB2_2:
0x67: {  	p1 =	sne.s32 s0, $0x13B80;
	[tilespmem:s1+$0x7F00] =	vst v1;
	s14 =	smov.u32 s0;
	s0 =	sadd.s32 $0x80, s0  }
.Ltmp2:
0x68: {  	[tilespmem:s1+$0x7F10] =	vst v1;
	(pc) =	sbr.rel @p1 .LBB2_2-.Ltmp2, $2  }
0x69: {  	_ =	sdelay $0x2  }
0x6a: {  	s1 =	sshra.s32 s14, $0x2  }
0x6b: {  	[tilespmem:s1+$0x7F00] =	vst v1  }
0x6c: {  	[tilespmem:s1+$0x7F10] =	vst v1  }
0x6d: {  	[spmem:s8] =	stream.linear.scatter [tilespmem:s15], [sflag:$0x7], $0x4F00, $0x200038;
	[tilespmem:$0x14C80] =	vst v63  }
0x6e: {  	_ =	swait.ge [sflag:s13], $0x4F00  }
0x6f: {  	[sflag:s13] =	ssyncset.done $0x0  }
0x70: {  	s0 =	simm.s32 $0x40;
	s1 =	simm.s32 $0x0;
	[sflag:s13] =	ssyncadd.s32 $0xFFFFB100  }
.LBB2_4:
0x71: {  	p1 =	sne.s32 s0, $0x9FC0;
	[tilespmem:s1+$0x11D00] =	vst v1;
	s1 =	smov.u32 s0;
	s0 =	sadd.s32 $0x40, s0  }
.Ltmp3:
0x72: {  	(pc) =	sbr.rel @p1 .LBB2_4-.Ltmp3, $2  }
0x73: {  	_ =	sdelay $0x2  }
0x74: {  	s1 =	sshra.s32 s1, $0x2  }
0x75: {  	[tilespmem:s1+$0x11D00] =	vst v1  }
0x76: {  	[spmem:s9] =	stream.linear.scatter [tilespmem:s16], [sflag:$0x7], $0x280, $0x200038;
	[tilespmem:$0x14C80] =	vst v63  }
0x77: {  	_ =	swait.ge [sflag:s13], $0x280  }
0x78: {  	[sflag:s13] =	ssyncset.done $0x0  }
0x79: {  	[sflag:s13] =	ssyncadd.s32 $0xFFFFFD80  }
0x7a: {  	[tilespmem:$0x14500] =	vst v0  }
0x7b: {  	[tilespmem:$0x14510] =	vst v2  }
0x7c: {  	[tilespmem:$0x14520] =	vst v3  }
0x7d: {  	[tilespmem:$0x14530] =	vst v4  }
0x7e: {  	[tilespmem:$0x14540] =	vst v5  }
0x7f: {  	[tilespmem:$0x14550] =	vst v6  }
0x80: {  	[tilespmem:$0x14560] =	vst v7  }
0x81: {  	[tilespmem:$0x14570] =	vst v8  }
0x82: {  	[tilespmem:$0x14580] =	vst v9  }
0x83: {  	[tilespmem:$0x14590] =	vst v10  }
0x84: {  	[tilespmem:$0x145A0] =	vst v11  }
0x85: {  	[tilespmem:$0x145B0] =	vst v12  }
0x86: {  	[tilespmem:$0x145C0] =	vst v13  }
0x87: {  	[tilespmem:$0x145D0] =	vst v14  }
0x88: {  	[tilespmem:$0x145E0] =	vst v15  }
0x89: {  	[tilespmem:$0x145F0] =	vst v16  }
0x8a: {  	[tilespmem:$0x14600] =	vst v17  }
0x8b: {  	[tilespmem:$0x14610] =	vst v18  }
0x8c: {  	[tilespmem:$0x14620] =	vst v19  }
0x8d: {  	[tilespmem:$0x14630] =	vst v20  }
0x8e: {  	[tilespmem:$0x14640] =	vst v21  }
0x8f: {  	[tilespmem:$0x14650] =	vst v22  }
0x90: {  	[tilespmem:$0x14660] =	vst v23  }
0x91: {  	[tilespmem:$0x14670] =	vst v24  }
0x92: {  	[tilespmem:$0x14680] =	vst v25  }
0x93: {  	[tilespmem:$0x14690] =	vst v26  }
0x94: {  	[tilespmem:$0x146A0] =	vst v27  }
0x95: {  	[tilespmem:$0x146B0] =	vst v28  }
0x96: {  	[tilespmem:$0x146C0] =	vst v29  }
0x97: {  	[tilespmem:$0x146D0] =	vst v30  }
0x98: {  	[tilespmem:$0x146E0] =	vst v31  }
0x99: {  	[tilespmem:$0x146F0] =	vst v32  }
0x9a: {  	[tilespmem:$0x14700] =	vst v33  }
0x9b: {  	[tilespmem:$0x14710] =	vst v34  }
0x9c: {  	[tilespmem:$0x14720] =	vst v35  }
0x9d: {  	[tilespmem:$0x14730] =	vst v36  }
0x9e: {  	[tilespmem:$0x14740] =	vst v37  }
0x9f: {  	[tilespmem:$0x14750] =	vst v38  }
0xa0: {  	[tilespmem:$0x14760] =	vst v39  }
0xa1: {  	[tilespmem:$0x14770] =	vst v40  }
0xa2: {  	[bflag:$0x0] =	sbarrier.arrive $0xFFFF  }
0xa3: {  	_ =	strace $0x90000049  }
0xa4: {  	s0 =	simm.s32 $0x0;
	_ =	strace $0x8000004A  }
0xa5: {  	[tilespmem:s18], [sflag:$0x1] =	stream.indirect.gather [hbm4b:s5+s17], $0x20, s0, s17, $0x2000b8;
	[tilespmem:$0x14C80] =	vst v63  }
0xa6: {  	_ = 	snop  }
0xa7: {  	[tilespmem:s19], [sflag:$0x2] =	stream.indirect.gather [hbm4b:s5+s17], $0x20, s17, s17, $0x2000b8;
	[tilespmem:$0x14C80] =	vst v63  }
.LBB2_6:
0xa8: {  	p1 =	seq.s32 s0, $0x0  }
0xa9: {  	s14 =	simm.s32 @!p1 $0x6  }
0xaa: {  	_ =	swait.ge @!p1 [sflag:s14], $0x1000  }
0xab: {  	s1 =	sshra.s32 s0, $0x2;
	[sflag:s14] =	ssyncset.done @!p1 $0x0  }
0xac: {  	s28 =	sadd.s32 $0x100, s1;
	[sflag:s14] =	ssyncadd.s32 @!p1 $0xFFFFF000  }
0xad: {  	[tilespmem:s20], [sflag:$0x3] =	stream.indirect.gather [hbm4b:s5+s17], $0x20, s28, s17, $0x2000b8;
	[tilespmem:$0x14C80] =	vst v63  }
0xae: {  	_ =	swait.ge [sflag:s21], $0x1000  }
0xaf: {  	[sflag:s21] =	ssyncset.done $0x0  }
0xb0: {  	s29 =	sadd.s32 $0x2780, s1;
	[sflag:s21] =	ssyncadd.s32 $0xFFFFF000  }
0xb1: {  	[spmem:s2] =	stream.indirect.scatter.add.f32 [tilespmem:s18], [sflag:$0x4], $0x20, s29, s17, $0x2000b8;
	[tilespmem:$0x14C80] =	vst v63  }
0xb2: {  	v42 =	vld [tilespmem:s1+$0x2780];
	_ =	sdelay $0x7  }
0xb3: {  	[tilespmem:v42+s16+$0x0] =	vst.idx.add.f32.msk $0xffff, v41  }
0xb4: {  	v42 =	vld [tilespmem:s1+$0x2790];
	_ =	sdelay $0x7  }
0xb5: {  	[tilespmem:v42+s16+$0x0] =	vst.idx.add.f32.msk $0xffff, v41  }
0xb6: {  	v42 =	vld [tilespmem:s1+$0x27A0];
	_ =	sdelay $0x7  }
0xb7: {  	[tilespmem:v42+s16+$0x0] =	vst.idx.add.f32.msk $0xffff, v41  }
0xb8: {  	v42 =	vld [tilespmem:s1+$0x27B0];
	_ =	sdelay $0x7  }
0xb9: {  	[tilespmem:v42+s16+$0x0] =	vst.idx.add.f32.msk $0xffff, v41  }
0xba: {  	v42 =	vld [tilespmem:s1+$0x27C0];
	_ =	sdelay $0x7  }
0xbb: {  	[tilespmem:v42+s16+$0x0] =	vst.idx.add.f32.msk $0xffff, v41  }
0xbc: {  	v42 =	vld [tilespmem:s1+$0x27D0];
	_ =	sdelay $0x7  }
0xbd: {  	[tilespmem:v42+s16+$0x0] =	vst.idx.add.f32.msk $0xffff, v41  }
0xbe: {  	v42 =	vld [tilespmem:s1+$0x27E0];
	_ =	sdelay $0x7  }
0xbf: {  	[tilespmem:v42+s16+$0x0] =	vst.idx.add.f32.msk $0xffff, v41  }
0xc0: {  	v42 =	vld [tilespmem:s1+$0x27F0];
	_ =	sdelay $0x7  }
0xc1: {  	[tilespmem:v42+s16+$0x0] =	vst.idx.add.f32.msk $0xffff, v41  }
0xc2: {  	_ =	swait.ge [sflag:s22], $0x1000  }
0xc3: {  	[sflag:s22] =	ssyncset.done $0x0  }
0xc4: {  	s28 =	sadd.s32 $0x2800, s1;
	[sflag:s22] =	ssyncadd.s32 $0xFFFFF000  }
0xc5: {  	[spmem:s2] =	stream.indirect.scatter.add.f32 [tilespmem:s19], [sflag:$0x5], $0x20, s28, s17, $0x2000b8;
	[tilespmem:$0x14C80] =	vst v63  }
0xc6: {  	v62 =	vld [tilespmem:s1+$0x2800];
	_ =	sdelay $0x7  }
0xc7: {  	[tilespmem:v62+s16+$0x0] =	vst.idx.add.f32.msk $0xffff, v41  }
0xc8: {  	v42 =	vld [tilespmem:s1+$0x2810];
	_ =	sdelay $0x7  }
0xc9: {  	[tilespmem:v42+s16+$0x0] =	vst.idx.add.f32.msk $0xffff, v41  }
0xca: {  	v42 =	vld [tilespmem:s1+$0x2820];
	_ =	sdelay $0x7  }
0xcb: {  	[tilespmem:v42+s16+$0x0] =	vst.idx.add.f32.msk $0xffff, v41  }
0xcc: {  	v42 =	vld [tilespmem:s1+$0x2830];
	_ =	sdelay $0x7  }
0xcd: {  	[tilespmem:v42+s16+$0x0] =	vst.idx.add.f32.msk $0xffff, v41  }
0xce: {  	v42 =	vld [tilespmem:s1+$0x2840];
	_ =	sdelay $0x7  }
0xcf: {  	[tilespmem:v42+s16+$0x0] =	vst.idx.add.f32.msk $0xffff, v41  }
0xd0: {  	v42 =	vld [tilespmem:s1+$0x2850];
	_ =	sdelay $0x7  }
0xd1: {  	[tilespmem:v42+s16+$0x0] =	vst.idx.add.f32.msk $0xffff, v41  }
0xd2: {  	v42 =	vld [tilespmem:s1+$0x2860];
	_ =	sdelay $0x7  }
0xd3: {  	[tilespmem:v42+s16+$0x0] =	vst.idx.add.f32.msk $0xffff, v41  }
0xd4: {  	v42 =	vld [tilespmem:s1+$0x2870];
	_ =	sdelay $0x7  }
0xd5: {  	p1 =	seq.s32 s0, $0x9600;
	[tilespmem:v42+s16+$0x0] =	vst.idx.add.f32.msk $0xffff, v41  }
0xd6: {  	s14 =	sshra.s32 @!p1 s0, $0x2;
	_ =	swait.ge [sflag:s23], $0x1000  }
0xd7: {  	s14 =	sadd.s32 @!p1 $0x180, s14;
	[sflag:s23] =	ssyncset.done $0x0  }
0xd8: {  	s29 =	simm.s32 @!p1 $0x4F00;
	s28 =	simm.s32 @!p1 $0x80;
	[sflag:s23] =	ssyncadd.s32 $0xFFFFF000  }
0xd9: {  	[tilespmem:s29], [sflag:$0x1] =	stream.indirect.gather @!p1 [hbm4b:s5+s28], $0x20, s14, s28, $0x2000b8;
	[tilespmem:$0x14C80] =	vst v63  }
0xda: {  	_ =	swait.ge [sflag:s24], $0x1000  }
0xdb: {  	[sflag:s24] =	ssyncset.done $0x0  }
0xdc: {  	s29 =	sadd.s32 $0x2880, s1;
	[sflag:s24] =	ssyncadd.s32 $0xFFFFF000  }
0xdd: {  	[spmem:s2] =	stream.indirect.scatter.add.f32 [tilespmem:s20], [sflag:$0x6], $0x20, s29, s17, $0x2000b8;
	[tilespmem:$0x14C80] =	vst v63  }
0xde: {  	v63 =	vld [tilespmem:s1+$0x2880];
	_ =	sdelay $0x7  }
0xdf: {  	[tilespmem:v63+s16+$0x0] =	vst.idx.add.f32.msk $0xffff, v41  }
0xe0: {  	v42 =	vld [tilespmem:s1+$0x2890];
	_ =	sdelay $0x7  }
0xe1: {  	[tilespmem:v42+s16+$0x0] =	vst.idx.add.f32.msk $0xffff, v41  }
0xe2: {  	v42 =	vld [tilespmem:s1+$0x28A0];
	_ =	sdelay $0x7  }
0xe3: {  	[tilespmem:v42+s16+$0x0] =	vst.idx.add.f32.msk $0xffff, v41  }
0xe4: {  	v42 =	vld [tilespmem:s1+$0x28B0];
	_ =	sdelay $0x7  }
0xe5: {  	[tilespmem:v42+s16+$0x0] =	vst.idx.add.f32.msk $0xffff, v41  }
0xe6: {  	v42 =	vld [tilespmem:s1+$0x28C0];
	_ =	sdelay $0x7  }
0xe7: {  	[tilespmem:v42+s16+$0x0] =	vst.idx.add.f32.msk $0xffff, v41  }
0xe8: {  	v42 =	vld [tilespmem:s1+$0x28D0];
	_ =	sdelay $0x7  }
0xe9: {  	[tilespmem:v42+s16+$0x0] =	vst.idx.add.f32.msk $0xffff, v41  }
0xea: {  	v42 =	vld [tilespmem:s1+$0x28E0];
	_ =	sdelay $0x7  }
0xeb: {  	[tilespmem:v42+s16+$0x0] =	vst.idx.add.f32.msk $0xffff, v41  }
0xec: {  	v42 =	vld [tilespmem:s1+$0x28F0];
	_ =	sdelay $0x6  }
.Ltmp4:
0xed: {  	_ = 	snop;
	(pc) =	sbr.rel @p1 .LBB2_8-.Ltmp4, $4  }
0xee: {  	[tilespmem:v42+s16+$0x0] =	vst.idx.add.f32.msk $0xffff, v41  }
0xef: {  	_ =	swait.ge [sflag:s25], $0x1000  }
0xf0: {  	[sflag:s25] =	ssyncset.done $0x0  }
0xf1: {  	[sflag:s25] =	ssyncadd.s32 $0xFFFFF000  }
.Ltmp5:
0xf2: {  	(pc) =	sbr.rel .LBB2_6-.Ltmp5, $3  }
0xf3: {  	_ =	sdelay $0x1  }
0xf4: {  	s1 =	sadd.s32 $0x200, s1;
	s0 =	sadd.s32 $0x600, s0  }
0xf5: {  	[tilespmem:s19], [sflag:$0x2] =	stream.indirect.gather [hbm4b:s5+s17], $0x20, s1, s17, $0x2000b8;
	[tilespmem:$0x14C80] =	vst v63  }
.LBB2_9:
0xf6: {  	_ =	sfence.sel $0x180000  }
0xf7: {  	[bflag:$0x0] =	sbarrier.arrive $0xFFFF  }
0xf8: {  	_ =	strace $0x90000047  }
0xf9: {  	s0 =	stileid.u32;
	[bflag:$0x2] =	sbarrier.arrive $0xFFFF  }
0xfa: {  	p0 =	sne.s32 s0, $0x0;
	s0 =	rddreg [dreg:$0x4]  }
0xfb: {  	s0 =	sadd.s32 @!p0 $0x100000, s0  }
0xfc: {  	[sflag:s0] =	ssyncadd.tile.s32 @!p0 $0x1;
	_ =	shalt  }
.Lfunc_end2:
_tile_overlayer_lowered:
.L_overlay_start_2:
0xfd: {  	(tag) =	ssettag $0x2  }
0xfe: {  	s0 =	rddreg [dreg:$0x0];
	s2 =	stileid.u32  }
0xff: {  	s1 =	rddreg [dreg:$0x1];
	p0 =	sne.s32 s2, $0x0  }
0x100: {  	s3 =	rddreg [dreg:$0x2];
	[bflag:$0x3] =	sbarrier.arrive $0xFFFF;
	s2 =	simm.s32 @!p0 $0x1C07  }
0x101: {  	[timem:s3], [sflag:s2] =	dma.local @!p0 [hbm:s0], s1  }
0x102: {  	s0 =	simm.s32 @!p0 $0x7  }
0x103: {  	_ =	swait.ge @!p0 [sflag:s0], s1  }
0x104: {  	s1 =	ssub.s32 @!p0 $0x0, s1;
	[sflag:s0] =	ssyncset.done @!p0 $0x0  }
0x105: {  	[sflag:s0] =	ssyncadd.s32 @!p0 s1  }
0x106: {  	[bflag:$0x3] =	sbarrier.arrive $0xFFFF  }
0x107: {  	_ =	shalt  }

</sc_bundles>
